<compile_context>
chip_gen: v7x
topology: tpu7x:2x2x1
jax: 0.10.2.dev20260603
libtpu: 0.0.44.dev20260713+nightly
codegen_flags: <defaults>
</compile_context>

<pallas_src>
import functools

import jax
import jax.numpy as jnp
import numpy as np
from jax import lax
from jax.experimental import pallas as pl
from jax.experimental.pallas import tpu as pltpu
from jax.experimental.pallas import tpu_sc as plsc

H = 128
L = 16
NC, NS = 2, 16
NW = NC * NS
C = 128
NBUF = 4

_BLK = np.empty(32, np.int64)
_BLK[0::2] = np.arange(16)
_BLK[1::2] = np.arange(16, 32)
_PERM = np.concatenate([32 * k + _BLK for k in range(H // 32)])


def _emb_body(nchunk, wid_hbm, pid_hbm, tid_hbm, wtab_hbm, ftab_hbm, out_hbm,
              widx_v, pidx_v, fidx_v, obuf_v, ftab_v, sem_g, sem_o):
    w = lax.axis_index("s") * NC + lax.axis_index("c")
    npw = nchunk * C
    base = w * npw

    pltpu.sync_copy(wid_hbm.at[pl.ds(base, npw)], widx_v)
    pltpu.sync_copy(pid_hbm.at[pl.ds(base, npw)], pidx_v)
    pltpu.sync_copy(tid_hbm.at[pl.ds(base, npw)], fidx_v)
    pltpu.sync_copy(ftab_hbm, ftab_v)

    def fid_body(q, _):
        s = pl.ds(q * L, L)
        fidx_v[s] = pidx_v[s] * 2 + fidx_v[s]
        return 0
    lax.fori_loop(0, npw // L, fid_body, 0, unroll=8)

    def issue_gather(g):
        boff = lax.bitwise_and(g, NBUF - 1) * C
        s = pl.ds(g * C, C)
        d = pl.ds(boff, C)
        pltpu.async_copy(wtab_hbm.at[widx_v.at[s]], obuf_v.at[d], sem_g)

    def wait_gathers():
        pltpu.make_async_copy(wtab_hbm.at[pl.ds(0, C)], obuf_v.at[pl.ds(0, C)],
                              sem_g).wait()

    def wait_out():
        pltpu.make_async_copy(obuf_v.at[pl.ds(0, C)], out_hbm.at[pl.ds(base, C)],
                              sem_o).wait()

    issue_gather(0)
    issue_gather(1)

    def chunk_body(g, _):
        boff = lax.bitwise_and(g, NBUF - 1) * C

        @pl.when(g + 2 < nchunk)
        def _prefetch():
            @pl.when(g + 2 >= NBUF)
            def _():
                wait_out()
            issue_gather(g + 2)

        wait_gathers()

        def add_body(t, _):
            fvec = fidx_v[pl.ds(g * C + t * L, L)]
            for j in range(L):
                r = boff + t * L + j
                f = fvec[j]
                for k in range(H // 32):
                    y = ftab_v[f, pl.ds(L * k, L)]
                    a = lax.bitcast_convert_type(lax.shift_left(y, 16),
                                                 jnp.float32)
                    b = lax.bitcast_convert_type(
                        lax.bitwise_and(y, jnp.int32(-65536)), jnp.float32)
                    plsc.addupdate(obuf_v.at[r, pl.ds(32 * k, L)], a)
                    plsc.addupdate(obuf_v.at[r, pl.ds(32 * k + L, L)], b)
            return 0
        lax.fori_loop(0, C // L, add_body, 0)

        pltpu.async_copy(obuf_v.at[pl.ds(boff, C)],
                         out_hbm.at[pl.ds(base + g * C, C)], sem_o)
        return 0

    lax.fori_loop(0, nchunk, chunk_body, 0)

    for _ in range(min(NBUF, nchunk)):
        wait_out()


def kernel(input_ids, token_type_ids, position_ids, word_embeddings,
           position_embeddings, token_type_embeddings):
    B, S = input_ids.shape
    n = B * S
    assert n % (NW * C) == 0
    nchunk = n // (NW * C)

    max_pos, h = position_embeddings.shape
    tvocab = token_type_embeddings.shape[0]
    assert h == H and tvocab == 2 and S <= max_pos

    nfrow = S * tvocab
    fused_tab = (position_embeddings[:S, None, :]
                 + token_type_embeddings[None, :, :]).reshape(nfrow, H)
    fused_tab = fused_tab.astype(jnp.bfloat16)[:, _PERM]
    fused_tab = lax.bitcast_convert_type(
        fused_tab.reshape(nfrow, H // 2, 2), jnp.int32)

    wid = input_ids.reshape(n).astype(jnp.int32)
    pid = position_ids.reshape(n).astype(jnp.int32)
    tid = token_type_ids.reshape(n).astype(jnp.int32)

    mesh = plsc.VectorSubcoreMesh(core_axis_name="c", subcore_axis_name="s",
                                  num_cores=NC, num_subcores=NS)
    npw = n // NW
    run = pl.kernel(
        functools.partial(_emb_body, nchunk),
        out_type=jax.ShapeDtypeStruct((n, H), jnp.float32),
        mesh=mesh,
        compiler_params=pltpu.CompilerParams(use_tc_tiling_on_sc=False),
        scratch_types=[
            pltpu.VMEM((npw,), jnp.int32),
            pltpu.VMEM((npw,), jnp.int32),
            pltpu.VMEM((npw,), jnp.int32),
            pltpu.VMEM((NBUF * C, H), jnp.float32),
            pltpu.VMEM((S * tvocab, H // 2), jnp.int32),
            pltpu.SemaphoreType.DMA,
            pltpu.SemaphoreType.DMA,
        ],
    )
    out = run(wid, pid, tid, word_embeddings, fused_tab)
    return out.reshape(B, S, H)

# --- scband reference (transcript-rebuilt; emitter-appended) ---
"""Pipeline reference for scband-transformer-embeddings-32607391711364 (READ-ONLY COPY).

The authoritative reference and input builder live on the scoring server;
editing this copy changes nothing except your own understanding.
"""

import jax, jax.numpy as jnp
import numpy as np

VOCAB = 100000
HIDDEN = 128
MAX_POS = 512
TYPE_VOCAB = 2
B, S = 1024, 200

def setup_inputs(seed: int = 0) -> dict:
    key = jax.random.key(seed)
    k1, k2, k3, k4, k5, k6 = jax.random.split(key, 6)
    input_ids = jax.random.randint(k1, (B, S), 0, VOCAB)
    token_type_ids = jax.random.randint(k2, (B, S), 0, TYPE_VOCAB)
    position_ids = jax.random.randint(k3, (B, S), 0, S)
    word_embeddings = jax.random.normal(k4, (VOCAB, HIDDEN), dtype=jnp.float32) * 0.02
    word_embeddings = word_embeddings.at[0].set(0.0)  # padding_idx=0
    position_embeddings = jax.random.normal(k5, (MAX_POS, HIDDEN), dtype=jnp.float32) * 0.02
    token_type_embeddings = jax.random.normal(k6, (TYPE_VOCAB, HIDDEN), dtype=jnp.float32) * 0.02
    return {
        "input_ids": input_ids,
        "token_type_ids": token_type_ids,
        "position_ids": position_ids,
        "word_embeddings": word_embeddings,
        "position_embeddings": position_embeddings,
        "token_type_embeddings": token_type_embeddings,
    }

def reference(input_ids, token_type_ids, position_ids, word_embeddings, position_embeddings, token_type_embeddings):
    inputs_embeds = jnp.take(word_embeddings, input_ids, axis=0)
    pos_embeds = jnp.take(position_embeddings, position_ids, axis=0)
    type_embeds = jnp.take(token_type_embeddings, token_type_ids, axis=0)
    embeddings = inputs_embeds + pos_embeds + type_embeds
    # dropout is identity in eval mode
    return embeddings

if __name__ == "__main__":
    import jax
    _d = setup_inputs()
    print(jax.jit(kernel)(*tuple(_d.values())))

</pallas_src>

<mosaic_0001>
#map = affine_map<(d0, d1) -> (0)>
#map1 = affine_map<(d0, d1) -> (0, 0)>
module attributes {stable_mosaic.version = 14 : i64} {
  func.func @_emb_body(%arg0: i32, %arg1: i32, %arg2: memref<204800xi32, #tpu.memory_space<hbm>>, %arg3: memref<204800xi32, #tpu.memory_space<hbm>>, %arg4: memref<204800xi32, #tpu.memory_space<hbm>>, %arg5: memref<100000x128xf32, #tpu.memory_space<hbm>>, %arg6: memref<400x64xi32, #tpu.memory_space<hbm>>, %arg7: memref<204800x128xf32, #tpu.memory_space<hbm>>, %arg8: memref<6400xi32, #tpu.memory_space<vmem>>, %arg9: memref<6400xi32, #tpu.memory_space<vmem>>, %arg10: memref<6400xi32, #tpu.memory_space<vmem>>, %arg11: memref<512x128xf32, #tpu.memory_space<vmem>>, %arg12: memref<400x64xi32, #tpu.memory_space<vmem>>, %arg13: memref<!tpu.dma_semaphore, #tpu.memory_space<semaphore_mem>>, %arg14: memref<!tpu.dma_semaphore, #tpu.memory_space<semaphore_mem>>) attributes {dimension_semantics = [#tpu.dimension_semantics<core_parallel>, #tpu.dimension_semantics<subcore_parallel>], iteration_bounds = array<i64: 2, 16>, scalar_prefetch = 0 : i64, scratch_operands = 7 : i64, tpu.core_type = #tpu.core_type<sc_vector_subcore>, window_params = [{transform_indices = #map}, {transform_indices = #map}, {transform_indices = #map}, {transform_indices = #map1}, {transform_indices = #map1}, {transform_indices = #map1}]} {
    %mul3A = arith.constant 2 : i32
    %mul3A_0 = arith.muli %arg1, %mul3A : i32
    %add3A = arith.addi %mul3A_0, %arg0 : i32
    %mul3A_1 = arith.constant 6400 : i32
    %mul3A_2 = arith.muli %add3A, %mul3A_1 : i32
    "tpu.region"() ({
      %run_scoped3A = tpu.sem_alloc : memref<!tpu.dma_semaphore, #tpu.memory_space<semaphore_mem>>
      %dma_start3A_77 = tpu.memref_slice %arg2[%mul3A_2] : memref<204800xi32, #tpu.memory_space<hbm>> -> memref<6400xi32, #tpu.memory_space<hbm>>
      %dma_start3A_78 = tpu.memref_slice %arg2[%mul3A_2] : memref<204800xi32, #tpu.memory_space<hbm>> -> memref<6400xi32, #tpu.memory_space<hbm>>
      tpu.enqueue_dma source(%dma_start3A_78 : memref<6400xi32, #tpu.memory_space<hbm>>) target(%arg8 : memref<6400xi32, #tpu.memory_space<vmem>>) target_semaphore(%run_scoped3A : memref<!tpu.dma_semaphore, #tpu.memory_space<semaphore_mem>>)
      %dma_wait3A_79 = tpu.memref_slice %arg2[%mul3A_2] : memref<204800xi32, #tpu.memory_space<hbm>> -> memref<6400xi32, #tpu.memory_space<hbm>>
      %dma_wait3A_80 = tpu.memref_slice %arg2[%mul3A_2] : memref<204800xi32, #tpu.memory_space<hbm>> -> memref<6400xi32, #tpu.memory_space<hbm>>
      tpu.wait_dma2 semaphore(%run_scoped3A : memref<!tpu.dma_semaphore, #tpu.memory_space<semaphore_mem>>) src(%dma_wait3A_80 : memref<6400xi32, #tpu.memory_space<hbm>>) dst(%arg8 : memref<6400xi32, #tpu.memory_space<vmem>>)
      tpu.yield
    }) : () -> ()
    "tpu.region"() ({
      %run_scoped3A = tpu.sem_alloc : memref<!tpu.dma_semaphore, #tpu.memory_space<semaphore_mem>>
      %dma_start3A_77 = tpu.memref_slice %arg3[%mul3A_2] : memref<204800xi32, #tpu.memory_space<hbm>> -> memref<6400xi32, #tpu.memory_space<hbm>>
      %dma_start3A_78 = tpu.memref_slice %arg3[%mul3A_2] : memref<204800xi32, #tpu.memory_space<hbm>> -> memref<6400xi32, #tpu.memory_space<hbm>>
      tpu.enqueue_dma source(%dma_start3A_78 : memref<6400xi32, #tpu.memory_space<hbm>>) target(%arg9 : memref<6400xi32, #tpu.memory_space<vmem>>) target_semaphore(%run_scoped3A : memref<!tpu.dma_semaphore, #tpu.memory_space<semaphore_mem>>)
      %dma_wait3A_79 = tpu.memref_slice %arg3[%mul3A_2] : memref<204800xi32, #tpu.memory_space<hbm>> -> memref<6400xi32, #tpu.memory_space<hbm>>
      %dma_wait3A_80 = tpu.memref_slice %arg3[%mul3A_2] : memref<204800xi32, #tpu.memory_space<hbm>> -> memref<6400xi32, #tpu.memory_space<hbm>>
      tpu.wait_dma2 semaphore(%run_scoped3A : memref<!tpu.dma_semaphore, #tpu.memory_space<semaphore_mem>>) src(%dma_wait3A_80 : memref<6400xi32, #tpu.memory_space<hbm>>) dst(%arg9 : memref<6400xi32, #tpu.memory_space<vmem>>)
      tpu.yield
    }) : () -> ()
    "tpu.region"() ({
      %run_scoped3A = tpu.sem_alloc : memref<!tpu.dma_semaphore, #tpu.memory_space<semaphore_mem>>
      %dma_start3A_77 = tpu.memref_slice %arg4[%mul3A_2] : memref<204800xi32, #tpu.memory_space<hbm>> -> memref<6400xi32, #tpu.memory_space<hbm>>
      %dma_start3A_78 = tpu.memref_slice %arg4[%mul3A_2] : memref<204800xi32, #tpu.memory_space<hbm>> -> memref<6400xi32, #tpu.memory_space<hbm>>
      tpu.enqueue_dma source(%dma_start3A_78 : memref<6400xi32, #tpu.memory_space<hbm>>) target(%arg10 : memref<6400xi32, #tpu.memory_space<vmem>>) target_semaphore(%run_scoped3A : memref<!tpu.dma_semaphore, #tpu.memory_space<semaphore_mem>>)
      %dma_wait3A_79 = tpu.memref_slice %arg4[%mul3A_2] : memref<204800xi32, #tpu.memory_space<hbm>> -> memref<6400xi32, #tpu.memory_space<hbm>>
      %dma_wait3A_80 = tpu.memref_slice %arg4[%mul3A_2] : memref<204800xi32, #tpu.memory_space<hbm>> -> memref<6400xi32, #tpu.memory_space<hbm>>
      tpu.wait_dma2 semaphore(%run_scoped3A : memref<!tpu.dma_semaphore, #tpu.memory_space<semaphore_mem>>) src(%dma_wait3A_80 : memref<6400xi32, #tpu.memory_space<hbm>>) dst(%arg10 : memref<6400xi32, #tpu.memory_space<vmem>>)
      tpu.yield
    }) : () -> ()
    "tpu.region"() ({
      %run_scoped3A = tpu.sem_alloc : memref<!tpu.dma_semaphore, #tpu.memory_space<semaphore_mem>>
      tpu.enqueue_dma source(%arg6 : memref<400x64xi32, #tpu.memory_space<hbm>>) target(%arg12 : memref<400x64xi32, #tpu.memory_space<vmem>>) target_semaphore(%run_scoped3A : memref<!tpu.dma_semaphore, #tpu.memory_space<semaphore_mem>>)
      tpu.wait_dma2 semaphore(%run_scoped3A : memref<!tpu.dma_semaphore, #tpu.memory_space<semaphore_mem>>) src(%arg6 : memref<400x64xi32, #tpu.memory_space<hbm>>) dst(%arg12 : memref<400x64xi32, #tpu.memory_space<vmem>>)
      tpu.yield
    }) : () -> ()
    %scan3A = arith.constant 0 : i32
    %scan3A_3 = arith.constant 0 : i32
    %scan3A_4 = arith.constant 400 : i32
    %scan3A_5 = arith.addi %scan3A_3, %scan3A_4 : i32
    %scan3A_6 = arith.constant 8 : i32
    %scan3A_7 = scf.for %scan3A_77 = %scan3A_3 to %scan3A_5 step %scan3A_6 iter_args(%scan3A_78 = %scan3A) -> (i32)  : i32 {
      %mul3A_79 = arith.constant 16 : i32
      %mul3A_80 = arith.muli %scan3A_77, %mul3A_79 : i32
      %get3A = arith.index_cast %mul3A_80 : i32 to index
      %get3A_81 = tpu.vector_load %arg9[%get3A] {strides = array<i32>} : memref<6400xi32, #tpu.memory_space<vmem>>, vector<16xi32>,
      %get3A_82 = vector.shape_cast %get3A_81 : vector<16xi32> to vector<16xi32>
      %mul3A_83 = arith.constant 2 : i32
      %mul3A_84 = vector.broadcast %mul3A_83 : i32 to vector<16xi32>
      %mul3A_85 = arith.muli %get3A_82, %mul3A_84 : vector<16xi32>
      %get3A_86 = arith.index_cast %mul3A_80 : i32 to index
      %get3A_87 = tpu.vector_load %arg10[%get3A_86] {strides = array<i32>} : memref<6400xi32, #tpu.memory_space<vmem>>, vector<16xi32>,
      %get3A_88 = vector.shape_cast %get3A_87 : vector<16xi32> to vector<16xi32>
      %add3A_89 = arith.addi %mul3A_85, %get3A_88 : vector<16xi32>
      %swap3A = arith.index_cast %mul3A_80 : i32 to index
      %swap3A_90 = tpu.vector_load %arg10[%swap3A] {strides = array<i32>} : memref<6400xi32, #tpu.memory_space<vmem>>, vector<16xi32>,
      %swap3A_91 = vector.shape_cast %swap3A_90 : vector<16xi32> to vector<16xi32>
      %swap3A_92 = vector.shape_cast %add3A_89 : vector<16xi32> to vector<16xi32>
      tpu.vector_store %arg10[%swap3A], %swap3A_92 {strides = array<i32>} : memref<6400xi32, #tpu.memory_space<vmem>>, vector<16xi32>,
      %scan3A_93 = arith.constant 0 : i32
      %scan3A_94 = arith.constant 1 : i32
      %scan3A_95 = arith.addi %scan3A_77, %scan3A_94 : i32
      %mul3A_96 = arith.constant 16 : i32
      %mul3A_97 = arith.muli %scan3A_95, %mul3A_96 : i32
      %get3A_98 = arith.index_cast %mul3A_97 : i32 to index
      %get3A_99 = tpu.vector_load %arg9[%get3A_98] {strides = array<i32>} : memref<6400xi32, #tpu.memory_space<vmem>>, vector<16xi32>,
      %get3A_100 = vector.shape_cast %get3A_99 : vector<16xi32> to vector<16xi32>
      %mul3A_101 = arith.constant 2 : i32
      %mul3A_102 = vector.broadcast %mul3A_101 : i32 to vector<16xi32>
      %mul3A_103 = arith.muli %get3A_100, %mul3A_102 : vector<16xi32>
      %get3A_104 = arith.index_cast %mul3A_97 : i32 to index
      %get3A_105 = tpu.vector_load %arg10[%get3A_104] {strides = array<i32>} : memref<6400xi32, #tpu.memory_space<vmem>>, vector<16xi32>,
      %get3A_106 = vector.shape_cast %get3A_105 : vector<16xi32> to vector<16xi32>
      %add3A_107 = arith.addi %mul3A_103, %get3A_106 : vector<16xi32>
      %swap3A_108 = arith.index_cast %mul3A_97 : i32 to index
      %swap3A_109 = tpu.vector_load %arg10[%swap3A_108] {strides = array<i32>} : memref<6400xi32, #tpu.memory_space<vmem>>, vector<16xi32>,
      %swap3A_110 = vector.shape_cast %swap3A_109 : vector<16xi32> to vector<16xi32>
      %swap3A_111 = vector.shape_cast %add3A_107 : vector<16xi32> to vector<16xi32>
      tpu.vector_store %arg10[%swap3A_108], %swap3A_111 {strides = array<i32>} : memref<6400xi32, #tpu.memory_space<vmem>>, vector<16xi32>,
      %scan3A_112 = arith.constant 0 : i32
      %scan3A_113 = arith.constant 2 : i32
      %scan3A_114 = arith.addi %scan3A_77, %scan3A_113 : i32
      %mul3A_115 = arith.constant 16 : i32
      %mul3A_116 = arith.muli %scan3A_114, %mul3A_115 : i32
      %get3A_117 = arith.index_cast %mul3A_116 : i32 to index
      %get3A_118 = tpu.vector_load %arg9[%get3A_117] {strides = array<i32>} : memref<6400xi32, #tpu.memory_space<vmem>>, vector<16xi32>,
      %get3A_119 = vector.shape_cast %get3A_118 : vector<16xi32> to vector<16xi32>
      %mul3A_120 = arith.constant 2 : i32
      %mul3A_121 = vector.broadcast %mul3A_120 : i32 to vector<16xi32>
      %mul3A_122 = arith.muli %get3A_119, %mul3A_121 : vector<16xi32>
      %get3A_123 = arith.index_cast %mul3A_116 : i32 to index
      %get3A_124 = tpu.vector_load %arg10[%get3A_123] {strides = array<i32>} : memref<6400xi32, #tpu.memory_space<vmem>>, vector<16xi32>,
      %get3A_125 = vector.shape_cast %get3A_124 : vector<16xi32> to vector<16xi32>
      %add3A_126 = arith.addi %mul3A_122, %get3A_125 : vector<16xi32>
      %swap3A_127 = arith.index_cast %mul3A_116 : i32 to index
      %swap3A_128 = tpu.vector_load %arg10[%swap3A_127] {strides = array<i32>} : memref<6400xi32, #tpu.memory_space<vmem>>, vector<16xi32>,
      %swap3A_129 = vector.shape_cast %swap3A_128 : vector<16xi32> to vector<16xi32>
      %swap3A_130 = vector.shape_cast %add3A_126 : vector<16xi32> to vector<16xi32>
      tpu.vector_store %arg10[%swap3A_127], %swap3A_130 {strides = array<i32>} : memref<6400xi32, #tpu.memory_space<vmem>>, vector<16xi32>,
      %scan3A_131 = arith.constant 0 : i32
      %scan3A_132 = arith.constant 3 : i32
      %scan3A_133 = arith.addi %scan3A_77, %scan3A_132 : i32
      %mul3A_134 = arith.constant 16 : i32
      %mul3A_135 = arith.muli %scan3A_133, %mul3A_134 : i32
      %get3A_136 = arith.index_cast %mul3A_135 : i32 to index
      %get3A_137 = tpu.vector_load %arg9[%get3A_136] {strides = array<i32>} : memref<6400xi32, #tpu.memory_space<vmem>>, vector<16xi32>,
      %get3A_138 = vector.shape_cast %get3A_137 : vector<16xi32> to vector<16xi32>
      %mul3A_139 = arith.constant 2 : i32
      %mul3A_140 = vector.broadcast %mul3A_139 : i32 to vector<16xi32>
      %mul3A_141 = arith.muli %get3A_138, %mul3A_140 : vector<16xi32>
      %get3A_142 = arith.index_cast %mul3A_135 : i32 to index
      %get3A_143 = tpu.vector_load %arg10[%get3A_142] {strides = array<i32>} : memref<6400xi32, #tpu.memory_space<vmem>>, vector<16xi32>,
      %get3A_144 = vector.shape_cast %get3A_143 : vector<16xi32> to vector<16xi32>
      %add3A_145 = arith.addi %mul3A_141, %get3A_144 : vector<16xi32>
      %swap3A_146 = arith.index_cast %mul3A_135 : i32 to index
      %swap3A_147 = tpu.vector_load %arg10[%swap3A_146] {strides = array<i32>} : memref<6400xi32, #tpu.memory_space<vmem>>, vector<16xi32>,
      %swap3A_148 = vector.shape_cast %swap3A_147 : vector<16xi32> to vector<16xi32>
      %swap3A_149 = vector.shape_cast %add3A_145 : vector<16xi32> to vector<16xi32>
      tpu.vector_store %arg10[%swap3A_146], %swap3A_149 {strides = array<i32>} : memref<6400xi32, #tpu.memory_space<vmem>>, vector<16xi32>,
      %scan3A_150 = arith.constant 0 : i32
      %scan3A_151 = arith.constant 4 : i32
      %scan3A_152 = arith.addi %scan3A_77, %scan3A_151 : i32
      %mul3A_153 = arith.constant 16 : i32
      %mul3A_154 = arith.muli %scan3A_152, %mul3A_153 : i32
      %get3A_155 = arith.index_cast %mul3A_154 : i32 to index
      %get3A_156 = tpu.vector_load %arg9[%get3A_155] {strides = array<i32>} : memref<6400xi32, #tpu.memory_space<vmem>>, vector<16xi32>,
      %get3A_157 = vector.shape_cast %get3A_156 : vector<16xi32> to vector<16xi32>
      %mul3A_158 = arith.constant 2 : i32
      %mul3A_159 = vector.broadcast %mul3A_158 : i32 to vector<16xi32>
      %mul3A_160 = arith.muli %get3A_157, %mul3A_159 : vector<16xi32>
      %get3A_161 = arith.index_cast %mul3A_154 : i32 to index
      %get3A_162 = tpu.vector_load %arg10[%get3A_161] {strides = array<i32>} : memref<6400xi32, #tpu.memory_space<vmem>>, vector<16xi32>,
      %get3A_163 = vector.shape_cast %get3A_162 : vector<16xi32> to vector<16xi32>
      %add3A_164 = arith.addi %mul3A_160, %get3A_163 : vector<16xi32>
      %swap3A_165 = arith.index_cast %mul3A_154 : i32 to index
      %swap3A_166 = tpu.vector_load %arg10[%swap3A_165] {strides = array<i32>} : memref<6400xi32, #tpu.memory_space<vmem>>, vector<16xi32>,
      %swap3A_167 = vector.shape_cast %swap3A_166 : vector<16xi32> to vector<16xi32>
      %swap3A_168 = vector.shape_cast %add3A_164 : vector<16xi32> to vector<16xi32>
      tpu.vector_store %arg10[%swap3A_165], %swap3A_168 {strides = array<i32>} : memref<6400xi32, #tpu.memory_space<vmem>>, vector<16xi32>,
      %scan3A_169 = arith.constant 0 : i32
      %scan3A_170 = arith.constant 5 : i32
      %scan3A_171 = arith.addi %scan3A_77, %scan3A_170 : i32
      %mul3A_172 = arith.constant 16 : i32
      %mul3A_173 = arith.muli %scan3A_171, %mul3A_172 : i32
      %get3A_174 = arith.index_cast %mul3A_173 : i32 to index
      %get3A_175 = tpu.vector_load %arg9[%get3A_174] {strides = array<i32>} : memref<6400xi32, #tpu.memory_space<vmem>>, vector<16xi32>,
      %get3A_176 = vector.shape_cast %get3A_175 : vector<16xi32> to vector<16xi32>
      %mul3A_177 = arith.constant 2 : i32
      %mul3A_178 = vector.broadcast %mul3A_177 : i32 to vector<16xi32>
      %mul3A_179 = arith.muli %get3A_176, %mul3A_178 : vector<16xi32>
      %get3A_180 = arith.index_cast %mul3A_173 : i32 to index
      %get3A_181 = tpu.vector_load %arg10[%get3A_180] {strides = array<i32>} : memref<6400xi32, #tpu.memory_space<vmem>>, vector<16xi32>,
      %get3A_182 = vector.shape_cast %get3A_181 : vector<16xi32> to vector<16xi32>
      %add3A_183 = arith.addi %mul3A_179, %get3A_182 : vector<16xi32>
      %swap3A_184 = arith.index_cast %mul3A_173 : i32 to index
      %swap3A_185 = tpu.vector_load %arg10[%swap3A_184] {strides = array<i32>} : memref<6400xi32, #tpu.memory_space<vmem>>, vector<16xi32>,
      %swap3A_186 = vector.shape_cast %swap3A_185 : vector<16xi32> to vector<16xi32>
      %swap3A_187 = vector.shape_cast %add3A_183 : vector<16xi32> to vector<16xi32>
      tpu.vector_store %arg10[%swap3A_184], %swap3A_187 {strides = array<i32>} : memref<6400xi32, #tpu.memory_space<vmem>>, vector<16xi32>,
      %scan3A_188 = arith.constant 0 : i32
      %scan3A_189 = arith.constant 6 : i32
      %scan3A_190 = arith.addi %scan3A_77, %scan3A_189 : i32
      %mul3A_191 = arith.constant 16 : i32
      %mul3A_192 = arith.muli %scan3A_190, %mul3A_191 : i32
      %get3A_193 = arith.index_cast %mul3A_192 : i32 to index
      %get3A_194 = tpu.vector_load %arg9[%get3A_193] {strides = array<i32>} : memref<6400xi32, #tpu.memory_space<vmem>>, vector<16xi32>,
      %get3A_195 = vector.shape_cast %get3A_194 : vector<16xi32> to vector<16xi32>
      %mul3A_196 = arith.constant 2 : i32
      %mul3A_197 = vector.broadcast %mul3A_196 : i32 to vector<16xi32>
      %mul3A_198 = arith.muli %get3A_195, %mul3A_197 : vector<16xi32>
      %get3A_199 = arith.index_cast %mul3A_192 : i32 to index
      %get3A_200 = tpu.vector_load %arg10[%get3A_199] {strides = array<i32>} : memref<6400xi32, #tpu.memory_space<vmem>>, vector<16xi32>,
      %get3A_201 = vector.shape_cast %get3A_200 : vector<16xi32> to vector<16xi32>
      %add3A_202 = arith.addi %mul3A_198, %get3A_201 : vector<16xi32>
      %swap3A_203 = arith.index_cast %mul3A_192 : i32 to index
      %swap3A_204 = tpu.vector_load %arg10[%swap3A_203] {strides = array<i32>} : memref<6400xi32, #tpu.memory_space<vmem>>, vector<16xi32>,
      %swap3A_205 = vector.shape_cast %swap3A_204 : vector<16xi32> to vector<16xi32>
      %swap3A_206 = vector.shape_cast %add3A_202 : vector<16xi32> to vector<16xi32>
      tpu.vector_store %arg10[%swap3A_203], %swap3A_206 {strides = array<i32>} : memref<6400xi32, #tpu.memory_space<vmem>>, vector<16xi32>,
      %scan3A_207 = arith.constant 0 : i32
      %scan3A_208 = arith.constant 7 : i32
      %scan3A_209 = arith.addi %scan3A_77, %scan3A_208 : i32
      %mul3A_210 = arith.constant 16 : i32
      %mul3A_211 = arith.muli %scan3A_209, %mul3A_210 : i32
      %get3A_212 = arith.index_cast %mul3A_211 : i32 to index
      %get3A_213 = tpu.vector_load %arg9[%get3A_212] {strides = array<i32>} : memref<6400xi32, #tpu.memory_space<vmem>>, vector<16xi32>,
      %get3A_214 = vector.shape_cast %get3A_213 : vector<16xi32> to vector<16xi32>
      %mul3A_215 = arith.constant 2 : i32
      %mul3A_216 = vector.broadcast %mul3A_215 : i32 to vector<16xi32>
      %mul3A_217 = arith.muli %get3A_214, %mul3A_216 : vector<16xi32>
      %get3A_218 = arith.index_cast %mul3A_211 : i32 to index
      %get3A_219 = tpu.vector_load %arg10[%get3A_218] {strides = array<i32>} : memref<6400xi32, #tpu.memory_space<vmem>>, vector<16xi32>,
      %get3A_220 = vector.shape_cast %get3A_219 : vector<16xi32> to vector<16xi32>
      %add3A_221 = arith.addi %mul3A_217, %get3A_220 : vector<16xi32>
      %swap3A_222 = arith.index_cast %mul3A_211 : i32 to index
      %swap3A_223 = tpu.vector_load %arg10[%swap3A_222] {strides = array<i32>} : memref<6400xi32, #tpu.memory_space<vmem>>, vector<16xi32>,
      %swap3A_224 = vector.shape_cast %swap3A_223 : vector<16xi32> to vector<16xi32>
      %swap3A_225 = vector.shape_cast %add3A_221 : vector<16xi32> to vector<16xi32>
      tpu.vector_store %arg10[%swap3A_222], %swap3A_225 {strides = array<i32>} : memref<6400xi32, #tpu.memory_space<vmem>>, vector<16xi32>,
      %scan3A_226 = arith.constant 0 : i32
      scf.yield %scan3A_226 : i32
    }
    %scan3A_8 = arith.constant 400 : i32
    %and3A = arith.constant 0 : i32
    %and3A_9 = arith.constant 3 : i32
    %and3A_10 = arith.andi %and3A, %and3A_9 : i32
    %mul3A_11 = arith.constant 128 : i32
    %mul3A_12 = arith.muli %and3A_10, %mul3A_11 : i32
    %dma_start3A = arith.constant 0 : i32
    %dma_start3A_13 = tpu.memref_slice %arg11[%mul3A_12, %dma_start3A] : memref<512x128xf32, #tpu.memory_space<vmem>> -> memref<128x128xf32, #tpu.memory_space<vmem>>
    %dma_start3A_14 = arith.constant 0 : i32
    %dma_start3A_15 = tpu.memref_slice %arg8[%dma_start3A_14] : memref<6400xi32, #tpu.memory_space<vmem>> -> memref<128xi32, #tpu.memory_space<vmem>>
    %dma_start3A_16 = arith.constant 0 : i32
    %dma_start3A_17 = arith.constant 0 : i32
    %dma_start3A_18 = tpu.memref_slice %arg5[%dma_start3A_16, %dma_start3A_17] : memref<100000x128xf32, #tpu.memory_space<hbm>> -> memref<100000x128xf32, #tpu.memory_space<hbm>>
    tpu.enqueue_indirect_dma source(%dma_start3A_18 : memref<100000x128xf32, #tpu.memory_space<hbm>>) target(%dma_start3A_13 : memref<128x128xf32, #tpu.memory_space<vmem>>) offsets(%dma_start3A_15 : memref<128xi32, #tpu.memory_space<vmem>>) semaphore(%arg13 : memref<!tpu.dma_semaphore, #tpu.memory_space<semaphore_mem>>)
    %and3A_19 = arith.constant 1 : i32
    %and3A_20 = arith.constant 3 : i32
    %and3A_21 = arith.andi %and3A_19, %and3A_20 : i32
    %mul3A_22 = arith.constant 128 : i32
    %mul3A_23 = arith.muli %and3A_21, %mul3A_22 : i32
    %dma_start3A_24 = arith.constant 0 : i32
    %dma_start3A_25 = tpu.memref_slice %arg11[%mul3A_23, %dma_start3A_24] : memref<512x128xf32, #tpu.memory_space<vmem>> -> memref<128x128xf32, #tpu.memory_space<vmem>>
    %dma_start3A_26 = arith.constant 128 : i32
    %dma_start3A_27 = tpu.memref_slice %arg8[%dma_start3A_26] : memref<6400xi32, #tpu.memory_space<vmem>> -> memref<128xi32, #tpu.memory_space<vmem>>
    %dma_start3A_28 = arith.constant 0 : i32
    %dma_start3A_29 = arith.constant 0 : i32
    %dma_start3A_30 = tpu.memref_slice %arg5[%dma_start3A_28, %dma_start3A_29] : memref<100000x128xf32, #tpu.memory_space<hbm>> -> memref<100000x128xf32, #tpu.memory_space<hbm>>
    tpu.enqueue_indirect_dma source(%dma_start3A_30 : memref<100000x128xf32, #tpu.memory_space<hbm>>) target(%dma_start3A_25 : memref<128x128xf32, #tpu.memory_space<vmem>>) offsets(%dma_start3A_27 : memref<128xi32, #tpu.memory_space<vmem>>) semaphore(%arg13 : memref<!tpu.dma_semaphore, #tpu.memory_space<semaphore_mem>>)
    %scan3A_31 = arith.constant 0 : i32
    %scan3A_32 = arith.constant 0 : i32
    %scan3A_33 = arith.constant 50 : i32
    %scan3A_34 = arith.addi %scan3A_32, %scan3A_33 : i32
    %scan3A_35 = arith.constant 1 : i32
    %scan3A_36 = scf.for %scan3A_77 = %scan3A_32 to %scan3A_34 step %scan3A_35 iter_args(%scan3A_78 = %scan3A_31) -> (i32)  : i32 {
      %and3A_79 = arith.constant 3 : i32
      %and3A_80 = arith.andi %scan3A_77, %and3A_79 : i32
      %mul3A_81 = arith.constant 128 : i32
      %mul3A_82 = arith.muli %and3A_80, %mul3A_81 : i32
      %add3A_83 = arith.constant 2 : i32
      %add3A_84 = arith.addi %scan3A_77, %add3A_83 : i32
      %lt3A = arith.constant 50 : i32
      %lt3A_85 = arith.cmpi slt, %add3A_84, %lt3A : i32
      %convert_element_type3A = arith.extui %lt3A_85 : i1 to i32
      %cond3A = arith.constant 0 : i32
      %cond3A_86 = arith.cmpi ne, %convert_element_type3A, %cond3A : i32
      scf.if %cond3A_86 {
        %add3A_118 = arith.constant 2 : i32
        %add3A_119 = arith.addi %scan3A_77, %add3A_118 : i32
        %ge3A = arith.constant 4 : i32
        %ge3A_120 = arith.cmpi sge, %add3A_119, %ge3A : i32
        %convert_element_type3A_121 = arith.extui %ge3A_120 : i1 to i32
        %cond3A_122 = arith.constant 0 : i32
        %cond3A_123 = arith.cmpi ne, %convert_element_type3A_121, %cond3A_122 : i32
        scf.if %cond3A_123 {
          %dma_wait3A_138 = arith.constant 0 : i32
          %dma_wait3A_139 = arith.constant 0 : i32
          %dma_wait3A_140 = tpu.memref_slice %arg11[%dma_wait3A_138, %dma_wait3A_139] : memref<512x128xf32, #tpu.memory_space<vmem>> -> memref<128x128xf32, #tpu.memory_space<vmem>>
          %dma_wait3A_141 = arith.constant 0 : i32
          %dma_wait3A_142 = tpu.memref_slice %arg7[%mul3A_2, %dma_wait3A_141] : memref<204800x128xf32, #tpu.memory_space<hbm>> -> memref<128x128xf32, #tpu.memory_space<hbm>>
          %dma_wait3A_143 = arith.constant 0 : i32
          %dma_wait3A_144 = tpu.memref_slice %arg7[%mul3A_2, %dma_wait3A_143] : memref<204800x128xf32, #tpu.memory_space<hbm>> -> memref<128x128xf32, #tpu.memory_space<hbm>>
          %dma_wait3A_145 = arith.constant 0 : i32
          %dma_wait3A_146 = arith.constant 0 : i32
          %dma_wait3A_147 = tpu.memref_slice %arg11[%dma_wait3A_145, %dma_wait3A_146] : memref<512x128xf32, #tpu.memory_space<vmem>> -> memref<128x128xf32, #tpu.memory_space<vmem>>
          tpu.wait_dma2 semaphore(%arg14 : memref<!tpu.dma_semaphore, #tpu.memory_space<semaphore_mem>>) src(%dma_wait3A_147 : memref<128x128xf32, #tpu.memory_space<vmem>>) dst(%dma_wait3A_144 : memref<128x128xf32, #tpu.memory_space<hbm>>)
        } else {
        }
        %add3A_124 = arith.constant 2 : i32
        %add3A_125 = arith.addi %scan3A_77, %add3A_124 : i32
        %and3A_126 = arith.constant 3 : i32
        %and3A_127 = arith.andi %add3A_125, %and3A_126 : i32
        %mul3A_128 = arith.constant 128 : i32
        %mul3A_129 = arith.muli %and3A_127, %mul3A_128 : i32
        %mul3A_130 = arith.constant 128 : i32
        %mul3A_131 = arith.muli %add3A_125, %mul3A_130 : i32
        %dma_start3A_132 = arith.constant 0 : i32
        %dma_start3A_133 = tpu.memref_slice %arg11[%mul3A_129, %dma_start3A_132] : memref<512x128xf32, #tpu.memory_space<vmem>> -> memref<128x128xf32, #tpu.memory_space<vmem>>
        %dma_start3A_134 = tpu.memref_slice %arg8[%mul3A_131] : memref<6400xi32, #tpu.memory_space<vmem>> -> memref<128xi32, #tpu.memory_space<vmem>>
        %dma_start3A_135 = arith.constant 0 : i32
        %dma_start3A_136 = arith.constant 0 : i32
        %dma_start3A_137 = tpu.memref_slice %arg5[%dma_start3A_135, %dma_start3A_136] : memref<100000x128xf32, #tpu.memory_space<hbm>> -> memref<100000x128xf32, #tpu.memory_space<hbm>>
        tpu.enqueue_indirect_dma source(%dma_start3A_137 : memref<100000x128xf32, #tpu.memory_space<hbm>>) target(%dma_start3A_133 : memref<128x128xf32, #tpu.memory_space<vmem>>) offsets(%dma_start3A_134 : memref<128xi32, #tpu.memory_space<vmem>>) semaphore(%arg13 : memref<!tpu.dma_semaphore, #tpu.memory_space<semaphore_mem>>)
      } else {
      }
      %dma_wait3A_87 = arith.constant 0 : i32
      %dma_wait3A_88 = arith.constant 0 : i32
      %dma_wait3A_89 = tpu.memref_slice %arg11[%dma_wait3A_87, %dma_wait3A_88] : memref<512x128xf32, #tpu.memory_space<vmem>> -> memref<128x128xf32, #tpu.memory_space<vmem>>
      %dma_wait3A_90 = arith.constant 0 : i32
      %dma_wait3A_91 = arith.constant 0 : i32
      %dma_wait3A_92 = tpu.memref_slice %arg5[%dma_wait3A_90, %dma_wait3A_91] : memref<100000x128xf32, #tpu.memory_space<hbm>> -> memref<128x128xf32, #tpu.memory_space<hbm>>
      %dma_wait3A_93 = arith.constant 0 : i32
      %dma_wait3A_94 = arith.constant 0 : i32
      %dma_wait3A_95 = tpu.memref_slice %arg11[%dma_wait3A_93, %dma_wait3A_94] : memref<512x128xf32, #tpu.memory_space<vmem>> -> memref<128x128xf32, #tpu.memory_space<vmem>>
      %dma_wait3A_96 = arith.constant 0 : i32
      %dma_wait3A_97 = arith.constant 0 : i32
      %dma_wait3A_98 = tpu.memref_slice %arg5[%dma_wait3A_96, %dma_wait3A_97] : memref<100000x128xf32, #tpu.memory_space<hbm>> -> memref<128x128xf32, #tpu.memory_space<hbm>>
      tpu.wait_dma2 semaphore(%arg13 : memref<!tpu.dma_semaphore, #tpu.memory_space<semaphore_mem>>) src(%dma_wait3A_98 : memref<128x128xf32, #tpu.memory_space<hbm>>) dst(%dma_wait3A_95 : memref<128x128xf32, #tpu.memory_space<vmem>>)
      %scan3A_99 = arith.constant 0 : i32
      %scan3A_100 = arith.constant 0 : i32
      %scan3A_101 = arith.constant 8 : i32
      %scan3A_102 = arith.addi %scan3A_100, %scan3A_101 : i32
      %scan3A_103 = arith.constant 1 : i32
      %scan3A_104 = scf.for %scan3A_118 = %scan3A_100 to %scan3A_102 step %scan3A_103 iter_args(%scan3A_119 = %scan3A_99) -> (i32)  : i32 {
        %mul3A_120 = arith.constant 128 : i32
        %mul3A_121 = arith.muli %scan3A_77, %mul3A_120 : i32
        %mul3A_122 = arith.constant 16 : i32
        %mul3A_123 = arith.muli %scan3A_118, %mul3A_122 : i32
        %add3A_124 = arith.addi %mul3A_121, %mul3A_123 : i32
        %get3A = arith.index_cast %add3A_124 : i32 to index
        %get3A_125 = tpu.vector_load %arg10[%get3A] {strides = array<i32>} : memref<6400xi32, #tpu.memory_space<vmem>>, vector<16xi32>,
        %get3A_126 = vector.shape_cast %get3A_125 : vector<16xi32> to vector<16xi32>
        %mul3A_127 = arith.constant 16 : i32
        %mul3A_128 = arith.muli %scan3A_118, %mul3A_127 : i32
        %add3A_129 = arith.addi %mul3A_82, %mul3A_128 : i32
        %add3A_130 = arith.constant 0 : i32
        %add3A_131 = arith.addi %add3A_129, %add3A_130 : i32
        %slice3A = vector.extract_strided_slice %get3A_126 {offsets = [0], sizes = [1], strides = [1]} : vector<16xi32> to vector<1xi32>
        %squeeze3A = vector.extract %slice3A[0] : i32 from vector<1xi32>
        %get3A_132 = arith.index_cast %squeeze3A : i32 to index
        %get3A_133 = arith.constant 0 : index
        %get3A_134 = tpu.vector_load %arg12[%get3A_132, %get3A_133] {strides = array<i32>} : memref<400x64xi32, #tpu.memory_space<vmem>>, vector<1x16xi32>,
        %get3A_135 = vector.shape_cast %get3A_134 : vector<1x16xi32> to vector<16xi32>
        %shift_left3A = arith.constant 16 : i32
        %shift_left3A_136 = vector.broadcast %shift_left3A : i32 to vector<16xi32>
        %shift_left3A_137 = arith.shli %get3A_135, %shift_left3A_136 : vector<16xi32>
        %bitcast_convert_type3A = tpu.bitcast %shift_left3A_137 : vector<16xi32> -> vector<16xf32>
        %and3A_138 = arith.constant -65536 : i32
        %and3A_139 = vector.broadcast %and3A_138 : i32 to vector<16xi32>
        %and3A_140 = arith.andi %get3A_135, %and3A_139 : vector<16xi32>
        %bitcast_convert_type3A_141 = tpu.bitcast %and3A_140 : vector<16xi32> -> vector<16xf32>
        %swap3A = arith.index_cast %add3A_131 : i32 to index
        %swap3A_142 = arith.constant 0 : index
        %swap3A_143 = tpu.vector_load %arg11[%swap3A, %swap3A_142] {strides = array<i32>} : memref<512x128xf32, #tpu.memory_space<vmem>>, vector<1x16xf32>,
        %swap3A_144 = vector.shape_cast %swap3A_143 : vector<1x16xf32> to vector<16xf32>
        %swap3A_145 = vector.shape_cast %bitcast_convert_type3A : vector<16xf32> to vector<1x16xf32>
        tpu.vector_store %arg11[%swap3A, %swap3A_142], %swap3A_145 {add = true, strides = array<i32>} : memref<512x128xf32, #tpu.memory_space<vmem>>, vector<1x16xf32>,
        %swap3A_146 = arith.index_cast %add3A_131 : i32 to index
        %swap3A_147 = arith.constant 16 : index
        %swap3A_148 = tpu.vector_load %arg11[%swap3A_146, %swap3A_147] {strides = array<i32>} : memref<512x128xf32, #tpu.memory_space<vmem>>, vector<1x16xf32>,
        %swap3A_149 = vector.shape_cast %swap3A_148 : vector<1x16xf32> to vector<16xf32>
        %swap3A_150 = vector.shape_cast %bitcast_convert_type3A_141 : vector<16xf32> to vector<1x16xf32>
        tpu.vector_store %arg11[%swap3A_146, %swap3A_147], %swap3A_150 {add = true, strides = array<i32>} : memref<512x128xf32, #tpu.memory_space<vmem>>, vector<1x16xf32>,
        %get3A_151 = arith.index_cast %squeeze3A : i32 to index
        %get3A_152 = arith.constant 16 : index
        %get3A_153 = tpu.vector_load %arg12[%get3A_151, %get3A_152] {strides = array<i32>} : memref<400x64xi32, #tpu.memory_space<vmem>>, vector<1x16xi32>,
        %get3A_154 = vector.shape_cast %get3A_153 : vector<1x16xi32> to vector<16xi32>
        %shift_left3A_155 = arith.constant 16 : i32
        %shift_left3A_156 = vector.broadcast %shift_left3A_155 : i32 to vector<16xi32>
        %shift_left3A_157 = arith.shli %get3A_154, %shift_left3A_156 : vector<16xi32>
        %bitcast_convert_type3A_158 = tpu.bitcast %shift_left3A_157 : vector<16xi32> -> vector<16xf32>
        %and3A_159 = arith.constant -65536 : i32
        %and3A_160 = vector.broadcast %and3A_159 : i32 to vector<16xi32>
        %and3A_161 = arith.andi %get3A_154, %and3A_160 : vector<16xi32>
        %bitcast_convert_type3A_162 = tpu.bitcast %and3A_161 : vector<16xi32> -> vector<16xf32>
        %swap3A_163 = arith.index_cast %add3A_131 : i32 to index
        %swap3A_164 = arith.constant 32 : index
        %swap3A_165 = tpu.vector_load %arg11[%swap3A_163, %swap3A_164] {strides = array<i32>} : memref<512x128xf32, #tpu.memory_space<vmem>>, vector<1x16xf32>,
        %swap3A_166 = vector.shape_cast %swap3A_165 : vector<1x16xf32> to vector<16xf32>
        %swap3A_167 = vector.shape_cast %bitcast_convert_type3A_158 : vector<16xf32> to vector<1x16xf32>
        tpu.vector_store %arg11[%swap3A_163, %swap3A_164], %swap3A_167 {add = true, strides = array<i32>} : memref<512x128xf32, #tpu.memory_space<vmem>>, vector<1x16xf32>,
        %swap3A_168 = arith.index_cast %add3A_131 : i32 to index
        %swap3A_169 = arith.constant 48 : index
        %swap3A_170 = tpu.vector_load %arg11[%swap3A_168, %swap3A_169] {strides = array<i32>} : memref<512x128xf32, #tpu.memory_space<vmem>>, vector<1x16xf32>,
        %swap3A_171 = vector.shape_cast %swap3A_170 : vector<1x16xf32> to vector<16xf32>
        %swap3A_172 = vector.shape_cast %bitcast_convert_type3A_162 : vector<16xf32> to vector<1x16xf32>
        tpu.vector_store %arg11[%swap3A_168, %swap3A_169], %swap3A_172 {add = true, strides = array<i32>} : memref<512x128xf32, #tpu.memory_space<vmem>>, vector<1x16xf32>,
        %get3A_173 = arith.index_cast %squeeze3A : i32 to index
        %get3A_174 = arith.constant 32 : index
        %get3A_175 = tpu.vector_load %arg12[%get3A_173, %get3A_174] {strides = array<i32>} : memref<400x64xi32, #tpu.memory_space<vmem>>, vector<1x16xi32>,
        %get3A_176 = vector.shape_cast %get3A_175 : vector<1x16xi32> to vector<16xi32>
        %shift_left3A_177 = arith.constant 16 : i32
        %shift_left3A_178 = vector.broadcast %shift_left3A_177 : i32 to vector<16xi32>
        %shift_left3A_179 = arith.shli %get3A_176, %shift_left3A_178 : vector<16xi32>
        %bitcast_convert_type3A_180 = tpu.bitcast %shift_left3A_179 : vector<16xi32> -> vector<16xf32>
        %and3A_181 = arith.constant -65536 : i32
        %and3A_182 = vector.broadcast %and3A_181 : i32 to vector<16xi32>
        %and3A_183 = arith.andi %get3A_176, %and3A_182 : vector<16xi32>
        %bitcast_convert_type3A_184 = tpu.bitcast %and3A_183 : vector<16xi32> -> vector<16xf32>
        %swap3A_185 = arith.index_cast %add3A_131 : i32 to index
        %swap3A_186 = arith.constant 64 : index
        %swap3A_187 = tpu.vector_load %arg11[%swap3A_185, %swap3A_186] {strides = array<i32>} : memref<512x128xf32, #tpu.memory_space<vmem>>, vector<1x16xf32>,
        %swap3A_188 = vector.shape_cast %swap3A_187 : vector<1x16xf32> to vector<16xf32>
        %swap3A_189 = vector.shape_cast %bitcast_convert_type3A_180 : vector<16xf32> to vector<1x16xf32>
        tpu.vector_store %arg11[%swap3A_185, %swap3A_186], %swap3A_189 {add = true, strides = array<i32>} : memref<512x128xf32, #tpu.memory_space<vmem>>, vector<1x16xf32>,
        %swap3A_190 = arith.index_cast %add3A_131 : i32 to index
        %swap3A_191 = arith.constant 80 : index
        %swap3A_192 = tpu.vector_load %arg11[%swap3A_190, %swap3A_191] {strides = array<i32>} : memref<512x128xf32, #tpu.memory_space<vmem>>, vector<1x16xf32>,
        %swap3A_193 = vector.shape_cast %swap3A_192 : vector<1x16xf32> to vector<16xf32>
        %swap3A_194 = vector.shape_cast %bitcast_convert_type3A_184 : vector<16xf32> to vector<1x16xf32>
        tpu.vector_store %arg11[%swap3A_190, %swap3A_191], %swap3A_194 {add = true, strides = array<i32>} : memref<512x128xf32, #tpu.memory_space<vmem>>, vector<1x16xf32>,
        %get3A_195 = arith.index_cast %squeeze3A : i32 to index
        %get3A_196 = arith.constant 48 : index
        %get3A_197 = tpu.vector_load %arg12[%get3A_195, %get3A_196] {strides = array<i32>} : memref<400x64xi32, #tpu.memory_space<vmem>>, vector<1x16xi32>,
        %get3A_198 = vector.shape_cast %get3A_197 : vector<1x16xi32> to vector<16xi32>
        %shift_left3A_199 = arith.constant 16 : i32
        %shift_left3A_200 = vector.broadcast %shift_left3A_199 : i32 to vector<16xi32>
        %shift_left3A_201 = arith.shli %get3A_198, %shift_left3A_200 : vector<16xi32>
        %bitcast_convert_type3A_202 = tpu.bitcast %shift_left3A_201 : vector<16xi32> -> vector<16xf32>
        %and3A_203 = arith.constant -65536 : i32
        %and3A_204 = vector.broadcast %and3A_203 : i32 to vector<16xi32>
        %and3A_205 = arith.andi %get3A_198, %and3A_204 : vector<16xi32>
        %bitcast_convert_type3A_206 = tpu.bitcast %and3A_205 : vector<16xi32> -> vector<16xf32>
        %swap3A_207 = arith.index_cast %add3A_131 : i32 to index
        %swap3A_208 = arith.constant 96 : index
        %swap3A_209 = tpu.vector_load %arg11[%swap3A_207, %swap3A_208] {strides = array<i32>} : memref<512x128xf32, #tpu.memory_space<vmem>>, vector<1x16xf32>,
        %swap3A_210 = vector.shape_cast %swap3A_209 : vector<1x16xf32> to vector<16xf32>
        %swap3A_211 = vector.shape_cast %bitcast_convert_type3A_202 : vector<16xf32> to vector<1x16xf32>
        tpu.vector_store %arg11[%swap3A_207, %swap3A_208], %swap3A_211 {add = true, strides = array<i32>} : memref<512x128xf32, #tpu.memory_space<vmem>>, vector<1x16xf32>,
        %swap3A_212 = arith.index_cast %add3A_131 : i32 to index
        %swap3A_213 = arith.constant 112 : index
        %swap3A_214 = tpu.vector_load %arg11[%swap3A_212, %swap3A_213] {strides = array<i32>} : memref<512x128xf32, #tpu.memory_space<vmem>>, vector<1x16xf32>,
        %swap3A_215 = vector.shape_cast %swap3A_214 : vector<1x16xf32> to vector<16xf32>
        %swap3A_216 = vector.shape_cast %bitcast_convert_type3A_206 : vector<16xf32> to vector<1x16xf32>
        tpu.vector_store %arg11[%swap3A_212, %swap3A_213], %swap3A_216 {add = true, strides = array<i32>} : memref<512x128xf32, #tpu.memory_space<vmem>>, vector<1x16xf32>,
        %mul3A_217 = arith.constant 16 : i32
        %mul3A_218 = arith.muli %scan3A_118, %mul3A_217 : i32
        %add3A_219 = arith.addi %mul3A_82, %mul3A_218 : i32
        %add3A_220 = arith.constant 1 : i32
        %add3A_221 = arith.addi %add3A_219, %add3A_220 : i32
        %slice3A_222 = vector.extract_strided_slice %get3A_126 {offsets = [1], sizes = [1], strides = [1]} : vector<16xi32> to vector<1xi32>
        %squeeze3A_223 = vector.extract %slice3A_222[0] : i32 from vector<1xi32>
        %get3A_224 = arith.index_cast %squeeze3A_223 : i32 to index
        %get3A_225 = arith.constant 0 : index
        %get3A_226 = tpu.vector_load %arg12[%get3A_224, %get3A_225] {strides = array<i32>} : memref<400x64xi32, #tpu.memory_space<vmem>>, vector<1x16xi32>,
        %get3A_227 = vector.shape_cast %get3A_226 : vector<1x16xi32> to vector<16xi32>
        %shift_left3A_228 = arith.constant 16 : i32
        %shift_left3A_229 = vector.broadcast %shift_left3A_228 : i32 to vector<16xi32>
        %shift_left3A_230 = arith.shli %get3A_227, %shift_left3A_229 : vector<16xi32>
        %bitcast_convert_type3A_231 = tpu.bitcast %shift_left3A_230 : vector<16xi32> -> vector<16xf32>
        %and3A_232 = arith.constant -65536 : i32
        %and3A_233 = vector.broadcast %and3A_232 : i32 to vector<16xi32>
        %and3A_234 = arith.andi %get3A_227, %and3A_233 : vector<16xi32>
        %bitcast_convert_type3A_235 = tpu.bitcast %and3A_234 : vector<16xi32> -> vector<16xf32>
        %swap3A_236 = arith.index_cast %add3A_221 : i32 to index
        %swap3A_237 = arith.constant 0 : index
        %swap3A_238 = tpu.vector_load %arg11[%swap3A_236, %swap3A_237] {strides = array<i32>} : memref<512x128xf32, #tpu.memory_space<vmem>>, vector<1x16xf32>,
        %swap3A_239 = vector.shape_cast %swap3A_238 : vector<1x16xf32> to vector<16xf32>
        %swap3A_240 = vector.shape_cast %bitcast_convert_type3A_231 : vector<16xf32> to vector<1x16xf32>
        tpu.vector_store %arg11[%swap3A_236, %swap3A_237], %swap3A_240 {add = true, strides = array<i32>} : memref<512x128xf32, #tpu.memory_space<vmem>>, vector<1x16xf32>,
        %swap3A_241 = arith.index_cast %add3A_221 : i32 to index
        %swap3A_242 = arith.constant 16 : index
        %swap3A_243 = tpu.vector_load %arg11[%swap3A_241, %swap3A_242] {strides = array<i32>} : memref<512x128xf32, #tpu.memory_space<vmem>>, vector<1x16xf32>,
        %swap3A_244 = vector.shape_cast %swap3A_243 : vector<1x16xf32> to vector<16xf32>
        %swap3A_245 = vector.shape_cast %bitcast_convert_type3A_235 : vector<16xf32> to vector<1x16xf32>
        tpu.vector_store %arg11[%swap3A_241, %swap3A_242], %swap3A_245 {add = true, strides = array<i32>} : memref<512x128xf32, #tpu.memory_space<vmem>>, vector<1x16xf32>,
        %get3A_246 = arith.index_cast %squeeze3A_223 : i32 to index
        %get3A_247 = arith.constant 16 : index
        %get3A_248 = tpu.vector_load %arg12[%get3A_246, %get3A_247] {strides = array<i32>} : memref<400x64xi32, #tpu.memory_space<vmem>>, vector<1x16xi32>,
        %get3A_249 = vector.shape_cast %get3A_248 : vector<1x16xi32> to vector<16xi32>
        %shift_left3A_250 = arith.constant 16 : i32
        %shift_left3A_251 = vector.broadcast %shift_left3A_250 : i32 to vector<16xi32>
        %shift_left3A_252 = arith.shli %get3A_249, %shift_left3A_251 : vector<16xi32>
        %bitcast_convert_type3A_253 = tpu.bitcast %shift_left3A_252 : vector<16xi32> -> vector<16xf32>
        %and3A_254 = arith.constant -65536 : i32
        %and3A_255 = vector.broadcast %and3A_254 : i32 to vector<16xi32>
        %and3A_256 = arith.andi %get3A_249, %and3A_255 : vector<16xi32>
        %bitcast_convert_type3A_257 = tpu.bitcast %and3A_256 : vector<16xi32> -> vector<16xf32>
        %swap3A_258 = arith.index_cast %add3A_221 : i32 to index
        %swap3A_259 = arith.constant 32 : index
        %swap3A_260 = tpu.vector_load %arg11[%swap3A_258, %swap3A_259] {strides = array<i32>} : memref<512x128xf32, #tpu.memory_space<vmem>>, vector<1x16xf32>,
        %swap3A_261 = vector.shape_cast %swap3A_260 : vector<1x16xf32> to vector<16xf32>
        %swap3A_262 = vector.shape_cast %bitcast_convert_type3A_253 : vector<16xf32> to vector<1x16xf32>
        tpu.vector_store %arg11[%swap3A_258, %swap3A_259], %swap3A_262 {add = true, strides = array<i32>} : memref<512x128xf32, #tpu.memory_space<vmem>>, vector<1x16xf32>,
        %swap3A_263 = arith.index_cast %add3A_221 : i32 to index
        %swap3A_264 = arith.constant 48 : index
        %swap3A_265 = tpu.vector_load %arg11[%swap3A_263, %swap3A_264] {strides = array<i32>} : memref<512x128xf32, #tpu.memory_space<vmem>>, vector<1x16xf32>,
        %swap3A_266 = vector.shape_cast %swap3A_265 : vector<1x16xf32> to vector<16xf32>
        %swap3A_267 = vector.shape_cast %bitcast_convert_type3A_257 : vector<16xf32> to vector<1x16xf32>
        tpu.vector_store %arg11[%swap3A_263, %swap3A_264], %swap3A_267 {add = true, strides = array<i32>} : memref<512x128xf32, #tpu.memory_space<vmem>>, vector<1x16xf32>,
        %get3A_268 = arith.index_cast %squeeze3A_223 : i32 to index
        %get3A_269 = arith.constant 32 : index
        %get3A_270 = tpu.vector_load %arg12[%get3A_268, %get3A_269] {strides = array<i32>} : memref<400x64xi32, #tpu.memory_space<vmem>>, vector<1x16xi32>,
        %get3A_271 = vector.shape_cast %get3A_270 : vector<1x16xi32> to vector<16xi32>
        %shift_left3A_272 = arith.constant 16 : i32
        %shift_left3A_273 = vector.broadcast %shift_left3A_272 : i32 to vector<16xi32>
        %shift_left3A_274 = arith.shli %get3A_271, %shift_left3A_273 : vector<16xi32>
        %bitcast_convert_type3A_275 = tpu.bitcast %shift_left3A_274 : vector<16xi32> -> vector<16xf32>
        %and3A_276 = arith.constant -65536 : i32
        %and3A_277 = vector.broadcast %and3A_276 : i32 to vector<16xi32>
        %and3A_278 = arith.andi %get3A_271, %and3A_277 : vector<16xi32>
        %bitcast_convert_type3A_279 = tpu.bitcast %and3A_278 : vector<16xi32> -> vector<16xf32>
        %swap3A_280 = arith.index_cast %add3A_221 : i32 to index
        %swap3A_281 = arith.constant 64 : index
        %swap3A_282 = tpu.vector_load %arg11[%swap3A_280, %swap3A_281] {strides = array<i32>} : memref<512x128xf32, #tpu.memory_space<vmem>>, vector<1x16xf32>,
        %swap3A_283 = vector.shape_cast %swap3A_282 : vector<1x16xf32> to vector<16xf32>
        %swap3A_284 = vector.shape_cast %bitcast_convert_type3A_275 : vector<16xf32> to vector<1x16xf32>
        tpu.vector_store %arg11[%swap3A_280, %swap3A_281], %swap3A_284 {add = true, strides = array<i32>} : memref<512x128xf32, #tpu.memory_space<vmem>>, vector<1x16xf32>,
        %swap3A_285 = arith.index_cast %add3A_221 : i32 to index
        %swap3A_286 = arith.constant 80 : index
        %swap3A_287 = tpu.vector_load %arg11[%swap3A_285, %swap3A_286] {strides = array<i32>} : memref<512x128xf32, #tpu.memory_space<vmem>>, vector<1x16xf32>,
        %swap3A_288 = vector.shape_cast %swap3A_287 : vector<1x16xf32> to vector<16xf32>
        %swap3A_289 = vector.shape_cast %bitcast_convert_type3A_279 : vector<16xf32> to vector<1x16xf32>
        tpu.vector_store %arg11[%swap3A_285, %swap3A_286], %swap3A_289 {add = true, strides = array<i32>} : memref<512x128xf32, #tpu.memory_space<vmem>>, vector<1x16xf32>,
        %get3A_290 = arith.index_cast %squeeze3A_223 : i32 to index
        %get3A_291 = arith.constant 48 : index
        %get3A_292 = tpu.vector_load %arg12[%get3A_290, %get3A_291] {strides = array<i32>} : memref<400x64xi32, #tpu.memory_space<vmem>>, vector<1x16xi32>,
        %get3A_293 = vector.shape_cast %get3A_292 : vector<1x16xi32> to vector<16xi32>
        %shift_left3A_294 = arith.constant 16 : i32
        %shift_left3A_295 = vector.broadcast %shift_left3A_294 : i32 to vector<16xi32>
        %shift_left3A_296 = arith.shli %get3A_293, %shift_left3A_295 : vector<16xi32>
        %bitcast_convert_type3A_297 = tpu.bitcast %shift_left3A_296 : vector<16xi32> -> vector<16xf32>
        %and3A_298 = arith.constant -65536 : i32
        %and3A_299 = vector.broadcast %and3A_298 : i32 to vector<16xi32>
        %and3A_300 = arith.andi %get3A_293, %and3A_299 : vector<16xi32>
        %bitcast_convert_type3A_301 = tpu.bitcast %and3A_300 : vector<16xi32> -> vector<16xf32>
        %swap3A_302 = arith.index_cast %add3A_221 : i32 to index
        %swap3A_303 = arith.constant 96 : index
        %swap3A_304 = tpu.vector_load %arg11[%swap3A_302, %swap3A_303] {strides = array<i32>} : memref<512x128xf32, #tpu.memory_space<vmem>>, vector<1x16xf32>,
        %swap3A_305 = vector.shape_cast %swap3A_304 : vector<1x16xf32> to vector<16xf32>
        %swap3A_306 = vector.shape_cast %bitcast_convert_type3A_297 : vector<16xf32> to vector<1x16xf32>
        tpu.vector_store %arg11[%swap3A_302, %swap3A_303], %swap3A_306 {add = true, strides = array<i32>} : memref<512x128xf32, #tpu.memory_space<vmem>>, vector<1x16xf32>,
        %swap3A_307 = arith.index_cast %add3A_221 : i32 to index
        %swap3A_308 = arith.constant 112 : index
        %swap3A_309 = tpu.vector_load %arg11[%swap3A_307, %swap3A_308] {strides = array<i32>} : memref<512x128xf32, #tpu.memory_space<vmem>>, vector<1x16xf32>,
        %swap3A_310 = vector.shape_cast %swap3A_309 : vector<1x16xf32> to vector<16xf32>
        %swap3A_311 = vector.shape_cast %bitcast_convert_type3A_301 : vector<16xf32> to vector<1x16xf32>
        tpu.vector_store %arg11[%swap3A_307, %swap3A_308], %swap3A_311 {add = true, strides = array<i32>} : memref<512x128xf32, #tpu.memory_space<vmem>>, vector<1x16xf32>,
        %mul3A_312 = arith.constant 16 : i32
        %mul3A_313 = arith.muli %scan3A_118, %mul3A_312 : i32
        %add3A_314 = arith.addi %mul3A_82, %mul3A_313 : i32
        %add3A_315 = arith.constant 2 : i32
        %add3A_316 = arith.addi %add3A_314, %add3A_315 : i32
        %slice3A_317 = vector.extract_strided_slice %get3A_126 {offsets = [2], sizes = [1], strides = [1]} : vector<16xi32> to vector<1xi32>
        %squeeze3A_318 = vector.extract %slice3A_317[0] : i32 from vector<1xi32>
        %get3A_319 = arith.index_cast %squeeze3A_318 : i32 to index
        %get3A_320 = arith.constant 0 : index
        %get3A_321 = tpu.vector_load %arg12[%get3A_319, %get3A_320] {strides = array<i32>} : memref<400x64xi32, #tpu.memory_space<vmem>>, vector<1x16xi32>,
        %get3A_322 = vector.shape_cast %get3A_321 : vector<1x16xi32> to vector<16xi32>
        %shift_left3A_323 = arith.constant 16 : i32
        %shift_left3A_324 = vector.broadcast %shift_left3A_323 : i32 to vector<16xi32>
        %shift_left3A_325 = arith.shli %get3A_322, %shift_left3A_324 : vector<16xi32>
        %bitcast_convert_type3A_326 = tpu.bitcast %shift_left3A_325 : vector<16xi32> -> vector<16xf32>
        %and3A_327 = arith.constant -65536 : i32
        %and3A_328 = vector.broadcast %and3A_327 : i32 to vector<16xi32>
        %and3A_329 = arith.andi %get3A_322, %and3A_328 : vector<16xi32>
        %bitcast_convert_type3A_330 = tpu.bitcast %and3A_329 : vector<16xi32> -> vector<16xf32>
        %swap3A_331 = arith.index_cast %add3A_316 : i32 to index
        %swap3A_332 = arith.constant 0 : index
        %swap3A_333 = tpu.vector_load %arg11[%swap3A_331, %swap3A_332] {strides = array<i32>} : memref<512x128xf32, #tpu.memory_space<vmem>>, vector<1x16xf32>,
        %swap3A_334 = vector.shape_cast %swap3A_333 : vector<1x16xf32> to vector<16xf32>
        %swap3A_335 = vector.shape_cast %bitcast_convert_type3A_326 : vector<16xf32> to vector<1x16xf32>
        tpu.vector_store %arg11[%swap3A_331, %swap3A_332], %swap3A_335 {add = true, strides = array<i32>} : memref<512x128xf32, #tpu.memory_space<vmem>>, vector<1x16xf32>,
        %swap3A_336 = arith.index_cast %add3A_316 : i32 to index
        %swap3A_337 = arith.constant 16 : index
        %swap3A_338 = tpu.vector_load %arg11[%swap3A_336, %swap3A_337] {strides = array<i32>} : memref<512x128xf32, #tpu.memory_space<vmem>>, vector<1x16xf32>,
        %swap3A_339 = vector.shape_cast %swap3A_338 : vector<1x16xf32> to vector<16xf32>
        %swap3A_340 = vector.shape_cast %bitcast_convert_type3A_330 : vector<16xf32> to vector<1x16xf32>
        tpu.vector_store %arg11[%swap3A_336, %swap3A_337], %swap3A_340 {add = true, strides = array<i32>} : memref<512x128xf32, #tpu.memory_space<vmem>>, vector<1x16xf32>,
        %get3A_341 = arith.index_cast %squeeze3A_318 : i32 to index
        %get3A_342 = arith.constant 16 : index
        %get3A_343 = tpu.vector_load %arg12[%get3A_341, %get3A_342] {strides = array<i32>} : memref<400x64xi32, #tpu.memory_space<vmem>>, vector<1x16xi32>,
        %get3A_344 = vector.shape_cast %get3A_343 : vector<1x16xi32> to vector<16xi32>
        %shift_left3A_345 = arith.constant 16 : i32
        %shift_left3A_346 = vector.broadcast %shift_left3A_345 : i32 to vector<16xi32>
        %shift_left3A_347 = arith.shli %get3A_344, %shift_left3A_346 : vector<16xi32>
        %bitcast_convert_type3A_348 = tpu.bitcast %shift_left3A_347 : vector<16xi32> -> vector<16xf32>
        %and3A_349 = arith.constant -65536 : i32
        %and3A_350 = vector.broadcast %and3A_349 : i32 to vector<16xi32>
        %and3A_351 = arith.andi %get3A_344, %and3A_350 : vector<16xi32>
        %bitcast_convert_type3A_352 = tpu.bitcast %and3A_351 : vector<16xi32> -> vector<16xf32>
        %swap3A_353 = arith.index_cast %add3A_316 : i32 to index
        %swap3A_354 = arith.constant 32 : index
        %swap3A_355 = tpu.vector_load %arg11[%swap3A_353, %swap3A_354] {strides = array<i32>} : memref<512x128xf32, #tpu.memory_space<vmem>>, vector<1x16xf32>,
        %swap3A_356 = vector.shape_cast %swap3A_355 : vector<1x16xf32> to vector<16xf32>
        %swap3A_357 = vector.shape_cast %bitcast_convert_type3A_348 : vector<16xf32> to vector<1x16xf32>
        tpu.vector_store %arg11[%swap3A_353, %swap3A_354], %swap3A_357 {add = true, strides = array<i32>} : memref<512x128xf32, #tpu.memory_space<vmem>>, vector<1x16xf32>,
        %swap3A_358 = arith.index_cast %add3A_316 : i32 to index
        %swap3A_359 = arith.constant 48 : index
        %swap3A_360 = tpu.vector_load %arg11[%swap3A_358, %swap3A_359] {strides = array<i32>} : memref<512x128xf32, #tpu.memory_space<vmem>>, vector<1x16xf32>,
        %swap3A_361 = vector.shape_cast %swap3A_360 : vector<1x16xf32> to vector<16xf32>
        %swap3A_362 = vector.shape_cast %bitcast_convert_type3A_352 : vector<16xf32> to vector<1x16xf32>
        tpu.vector_store %arg11[%swap3A_358, %swap3A_359], %swap3A_362 {add = true, strides = array<i32>} : memref<512x128xf32, #tpu.memory_space<vmem>>, vector<1x16xf32>,
        %get3A_363 = arith.index_cast %squeeze3A_318 : i32 to index
        %get3A_364 = arith.constant 32 : index
        %get3A_365 = tpu.vector_load %arg12[%get3A_363, %get3A_364] {strides = array<i32>} : memref<400x64xi32, #tpu.memory_space<vmem>>, vector<1x16xi32>,
        %get3A_366 = vector.shape_cast %get3A_365 : vector<1x16xi32> to vector<16xi32>
        %shift_left3A_367 = arith.constant 16 : i32
        %shift_left3A_368 = vector.broadcast %shift_left3A_367 : i32 to vector<16xi32>
        %shift_left3A_369 = arith.shli %get3A_366, %shift_left3A_368 : vector<16xi32>
        %bitcast_convert_type3A_370 = tpu.bitcast %shift_left3A_369 : vector<16xi32> -> vector<16xf32>
        %and3A_371 = arith.constant -65536 : i32
        %and3A_372 = vector.broadcast %and3A_371 : i32 to vector<16xi32>
        %and3A_373 = arith.andi %get3A_366, %and3A_372 : vector<16xi32>
        %bitcast_convert_type3A_374 = tpu.bitcast %and3A_373 : vector<16xi32> -> vector<16xf32>
        %swap3A_375 = arith.index_cast %add3A_316 : i32 to index
        %swap3A_376 = arith.constant 64 : index
        %swap3A_377 = tpu.vector_load %arg11[%swap3A_375, %swap3A_376] {strides = array<i32>} : memref<512x128xf32, #tpu.memory_space<vmem>>, vector<1x16xf32>,
        %swap3A_378 = vector.shape_cast %swap3A_377 : vector<1x16xf32> to vector<16xf32>
        %swap3A_379 = vector.shape_cast %bitcast_convert_type3A_370 : vector<16xf32> to vector<1x16xf32>
        tpu.vector_store %arg11[%swap3A_375, %swap3A_376], %swap3A_379 {add = true, strides = array<i32>} : memref<512x128xf32, #tpu.memory_space<vmem>>, vector<1x16xf32>,
        %swap3A_380 = arith.index_cast %add3A_316 : i32 to index
        %swap3A_381 = arith.constant 80 : index
        %swap3A_382 = tpu.vector_load %arg11[%swap3A_380, %swap3A_381] {strides = array<i32>} : memref<512x128xf32, #tpu.memory_space<vmem>>, vector<1x16xf32>,
        %swap3A_383 = vector.shape_cast %swap3A_382 : vector<1x16xf32> to vector<16xf32>
        %swap3A_384 = vector.shape_cast %bitcast_convert_type3A_374 : vector<16xf32> to vector<1x16xf32>
        tpu.vector_store %arg11[%swap3A_380, %swap3A_381], %swap3A_384 {add = true, strides = array<i32>} : memref<512x128xf32, #tpu.memory_space<vmem>>, vector<1x16xf32>,
        %get3A_385 = arith.index_cast %squeeze3A_318 : i32 to index
        %get3A_386 = arith.constant 48 : index
        %get3A_387 = tpu.vector_load %arg12[%get3A_385, %get3A_386] {strides = array<i32>} : memref<400x64xi32, #tpu.memory_space<vmem>>, vector<1x16xi32>,
        %get3A_388 = vector.shape_cast %get3A_387 : vector<1x16xi32> to vector<16xi32>
        %shift_left3A_389 = arith.constant 16 : i32
        %shift_left3A_390 = vector.broadcast %shift_left3A_389 : i32 to vector<16xi32>
        %shift_left3A_391 = arith.shli %get3A_388, %shift_left3A_390 : vector<16xi32>
        %bitcast_convert_type3A_392 = tpu.bitcast %shift_left3A_391 : vector<16xi32> -> vector<16xf32>
        %and3A_393 = arith.constant -65536 : i32
        %and3A_394 = vector.broadcast %and3A_393 : i32 to vector<16xi32>
        %and3A_395 = arith.andi %get3A_388, %and3A_394 : vector<16xi32>
        %bitcast_convert_type3A_396 = tpu.bitcast %and3A_395 : vector<16xi32> -> vector<16xf32>
        %swap3A_397 = arith.index_cast %add3A_316 : i32 to index
        %swap3A_398 = arith.constant 96 : index
        %swap3A_399 = tpu.vector_load %arg11[%swap3A_397, %swap3A_398] {strides = array<i32>} : memref<512x128xf32, #tpu.memory_space<vmem>>, vector<1x16xf32>,
        %swap3A_400 = vector.shape_cast %swap3A_399 : vector<1x16xf32> to vector<16xf32>
        %swap3A_401 = vector.shape_cast %bitcast_convert_type3A_392 : vector<16xf32> to vector<1x16xf32>
        tpu.vector_store %arg11[%swap3A_397, %swap3A_398], %swap3A_401 {add = true, strides = array<i32>} : memref<512x128xf32, #tpu.memory_space<vmem>>, vector<1x16xf32>,
        %swap3A_402 = arith.index_cast %add3A_316 : i32 to index
        %swap3A_403 = arith.constant 112 : index
        %swap3A_404 = tpu.vector_load %arg11[%swap3A_402, %swap3A_403] {strides = array<i32>} : memref<512x128xf32, #tpu.memory_space<vmem>>, vector<1x16xf32>,
        %swap3A_405 = vector.shape_cast %swap3A_404 : vector<1x16xf32> to vector<16xf32>
        %swap3A_406 = vector.shape_cast %bitcast_convert_type3A_396 : vector<16xf32> to vector<1x16xf32>
        tpu.vector_store %arg11[%swap3A_402, %swap3A_403], %swap3A_406 {add = true, strides = array<i32>} : memref<512x128xf32, #tpu.memory_space<vmem>>, vector<1x16xf32>,
        %mul3A_407 = arith.constant 16 : i32
        %mul3A_408 = arith.muli %scan3A_118, %mul3A_407 : i32
        %add3A_409 = arith.addi %mul3A_82, %mul3A_408 : i32
        %add3A_410 = arith.constant 3 : i32
        %add3A_411 = arith.addi %add3A_409, %add3A_410 : i32
        %slice3A_412 = vector.extract_strided_slice %get3A_126 {offsets = [3], sizes = [1], strides = [1]} : vector<16xi32> to vector<1xi32>
        %squeeze3A_413 = vector.extract %slice3A_412[0] : i32 from vector<1xi32>
        %get3A_414 = arith.index_cast %squeeze3A_413 : i32 to index
        %get3A_415 = arith.constant 0 : index
        %get3A_416 = tpu.vector_load %arg12[%get3A_414, %get3A_415] {strides = array<i32>} : memref<400x64xi32, #tpu.memory_space<vmem>>, vector<1x16xi32>,
        %get3A_417 = vector.shape_cast %get3A_416 : vector<1x16xi32> to vector<16xi32>
        %shift_left3A_418 = arith.constant 16 : i32
        %shift_left3A_419 = vector.broadcast %shift_left3A_418 : i32 to vector<16xi32>
        %shift_left3A_420 = arith.shli %get3A_417, %shift_left3A_419 : vector<16xi32>
        %bitcast_convert_type3A_421 = tpu.bitcast %shift_left3A_420 : vector<16xi32> -> vector<16xf32>
        %and3A_422 = arith.constant -65536 : i32
        %and3A_423 = vector.broadcast %and3A_422 : i32 to vector<16xi32>
        %and3A_424 = arith.andi %get3A_417, %and3A_423 : vector<16xi32>
        %bitcast_convert_type3A_425 = tpu.bitcast %and3A_424 : vector<16xi32> -> vector<16xf32>
        %swap3A_426 = arith.index_cast %add3A_411 : i32 to index
        %swap3A_427 = arith.constant 0 : index
        %swap3A_428 = tpu.vector_load %arg11[%swap3A_426, %swap3A_427] {strides = array<i32>} : memref<512x128xf32, #tpu.memory_space<vmem>>, vector<1x16xf32>,
        %swap3A_429 = vector.shape_cast %swap3A_428 : vector<1x16xf32> to vector<16xf32>
        %swap3A_430 = vector.shape_cast %bitcast_convert_type3A_421 : vector<16xf32> to vector<1x16xf32>
        tpu.vector_store %arg11[%swap3A_426, %swap3A_427], %swap3A_430 {add = true, strides = array<i32>} : memref<512x128xf32, #tpu.memory_space<vmem>>, vector<1x16xf32>,
        %swap3A_431 = arith.index_cast %add3A_411 : i32 to index
        %swap3A_432 = arith.constant 16 : index
        %swap3A_433 = tpu.vector_load %arg11[%swap3A_431, %swap3A_432] {strides = array<i32>} : memref<512x128xf32, #tpu.memory_space<vmem>>, vector<1x16xf32>,
        %swap3A_434 = vector.shape_cast %swap3A_433 : vector<1x16xf32> to vector<16xf32>
        %swap3A_435 = vector.shape_cast %bitcast_convert_type3A_425 : vector<16xf32> to vector<1x16xf32>
        tpu.vector_store %arg11[%swap3A_431, %swap3A_432], %swap3A_435 {add = true, strides = array<i32>} : memref<512x128xf32, #tpu.memory_space<vmem>>, vector<1x16xf32>,
        %get3A_436 = arith.index_cast %squeeze3A_413 : i32 to index
        %get3A_437 = arith.constant 16 : index
        %get3A_438 = tpu.vector_load %arg12[%get3A_436, %get3A_437] {strides = array<i32>} : memref<400x64xi32, #tpu.memory_space<vmem>>, vector<1x16xi32>,
        %get3A_439 = vector.shape_cast %get3A_438 : vector<1x16xi32> to vector<16xi32>
        %shift_left3A_440 = arith.constant 16 : i32
        %shift_left3A_441 = vector.broadcast %shift_left3A_440 : i32 to vector<16xi32>
        %shift_left3A_442 = arith.shli %get3A_439, %shift_left3A_441 : vector<16xi32>
        %bitcast_convert_type3A_443 = tpu.bitcast %shift_left3A_442 : vector<16xi32> -> vector<16xf32>
        %and3A_444 = arith.constant -65536 : i32
        %and3A_445 = vector.broadcast %and3A_444 : i32 to vector<16xi32>
        %and3A_446 = arith.andi %get3A_439, %and3A_445 : vector<16xi32>
        %bitcast_convert_type3A_447 = tpu.bitcast %and3A_446 : vector<16xi32> -> vector<16xf32>
        %swap3A_448 = arith.index_cast %add3A_411 : i32 to index
        %swap3A_449 = arith.constant 32 : index
        %swap3A_450 = tpu.vector_load %arg11[%swap3A_448, %swap3A_449] {strides = array<i32>} : memref<512x128xf32, #tpu.memory_space<vmem>>, vector<1x16xf32>,
        %swap3A_451 = vector.shape_cast %swap3A_450 : vector<1x16xf32> to vector<16xf32>
        %swap3A_452 = vector.shape_cast %bitcast_convert_type3A_443 : vector<16xf32> to vector<1x16xf32>
        tpu.vector_store %arg11[%swap3A_448, %swap3A_449], %swap3A_452 {add = true, strides = array<i32>} : memref<512x128xf32, #tpu.memory_space<vmem>>, vector<1x16xf32>,
        %swap3A_453 = arith.index_cast %add3A_411 : i32 to index
        %swap3A_454 = arith.constant 48 : index
        %swap3A_455 = tpu.vector_load %arg11[%swap3A_453, %swap3A_454] {strides = array<i32>} : memref<512x128xf32, #tpu.memory_space<vmem>>, vector<1x16xf32>,
        %swap3A_456 = vector.shape_cast %swap3A_455 : vector<1x16xf32> to vector<16xf32>
        %swap3A_457 = vector.shape_cast %bitcast_convert_type3A_447 : vector<16xf32> to vector<1x16xf32>
        tpu.vector_store %arg11[%swap3A_453, %swap3A_454], %swap3A_457 {add = true, strides = array<i32>} : memref<512x128xf32, #tpu.memory_space<vmem>>, vector<1x16xf32>,
        %get3A_458 = arith.index_cast %squeeze3A_413 : i32 to index
        %get3A_459 = arith.constant 32 : index
        %get3A_460 = tpu.vector_load %arg12[%get3A_458, %get3A_459] {strides = array<i32>} : memref<400x64xi32, #tpu.memory_space<vmem>>, vector<1x16xi32>,
        %get3A_461 = vector.shape_cast %get3A_460 : vector<1x16xi32> to vector<16xi32>
        %shift_left3A_462 = arith.constant 16 : i32
        %shift_left3A_463 = vector.broadcast %shift_left3A_462 : i32 to vector<16xi32>
        %shift_left3A_464 = arith.shli %get3A_461, %shift_left3A_463 : vector<16xi32>
        %bitcast_convert_type3A_465 = tpu.bitcast %shift_left3A_464 : vector<16xi32> -> vector<16xf32>
        %and3A_466 = arith.constant -65536 : i32
        %and3A_467 = vector.broadcast %and3A_466 : i32 to vector<16xi32>
        %and3A_468 = arith.andi %get3A_461, %and3A_467 : vector<16xi32>
        %bitcast_convert_type3A_469 = tpu.bitcast %and3A_468 : vector<16xi32> -> vector<16xf32>
        %swap3A_470 = arith.index_cast %add3A_411 : i32 to index
        %swap3A_471 = arith.constant 64 : index
        %swap3A_472 = tpu.vector_load %arg11[%swap3A_470, %swap3A_471] {strides = array<i32>} : memref<512x128xf32, #tpu.memory_space<vmem>>, vector<1x16xf32>,
        %swap3A_473 = vector.shape_cast %swap3A_472 : vector<1x16xf32> to vector<16xf32>
        %swap3A_474 = vector.shape_cast %bitcast_convert_type3A_465 : vector<16xf32> to vector<1x16xf32>
        tpu.vector_store %arg11[%swap3A_470, %swap3A_471], %swap3A_474 {add = true, strides = array<i32>} : memref<512x128xf32, #tpu.memory_space<vmem>>, vector<1x16xf32>,
        %swap3A_475 = arith.index_cast %add3A_411 : i32 to index
        %swap3A_476 = arith.constant 80 : index
        %swap3A_477 = tpu.vector_load %arg11[%swap3A_475, %swap3A_476] {strides = array<i32>} : memref<512x128xf32, #tpu.memory_space<vmem>>, vector<1x16xf32>,
        %swap3A_478 = vector.shape_cast %swap3A_477 : vector<1x16xf32> to vector<16xf32>
        %swap3A_479 = vector.shape_cast %bitcast_convert_type3A_469 : vector<16xf32> to vector<1x16xf32>
        tpu.vector_store %arg11[%swap3A_475, %swap3A_476], %swap3A_479 {add = true, strides = array<i32>} : memref<512x128xf32, #tpu.memory_space<vmem>>, vector<1x16xf32>,
        %get3A_480 = arith.index_cast %squeeze3A_413 : i32 to index
        %get3A_481 = arith.constant 48 : index
        %get3A_482 = tpu.vector_load %arg12[%get3A_480, %get3A_481] {strides = array<i32>} : memref<400x64xi32, #tpu.memory_space<vmem>>, vector<1x16xi32>,
        %get3A_483 = vector.shape_cast %get3A_482 : vector<1x16xi32> to vector<16xi32>
        %shift_left3A_484 = arith.constant 16 : i32
        %shift_left3A_485 = vector.broadcast %shift_left3A_484 : i32 to vector<16xi32>
        %shift_left3A_486 = arith.shli %get3A_483, %shift_left3A_485 : vector<16xi32>
        %bitcast_convert_type3A_487 = tpu.bitcast %shift_left3A_486 : vector<16xi32> -> vector<16xf32>
        %and3A_488 = arith.constant -65536 : i32
        %and3A_489 = vector.broadcast %and3A_488 : i32 to vector<16xi32>
        %and3A_490 = arith.andi %get3A_483, %and3A_489 : vector<16xi32>
        %bitcast_convert_type3A_491 = tpu.bitcast %and3A_490 : vector<16xi32> -> vector<16xf32>
        %swap3A_492 = arith.index_cast %add3A_411 : i32 to index
        %swap3A_493 = arith.constant 96 : index
        %swap3A_494 = tpu.vector_load %arg11[%swap3A_492, %swap3A_493] {strides = array<i32>} : memref<512x128xf32, #tpu.memory_space<vmem>>, vector<1x16xf32>,
        %swap3A_495 = vector.shape_cast %swap3A_494 : vector<1x16xf32> to vector<16xf32>
        %swap3A_496 = vector.shape_cast %bitcast_convert_type3A_487 : vector<16xf32> to vector<1x16xf32>
        tpu.vector_store %arg11[%swap3A_492, %swap3A_493], %swap3A_496 {add = true, strides = array<i32>} : memref<512x128xf32, #tpu.memory_space<vmem>>, vector<1x16xf32>,
        %swap3A_497 = arith.index_cast %add3A_411 : i32 to index
        %swap3A_498 = arith.constant 112 : index
        %swap3A_499 = tpu.vector_load %arg11[%swap3A_497, %swap3A_498] {strides = array<i32>} : memref<512x128xf32, #tpu.memory_space<vmem>>, vector<1x16xf32>,
        %swap3A_500 = vector.shape_cast %swap3A_499 : vector<1x16xf32> to vector<16xf32>
        %swap3A_501 = vector.shape_cast %bitcast_convert_type3A_491 : vector<16xf32> to vector<1x16xf32>
        tpu.vector_store %arg11[%swap3A_497, %swap3A_498], %swap3A_501 {add = true, strides = array<i32>} : memref<512x128xf32, #tpu.memory_space<vmem>>, vector<1x16xf32>,
        %mul3A_502 = arith.constant 16 : i32
        %mul3A_503 = arith.muli %scan3A_118, %mul3A_502 : i32
        %add3A_504 = arith.addi %mul3A_82, %mul3A_503 : i32
        %add3A_505 = arith.constant 4 : i32
        %add3A_506 = arith.addi %add3A_504, %add3A_505 : i32
        %slice3A_507 = vector.extract_strided_slice %get3A_126 {offsets = [4], sizes = [1], strides = [1]} : vector<16xi32> to vector<1xi32>
        %squeeze3A_508 = vector.extract %slice3A_507[0] : i32 from vector<1xi32>
        %get3A_509 = arith.index_cast %squeeze3A_508 : i32 to index
        %get3A_510 = arith.constant 0 : index
        %get3A_511 = tpu.vector_load %arg12[%get3A_509, %get3A_510] {strides = array<i32>} : memref<400x64xi32, #tpu.memory_space<vmem>>, vector<1x16xi32>,
        %get3A_512 = vector.shape_cast %get3A_511 : vector<1x16xi32> to vector<16xi32>
        %shift_left3A_513 = arith.constant 16 : i32
        %shift_left3A_514 = vector.broadcast %shift_left3A_513 : i32 to vector<16xi32>
        %shift_left3A_515 = arith.shli %get3A_512, %shift_left3A_514 : vector<16xi32>
        %bitcast_convert_type3A_516 = tpu.bitcast %shift_left3A_515 : vector<16xi32> -> vector<16xf32>
        %and3A_517 = arith.constant -65536 : i32
        %and3A_518 = vector.broadcast %and3A_517 : i32 to vector<16xi32>
        %and3A_519 = arith.andi %get3A_512, %and3A_518 : vector<16xi32>
        %bitcast_convert_type3A_520 = tpu.bitcast %and3A_519 : vector<16xi32> -> vector<16xf32>
        %swap3A_521 = arith.index_cast %add3A_506 : i32 to index
        %swap3A_522 = arith.constant 0 : index
        %swap3A_523 = tpu.vector_load %arg11[%swap3A_521, %swap3A_522] {strides = array<i32>} : memref<512x128xf32, #tpu.memory_space<vmem>>, vector<1x16xf32>,
        %swap3A_524 = vector.shape_cast %swap3A_523 : vector<1x16xf32> to vector<16xf32>
        %swap3A_525 = vector.shape_cast %bitcast_convert_type3A_516 : vector<16xf32> to vector<1x16xf32>
        tpu.vector_store %arg11[%swap3A_521, %swap3A_522], %swap3A_525 {add = true, strides = array<i32>} : memref<512x128xf32, #tpu.memory_space<vmem>>, vector<1x16xf32>,
        %swap3A_526 = arith.index_cast %add3A_506 : i32 to index
        %swap3A_527 = arith.constant 16 : index
        %swap3A_528 = tpu.vector_load %arg11[%swap3A_526, %swap3A_527] {strides = array<i32>} : memref<512x128xf32, #tpu.memory_space<vmem>>, vector<1x16xf32>,
        %swap3A_529 = vector.shape_cast %swap3A_528 : vector<1x16xf32> to vector<16xf32>
        %swap3A_530 = vector.shape_cast %bitcast_convert_type3A_520 : vector<16xf32> to vector<1x16xf32>
        tpu.vector_store %arg11[%swap3A_526, %swap3A_527], %swap3A_530 {add = true, strides = array<i32>} : memref<512x128xf32, #tpu.memory_space<vmem>>, vector<1x16xf32>,
        %get3A_531 = arith.index_cast %squeeze3A_508 : i32 to index
        %get3A_532 = arith.constant 16 : index
        %get3A_533 = tpu.vector_load %arg12[%get3A_531, %get3A_532] {strides = array<i32>} : memref<400x64xi32, #tpu.memory_space<vmem>>, vector<1x16xi32>,
        %get3A_534 = vector.shape_cast %get3A_533 : vector<1x16xi32> to vector<16xi32>
        %shift_left3A_535 = arith.constant 16 : i32
        %shift_left3A_536 = vector.broadcast %shift_left3A_535 : i32 to vector<16xi32>
        %shift_left3A_537 = arith.shli %get3A_534, %shift_left3A_536 : vector<16xi32>
        %bitcast_convert_type3A_538 = tpu.bitcast %shift_left3A_537 : vector<16xi32> -> vector<16xf32>
        %and3A_539 = arith.constant -65536 : i32
        %and3A_540 = vector.broadcast %and3A_539 : i32 to vector<16xi32>
        %and3A_541 = arith.andi %get3A_534, %and3A_540 : vector<16xi32>
        %bitcast_convert_type3A_542 = tpu.bitcast %and3A_541 : vector<16xi32> -> vector<16xf32>
        %swap3A_543 = arith.index_cast %add3A_506 : i32 to index
        %swap3A_544 = arith.constant 32 : index
        %swap3A_545 = tpu.vector_load %arg11[%swap3A_543, %swap3A_544] {strides = array<i32>} : memref<512x128xf32, #tpu.memory_space<vmem>>, vector<1x16xf32>,
        %swap3A_546 = vector.shape_cast %swap3A_545 : vector<1x16xf32> to vector<16xf32>
        %swap3A_547 = vector.shape_cast %bitcast_convert_type3A_538 : vector<16xf32> to vector<1x16xf32>
        tpu.vector_store %arg11[%swap3A_543, %swap3A_544], %swap3A_547 {add = true, strides = array<i32>} : memref<512x128xf32, #tpu.memory_space<vmem>>, vector<1x16xf32>,
        %swap3A_548 = arith.index_cast %add3A_506 : i32 to index
        %swap3A_549 = arith.constant 48 : index
        %swap3A_550 = tpu.vector_load %arg11[%swap3A_548, %swap3A_549] {strides = array<i32>} : memref<512x128xf32, #tpu.memory_space<vmem>>, vector<1x16xf32>,
        %swap3A_551 = vector.shape_cast %swap3A_550 : vector<1x16xf32> to vector<16xf32>
        %swap3A_552 = vector.shape_cast %bitcast_convert_type3A_542 : vector<16xf32> to vector<1x16xf32>
        tpu.vector_store %arg11[%swap3A_548, %swap3A_549], %swap3A_552 {add = true, strides = array<i32>} : memref<512x128xf32, #tpu.memory_space<vmem>>, vector<1x16xf32>,
        %get3A_553 = arith.index_cast %squeeze3A_508 : i32 to index
        %get3A_554 = arith.constant 32 : index
        %get3A_555 = tpu.vector_load %arg12[%get3A_553, %get3A_554] {strides = array<i32>} : memref<400x64xi32, #tpu.memory_space<vmem>>, vector<1x16xi32>,
        %get3A_556 = vector.shape_cast %get3A_555 : vector<1x16xi32> to vector<16xi32>
        %shift_left3A_557 = arith.constant 16 : i32
        %shift_left3A_558 = vector.broadcast %shift_left3A_557 : i32 to vector<16xi32>
        %shift_left3A_559 = arith.shli %get3A_556, %shift_left3A_558 : vector<16xi32>
        %bitcast_convert_type3A_560 = tpu.bitcast %shift_left3A_559 : vector<16xi32> -> vector<16xf32>
        %and3A_561 = arith.constant -65536 : i32
        %and3A_562 = vector.broadcast %and3A_561 : i32 to vector<16xi32>
        %and3A_563 = arith.andi %get3A_556, %and3A_562 : vector<16xi32>
        %bitcast_convert_type3A_564 = tpu.bitcast %and3A_563 : vector<16xi32> -> vector<16xf32>
        %swap3A_565 = arith.index_cast %add3A_506 : i32 to index
        %swap3A_566 = arith.constant 64 : index
        %swap3A_567 = tpu.vector_load %arg11[%swap3A_565, %swap3A_566] {strides = array<i32>} : memref<512x128xf32, #tpu.memory_space<vmem>>, vector<1x16xf32>,
        %swap3A_568 = vector.shape_cast %swap3A_567 : vector<1x16xf32> to vector<16xf32>
        %swap3A_569 = vector.shape_cast %bitcast_convert_type3A_560 : vector<16xf32> to vector<1x16xf32>
        tpu.vector_store %arg11[%swap3A_565, %swap3A_566], %swap3A_569 {add = true, strides = array<i32>} : memref<512x128xf32, #tpu.memory_space<vmem>>, vector<1x16xf32>,
        %swap3A_570 = arith.index_cast %add3A_506 : i32 to index
        %swap3A_571 = arith.constant 80 : index
        %swap3A_572 = tpu.vector_load %arg11[%swap3A_570, %swap3A_571] {strides = array<i32>} : memref<512x128xf32, #tpu.memory_space<vmem>>, vector<1x16xf32>,
        %swap3A_573 = vector.shape_cast %swap3A_572 : vector<1x16xf32> to vector<16xf32>
        %swap3A_574 = vector.shape_cast %bitcast_convert_type3A_564 : vector<16xf32> to vector<1x16xf32>
        tpu.vector_store %arg11[%swap3A_570, %swap3A_571], %swap3A_574 {add = true, strides = array<i32>} : memref<512x128xf32, #tpu.memory_space<vmem>>, vector<1x16xf32>,
        %get3A_575 = arith.index_cast %squeeze3A_508 : i32 to index
        %get3A_576 = arith.constant 48 : index
        %get3A_577 = tpu.vector_load %arg12[%get3A_575, %get3A_576] {strides = array<i32>} : memref<400x64xi32, #tpu.memory_space<vmem>>, vector<1x16xi32>,
        %get3A_578 = vector.shape_cast %get3A_577 : vector<1x16xi32> to vector<16xi32>
        %shift_left3A_579 = arith.constant 16 : i32
        %shift_left3A_580 = vector.broadcast %shift_left3A_579 : i32 to vector<16xi32>
        %shift_left3A_581 = arith.shli %get3A_578, %shift_left3A_580 : vector<16xi32>
        %bitcast_convert_type3A_582 = tpu.bitcast %shift_left3A_581 : vector<16xi32> -> vector<16xf32>
        %and3A_583 = arith.constant -65536 : i32
        %and3A_584 = vector.broadcast %and3A_583 : i32 to vector<16xi32>
        %and3A_585 = arith.andi %get3A_578, %and3A_584 : vector<16xi32>
        %bitcast_convert_type3A_586 = tpu.bitcast %and3A_585 : vector<16xi32> -> vector<16xf32>
        %swap3A_587 = arith.index_cast %add3A_506 : i32 to index
        %swap3A_588 = arith.constant 96 : index
        %swap3A_589 = tpu.vector_load %arg11[%swap3A_587, %swap3A_588] {strides = array<i32>} : memref<512x128xf32, #tpu.memory_space<vmem>>, vector<1x16xf32>,
        %swap3A_590 = vector.shape_cast %swap3A_589 : vector<1x16xf32> to vector<16xf32>
        %swap3A_591 = vector.shape_cast %bitcast_convert_type3A_582 : vector<16xf32> to vector<1x16xf32>
        tpu.vector_store %arg11[%swap3A_587, %swap3A_588], %swap3A_591 {add = true, strides = array<i32>} : memref<512x128xf32, #tpu.memory_space<vmem>>, vector<1x16xf32>,
        %swap3A_592 = arith.index_cast %add3A_506 : i32 to index
        %swap3A_593 = arith.constant 112 : index
        %swap3A_594 = tpu.vector_load %arg11[%swap3A_592, %swap3A_593] {strides = array<i32>} : memref<512x128xf32, #tpu.memory_space<vmem>>, vector<1x16xf32>,
        %swap3A_595 = vector.shape_cast %swap3A_594 : vector<1x16xf32> to vector<16xf32>
        %swap3A_596 = vector.shape_cast %bitcast_convert_type3A_586 : vector<16xf32> to vector<1x16xf32>
        tpu.vector_store %arg11[%swap3A_592, %swap3A_593], %swap3A_596 {add = true, strides = array<i32>} : memref<512x128xf32, #tpu.memory_space<vmem>>, vector<1x16xf32>,
        %mul3A_597 = arith.constant 16 : i32
        %mul3A_598 = arith.muli %scan3A_118, %mul3A_597 : i32
        %add3A_599 = arith.addi %mul3A_82, %mul3A_598 : i32
        %add3A_600 = arith.constant 5 : i32
        %add3A_601 = arith.addi %add3A_599, %add3A_600 : i32
        %slice3A_602 = vector.extract_strided_slice %get3A_126 {offsets = [5], sizes = [1], strides = [1]} : vector<16xi32> to vector<1xi32>
        %squeeze3A_603 = vector.extract %slice3A_602[0] : i32 from vector<1xi32>
        %get3A_604 = arith.index_cast %squeeze3A_603 : i32 to index
        %get3A_605 = arith.constant 0 : index
        %get3A_606 = tpu.vector_load %arg12[%get3A_604, %get3A_605] {strides = array<i32>} : memref<400x64xi32, #tpu.memory_space<vmem>>, vector<1x16xi32>,
        %get3A_607 = vector.shape_cast %get3A_606 : vector<1x16xi32> to vector<16xi32>
        %shift_left3A_608 = arith.constant 16 : i32
        %shift_left3A_609 = vector.broadcast %shift_left3A_608 : i32 to vector<16xi32>
        %shift_left3A_610 = arith.shli %get3A_607, %shift_left3A_609 : vector<16xi32>
        %bitcast_convert_type3A_611 = tpu.bitcast %shift_left3A_610 : vector<16xi32> -> vector<16xf32>
        %and3A_612 = arith.constant -65536 : i32
        %and3A_613 = vector.broadcast %and3A_612 : i32 to vector<16xi32>
        %and3A_614 = arith.andi %get3A_607, %and3A_613 : vector<16xi32>
        %bitcast_convert_type3A_615 = tpu.bitcast %and3A_614 : vector<16xi32> -> vector<16xf32>
        %swap3A_616 = arith.index_cast %add3A_601 : i32 to index
        %swap3A_617 = arith.constant 0 : index
        %swap3A_618 = tpu.vector_load %arg11[%swap3A_616, %swap3A_617] {strides = array<i32>} : memref<512x128xf32, #tpu.memory_space<vmem>>, vector<1x16xf32>,
        %swap3A_619 = vector.shape_cast %swap3A_618 : vector<1x16xf32> to vector<16xf32>
        %swap3A_620 = vector.shape_cast %bitcast_convert_type3A_611 : vector<16xf32> to vector<1x16xf32>
        tpu.vector_store %arg11[%swap3A_616, %swap3A_617], %swap3A_620 {add = true, strides = array<i32>} : memref<512x128xf32, #tpu.memory_space<vmem>>, vector<1x16xf32>,
        %swap3A_621 = arith.index_cast %add3A_601 : i32 to index
        %swap3A_622 = arith.constant 16 : index
        %swap3A_623 = tpu.vector_load %arg11[%swap3A_621, %swap3A_622] {strides = array<i32>} : memref<512x128xf32, #tpu.memory_space<vmem>>, vector<1x16xf32>,
        %swap3A_624 = vector.shape_cast %swap3A_623 : vector<1x16xf32> to vector<16xf32>
        %swap3A_625 = vector.shape_cast %bitcast_convert_type3A_615 : vector<16xf32> to vector<1x16xf32>
        tpu.vector_store %arg11[%swap3A_621, %swap3A_622], %swap3A_625 {add = true, strides = array<i32>} : memref<512x128xf32, #tpu.memory_space<vmem>>, vector<1x16xf32>,
        %get3A_626 = arith.index_cast %squeeze3A_603 : i32 to index
        %get3A_627 = arith.constant 16 : index
        %get3A_628 = tpu.vector_load %arg12[%get3A_626, %get3A_627] {strides = array<i32>} : memref<400x64xi32, #tpu.memory_space<vmem>>, vector<1x16xi32>,
        %get3A_629 = vector.shape_cast %get3A_628 : vector<1x16xi32> to vector<16xi32>
        %shift_left3A_630 = arith.constant 16 : i32
        %shift_left3A_631 = vector.broadcast %shift_left3A_630 : i32 to vector<16xi32>
        %shift_left3A_632 = arith.shli %get3A_629, %shift_left3A_631 : vector<16xi32>
        %bitcast_convert_type3A_633 = tpu.bitcast %shift_left3A_632 : vector<16xi32> -> vector<16xf32>
        %and3A_634 = arith.constant -65536 : i32
        %and3A_635 = vector.broadcast %and3A_634 : i32 to vector<16xi32>
        %and3A_636 = arith.andi %get3A_629, %and3A_635 : vector<16xi32>
        %bitcast_convert_type3A_637 = tpu.bitcast %and3A_636 : vector<16xi32> -> vector<16xf32>
        %swap3A_638 = arith.index_cast %add3A_601 : i32 to index
        %swap3A_639 = arith.constant 32 : index
        %swap3A_640 = tpu.vector_load %arg11[%swap3A_638, %swap3A_639] {strides = array<i32>} : memref<512x128xf32, #tpu.memory_space<vmem>>, vector<1x16xf32>,
        %swap3A_641 = vector.shape_cast %swap3A_640 : vector<1x16xf32> to vector<16xf32>
        %swap3A_642 = vector.shape_cast %bitcast_convert_type3A_633 : vector<16xf32> to vector<1x16xf32>
        tpu.vector_store %arg11[%swap3A_638, %swap3A_639], %swap3A_642 {add = true, strides = array<i32>} : memref<512x128xf32, #tpu.memory_space<vmem>>, vector<1x16xf32>,
        %swap3A_643 = arith.index_cast %add3A_601 : i32 to index
        %swap3A_644 = arith.constant 48 : index
        %swap3A_645 = tpu.vector_load %arg11[%swap3A_643, %swap3A_644] {strides = array<i32>} : memref<512x128xf32, #tpu.memory_space<vmem>>, vector<1x16xf32>,
        %swap3A_646 = vector.shape_cast %swap3A_645 : vector<1x16xf32> to vector<16xf32>
        %swap3A_647 = vector.shape_cast %bitcast_convert_type3A_637 : vector<16xf32> to vector<1x16xf32>
        tpu.vector_store %arg11[%swap3A_643, %swap3A_644], %swap3A_647 {add = true, strides = array<i32>} : memref<512x128xf32, #tpu.memory_space<vmem>>, vector<1x16xf32>,
        %get3A_648 = arith.index_cast %squeeze3A_603 : i32 to index
        %get3A_649 = arith.constant 32 : index
        %get3A_650 = tpu.vector_load %arg12[%get3A_648, %get3A_649] {strides = array<i32>} : memref<400x64xi32, #tpu.memory_space<vmem>>, vector<1x16xi32>,
        %get3A_651 = vector.shape_cast %get3A_650 : vector<1x16xi32> to vector<16xi32>
        %shift_left3A_652 = arith.constant 16 : i32
        %shift_left3A_653 = vector.broadcast %shift_left3A_652 : i32 to vector<16xi32>
        %shift_left3A_654 = arith.shli %get3A_651, %shift_left3A_653 : vector<16xi32>
        %bitcast_convert_type3A_655 = tpu.bitcast %shift_left3A_654 : vector<16xi32> -> vector<16xf32>
        %and3A_656 = arith.constant -65536 : i32
        %and3A_657 = vector.broadcast %and3A_656 : i32 to vector<16xi32>
        %and3A_658 = arith.andi %get3A_651, %and3A_657 : vector<16xi32>
        %bitcast_convert_type3A_659 = tpu.bitcast %and3A_658 : vector<16xi32> -> vector<16xf32>
        %swap3A_660 = arith.index_cast %add3A_601 : i32 to index
        %swap3A_661 = arith.constant 64 : index
        %swap3A_662 = tpu.vector_load %arg11[%swap3A_660, %swap3A_661] {strides = array<i32>} : memref<512x128xf32, #tpu.memory_space<vmem>>, vector<1x16xf32>,
        %swap3A_663 = vector.shape_cast %swap3A_662 : vector<1x16xf32> to vector<16xf32>
        %swap3A_664 = vector.shape_cast %bitcast_convert_type3A_655 : vector<16xf32> to vector<1x16xf32>
        tpu.vector_store %arg11[%swap3A_660, %swap3A_661], %swap3A_664 {add = true, strides = array<i32>} : memref<512x128xf32, #tpu.memory_space<vmem>>, vector<1x16xf32>,
        %swap3A_665 = arith.index_cast %add3A_601 : i32 to index
        %swap3A_666 = arith.constant 80 : index
        %swap3A_667 = tpu.vector_load %arg11[%swap3A_665, %swap3A_666] {strides = array<i32>} : memref<512x128xf32, #tpu.memory_space<vmem>>, vector<1x16xf32>,
        %swap3A_668 = vector.shape_cast %swap3A_667 : vector<1x16xf32> to vector<16xf32>
        %swap3A_669 = vector.shape_cast %bitcast_convert_type3A_659 : vector<16xf32> to vector<1x16xf32>
        tpu.vector_store %arg11[%swap3A_665, %swap3A_666], %swap3A_669 {add = true, strides = array<i32>} : memref<512x128xf32, #tpu.memory_space<vmem>>, vector<1x16xf32>,
        %get3A_670 = arith.index_cast %squeeze3A_603 : i32 to index
        %get3A_671 = arith.constant 48 : index
        %get3A_672 = tpu.vector_load %arg12[%get3A_670, %get3A_671] {strides = array<i32>} : memref<400x64xi32, #tpu.memory_space<vmem>>, vector<1x16xi32>,
        %get3A_673 = vector.shape_cast %get3A_672 : vector<1x16xi32> to vector<16xi32>
        %shift_left3A_674 = arith.constant 16 : i32
        %shift_left3A_675 = vector.broadcast %shift_left3A_674 : i32 to vector<16xi32>
        %shift_left3A_676 = arith.shli %get3A_673, %shift_left3A_675 : vector<16xi32>
        %bitcast_convert_type3A_677 = tpu.bitcast %shift_left3A_676 : vector<16xi32> -> vector<16xf32>
        %and3A_678 = arith.constant -65536 : i32
        %and3A_679 = vector.broadcast %and3A_678 : i32 to vector<16xi32>
        %and3A_680 = arith.andi %get3A_673, %and3A_679 : vector<16xi32>
        %bitcast_convert_type3A_681 = tpu.bitcast %and3A_680 : vector<16xi32> -> vector<16xf32>
        %swap3A_682 = arith.index_cast %add3A_601 : i32 to index
        %swap3A_683 = arith.constant 96 : index
        %swap3A_684 = tpu.vector_load %arg11[%swap3A_682, %swap3A_683] {strides = array<i32>} : memref<512x128xf32, #tpu.memory_space<vmem>>, vector<1x16xf32>,
        %swap3A_685 = vector.shape_cast %swap3A_684 : vector<1x16xf32> to vector<16xf32>
        %swap3A_686 = vector.shape_cast %bitcast_convert_type3A_677 : vector<16xf32> to vector<1x16xf32>
        tpu.vector_store %arg11[%swap3A_682, %swap3A_683], %swap3A_686 {add = true, strides = array<i32>} : memref<512x128xf32, #tpu.memory_space<vmem>>, vector<1x16xf32>,
        %swap3A_687 = arith.index_cast %add3A_601 : i32 to index
        %swap3A_688 = arith.constant 112 : index
        %swap3A_689 = tpu.vector_load %arg11[%swap3A_687, %swap3A_688] {strides = array<i32>} : memref<512x128xf32, #tpu.memory_space<vmem>>, vector<1x16xf32>,
        %swap3A_690 = vector.shape_cast %swap3A_689 : vector<1x16xf32> to vector<16xf32>
        %swap3A_691 = vector.shape_cast %bitcast_convert_type3A_681 : vector<16xf32> to vector<1x16xf32>
        tpu.vector_store %arg11[%swap3A_687, %swap3A_688], %swap3A_691 {add = true, strides = array<i32>} : memref<512x128xf32, #tpu.memory_space<vmem>>, vector<1x16xf32>,
        %mul3A_692 = arith.constant 16 : i32
        %mul3A_693 = arith.muli %scan3A_118, %mul3A_692 : i32
        %add3A_694 = arith.addi %mul3A_82, %mul3A_693 : i32
        %add3A_695 = arith.constant 6 : i32
        %add3A_696 = arith.addi %add3A_694, %add3A_695 : i32
        %slice3A_697 = vector.extract_strided_slice %get3A_126 {offsets = [6], sizes = [1], strides = [1]} : vector<16xi32> to vector<1xi32>
        %squeeze3A_698 = vector.extract %slice3A_697[0] : i32 from vector<1xi32>
        %get3A_699 = arith.index_cast %squeeze3A_698 : i32 to index
        %get3A_700 = arith.constant 0 : index
        %get3A_701 = tpu.vector_load %arg12[%get3A_699, %get3A_700] {strides = array<i32>} : memref<400x64xi32, #tpu.memory_space<vmem>>, vector<1x16xi32>,
        %get3A_702 = vector.shape_cast %get3A_701 : vector<1x16xi32> to vector<16xi32>
        %shift_left3A_703 = arith.constant 16 : i32
        %shift_left3A_704 = vector.broadcast %shift_left3A_703 : i32 to vector<16xi32>
        %shift_left3A_705 = arith.shli %get3A_702, %shift_left3A_704 : vector<16xi32>
        %bitcast_convert_type3A_706 = tpu.bitcast %shift_left3A_705 : vector<16xi32> -> vector<16xf32>
        %and3A_707 = arith.constant -65536 : i32
        %and3A_708 = vector.broadcast %and3A_707 : i32 to vector<16xi32>
        %and3A_709 = arith.andi %get3A_702, %and3A_708 : vector<16xi32>
        %bitcast_convert_type3A_710 = tpu.bitcast %and3A_709 : vector<16xi32> -> vector<16xf32>
        %swap3A_711 = arith.index_cast %add3A_696 : i32 to index
        %swap3A_712 = arith.constant 0 : index
        %swap3A_713 = tpu.vector_load %arg11[%swap3A_711, %swap3A_712] {strides = array<i32>} : memref<512x128xf32, #tpu.memory_space<vmem>>, vector<1x16xf32>,
        %swap3A_714 = vector.shape_cast %swap3A_713 : vector<1x16xf32> to vector<16xf32>
        %swap3A_715 = vector.shape_cast %bitcast_convert_type3A_706 : vector<16xf32> to vector<1x16xf32>
        tpu.vector_store %arg11[%swap3A_711, %swap3A_712], %swap3A_715 {add = true, strides = array<i32>} : memref<512x128xf32, #tpu.memory_space<vmem>>, vector<1x16xf32>,
        %swap3A_716 = arith.index_cast %add3A_696 : i32 to index
        %swap3A_717 = arith.constant 16 : index
        %swap3A_718 = tpu.vector_load %arg11[%swap3A_716, %swap3A_717] {strides = array<i32>} : memref<512x128xf32, #tpu.memory_space<vmem>>, vector<1x16xf32>,
        %swap3A_719 = vector.shape_cast %swap3A_718 : vector<1x16xf32> to vector<16xf32>
        %swap3A_720 = vector.shape_cast %bitcast_convert_type3A_710 : vector<16xf32> to vector<1x16xf32>
        tpu.vector_store %arg11[%swap3A_716, %swap3A_717], %swap3A_720 {add = true, strides = array<i32>} : memref<512x128xf32, #tpu.memory_space<vmem>>, vector<1x16xf32>,
        %get3A_721 = arith.index_cast %squeeze3A_698 : i32 to index
        %get3A_722 = arith.constant 16 : index
        %get3A_723 = tpu.vector_load %arg12[%get3A_721, %get3A_722] {strides = array<i32>} : memref<400x64xi32, #tpu.memory_space<vmem>>, vector<1x16xi32>,
        %get3A_724 = vector.shape_cast %get3A_723 : vector<1x16xi32> to vector<16xi32>
        %shift_left3A_725 = arith.constant 16 : i32
        %shift_left3A_726 = vector.broadcast %shift_left3A_725 : i32 to vector<16xi32>
        %shift_left3A_727 = arith.shli %get3A_724, %shift_left3A_726 : vector<16xi32>
        %bitcast_convert_type3A_728 = tpu.bitcast %shift_left3A_727 : vector<16xi32> -> vector<16xf32>
        %and3A_729 = arith.constant -65536 : i32
        %and3A_730 = vector.broadcast %and3A_729 : i32 to vector<16xi32>
        %and3A_731 = arith.andi %get3A_724, %and3A_730 : vector<16xi32>
        %bitcast_convert_type3A_732 = tpu.bitcast %and3A_731 : vector<16xi32> -> vector<16xf32>
        %swap3A_733 = arith.index_cast %add3A_696 : i32 to index
        %swap3A_734 = arith.constant 32 : index
        %swap3A_735 = tpu.vector_load %arg11[%swap3A_733, %swap3A_734] {strides = array<i32>} : memref<512x128xf32, #tpu.memory_space<vmem>>, vector<1x16xf32>,
        %swap3A_736 = vector.shape_cast %swap3A_735 : vector<1x16xf32> to vector<16xf32>
        %swap3A_737 = vector.shape_cast %bitcast_convert_type3A_728 : vector<16xf32> to vector<1x16xf32>
        tpu.vector_store %arg11[%swap3A_733, %swap3A_734], %swap3A_737 {add = true, strides = array<i32>} : memref<512x128xf32, #tpu.memory_space<vmem>>, vector<1x16xf32>,
        %swap3A_738 = arith.index_cast %add3A_696 : i32 to index
        %swap3A_739 = arith.constant 48 : index
        %swap3A_740 = tpu.vector_load %arg11[%swap3A_738, %swap3A_739] {strides = array<i32>} : memref<512x128xf32, #tpu.memory_space<vmem>>, vector<1x16xf32>,
        %swap3A_741 = vector.shape_cast %swap3A_740 : vector<1x16xf32> to vector<16xf32>
        %swap3A_742 = vector.shape_cast %bitcast_convert_type3A_732 : vector<16xf32> to vector<1x16xf32>
        tpu.vector_store %arg11[%swap3A_738, %swap3A_739], %swap3A_742 {add = true, strides = array<i32>} : memref<512x128xf32, #tpu.memory_space<vmem>>, vector<1x16xf32>,
        %get3A_743 = arith.index_cast %squeeze3A_698 : i32 to index
        %get3A_744 = arith.constant 32 : index
        %get3A_745 = tpu.vector_load %arg12[%get3A_743, %get3A_744] {strides = array<i32>} : memref<400x64xi32, #tpu.memory_space<vmem>>, vector<1x16xi32>,
        %get3A_746 = vector.shape_cast %get3A_745 : vector<1x16xi32> to vector<16xi32>
        %shift_left3A_747 = arith.constant 16 : i32
        %shift_left3A_748 = vector.broadcast %shift_left3A_747 : i32 to vector<16xi32>
        %shift_left3A_749 = arith.shli %get3A_746, %shift_left3A_748 : vector<16xi32>
        %bitcast_convert_type3A_750 = tpu.bitcast %shift_left3A_749 : vector<16xi32> -> vector<16xf32>
        %and3A_751 = arith.constant -65536 : i32
        %and3A_752 = vector.broadcast %and3A_751 : i32 to vector<16xi32>
        %and3A_753 = arith.andi %get3A_746, %and3A_752 : vector<16xi32>
        %bitcast_convert_type3A_754 = tpu.bitcast %and3A_753 : vector<16xi32> -> vector<16xf32>
        %swap3A_755 = arith.index_cast %add3A_696 : i32 to index
        %swap3A_756 = arith.constant 64 : index
        %swap3A_757 = tpu.vector_load %arg11[%swap3A_755, %swap3A_756] {strides = array<i32>} : memref<512x128xf32, #tpu.memory_space<vmem>>, vector<1x16xf32>,
        %swap3A_758 = vector.shape_cast %swap3A_757 : vector<1x16xf32> to vector<16xf32>
        %swap3A_759 = vector.shape_cast %bitcast_convert_type3A_750 : vector<16xf32> to vector<1x16xf32>
        tpu.vector_store %arg11[%swap3A_755, %swap3A_756], %swap3A_759 {add = true, strides = array<i32>} : memref<512x128xf32, #tpu.memory_space<vmem>>, vector<1x16xf32>,
        %swap3A_760 = arith.index_cast %add3A_696 : i32 to index
        %swap3A_761 = arith.constant 80 : index
        %swap3A_762 = tpu.vector_load %arg11[%swap3A_760, %swap3A_761] {strides = array<i32>} : memref<512x128xf32, #tpu.memory_space<vmem>>, vector<1x16xf32>,
        %swap3A_763 = vector.shape_cast %swap3A_762 : vector<1x16xf32> to vector<16xf32>
        %swap3A_764 = vector.shape_cast %bitcast_convert_type3A_754 : vector<16xf32> to vector<1x16xf32>
        tpu.vector_store %arg11[%swap3A_760, %swap3A_761], %swap3A_764 {add = true, strides = array<i32>} : memref<512x128xf32, #tpu.memory_space<vmem>>, vector<1x16xf32>,
        %get3A_765 = arith.index_cast %squeeze3A_698 : i32 to index
        %get3A_766 = arith.constant 48 : index
        %get3A_767 = tpu.vector_load %arg12[%get3A_765, %get3A_766] {strides = array<i32>} : memref<400x64xi32, #tpu.memory_space<vmem>>, vector<1x16xi32>,
        %get3A_768 = vector.shape_cast %get3A_767 : vector<1x16xi32> to vector<16xi32>
        %shift_left3A_769 = arith.constant 16 : i32
        %shift_left3A_770 = vector.broadcast %shift_left3A_769 : i32 to vector<16xi32>
        %shift_left3A_771 = arith.shli %get3A_768, %shift_left3A_770 : vector<16xi32>
        %bitcast_convert_type3A_772 = tpu.bitcast %shift_left3A_771 : vector<16xi32> -> vector<16xf32>
        %and3A_773 = arith.constant -65536 : i32
        %and3A_774 = vector.broadcast %and3A_773 : i32 to vector<16xi32>
        %and3A_775 = arith.andi %get3A_768, %and3A_774 : vector<16xi32>
        %bitcast_convert_type3A_776 = tpu.bitcast %and3A_775 : vector<16xi32> -> vector<16xf32>
        %swap3A_777 = arith.index_cast %add3A_696 : i32 to index
        %swap3A_778 = arith.constant 96 : index
        %swap3A_779 = tpu.vector_load %arg11[%swap3A_777, %swap3A_778] {strides = array<i32>} : memref<512x128xf32, #tpu.memory_space<vmem>>, vector<1x16xf32>,
        %swap3A_780 = vector.shape_cast %swap3A_779 : vector<1x16xf32> to vector<16xf32>
        %swap3A_781 = vector.shape_cast %bitcast_convert_type3A_772 : vector<16xf32> to vector<1x16xf32>
        tpu.vector_store %arg11[%swap3A_777, %swap3A_778], %swap3A_781 {add = true, strides = array<i32>} : memref<512x128xf32, #tpu.memory_space<vmem>>, vector<1x16xf32>,
        %swap3A_782 = arith.index_cast %add3A_696 : i32 to index
        %swap3A_783 = arith.constant 112 : index
        %swap3A_784 = tpu.vector_load %arg11[%swap3A_782, %swap3A_783] {strides = array<i32>} : memref<512x128xf32, #tpu.memory_space<vmem>>, vector<1x16xf32>,
        %swap3A_785 = vector.shape_cast %swap3A_784 : vector<1x16xf32> to vector<16xf32>
        %swap3A_786 = vector.shape_cast %bitcast_convert_type3A_776 : vector<16xf32> to vector<1x16xf32>
        tpu.vector_store %arg11[%swap3A_782, %swap3A_783], %swap3A_786 {add = true, strides = array<i32>} : memref<512x128xf32, #tpu.memory_space<vmem>>, vector<1x16xf32>,
        %mul3A_787 = arith.constant 16 : i32
        %mul3A_788 = arith.muli %scan3A_118, %mul3A_787 : i32
        %add3A_789 = arith.addi %mul3A_82, %mul3A_788 : i32
        %add3A_790 = arith.constant 7 : i32
        %add3A_791 = arith.addi %add3A_789, %add3A_790 : i32
        %slice3A_792 = vector.extract_strided_slice %get3A_126 {offsets = [7], sizes = [1], strides = [1]} : vector<16xi32> to vector<1xi32>
        %squeeze3A_793 = vector.extract %slice3A_792[0] : i32 from vector<1xi32>
        %get3A_794 = arith.index_cast %squeeze3A_793 : i32 to index
        %get3A_795 = arith.constant 0 : index
        %get3A_796 = tpu.vector_load %arg12[%get3A_794, %get3A_795] {strides = array<i32>} : memref<400x64xi32, #tpu.memory_space<vmem>>, vector<1x16xi32>,
        %get3A_797 = vector.shape_cast %get3A_796 : vector<1x16xi32> to vector<16xi32>
        %shift_left3A_798 = arith.constant 16 : i32
        %shift_left3A_799 = vector.broadcast %shift_left3A_798 : i32 to vector<16xi32>
        %shift_left3A_800 = arith.shli %get3A_797, %shift_left3A_799 : vector<16xi32>
        %bitcast_convert_type3A_801 = tpu.bitcast %shift_left3A_800 : vector<16xi32> -> vector<16xf32>
        %and3A_802 = arith.constant -65536 : i32
        %and3A_803 = vector.broadcast %and3A_802 : i32 to vector<16xi32>
        %and3A_804 = arith.andi %get3A_797, %and3A_803 : vector<16xi32>
        %bitcast_convert_type3A_805 = tpu.bitcast %and3A_804 : vector<16xi32> -> vector<16xf32>
        %swap3A_806 = arith.index_cast %add3A_791 : i32 to index
        %swap3A_807 = arith.constant 0 : index
        %swap3A_808 = tpu.vector_load %arg11[%swap3A_806, %swap3A_807] {strides = array<i32>} : memref<512x128xf32, #tpu.memory_space<vmem>>, vector<1x16xf32>,
        %swap3A_809 = vector.shape_cast %swap3A_808 : vector<1x16xf32> to vector<16xf32>
        %swap3A_810 = vector.shape_cast %bitcast_convert_type3A_801 : vector<16xf32> to vector<1x16xf32>
        tpu.vector_store %arg11[%swap3A_806, %swap3A_807], %swap3A_810 {add = true, strides = array<i32>} : memref<512x128xf32, #tpu.memory_space<vmem>>, vector<1x16xf32>,
        %swap3A_811 = arith.index_cast %add3A_791 : i32 to index
        %swap3A_812 = arith.constant 16 : index
        %swap3A_813 = tpu.vector_load %arg11[%swap3A_811, %swap3A_812] {strides = array<i32>} : memref<512x128xf32, #tpu.memory_space<vmem>>, vector<1x16xf32>,
        %swap3A_814 = vector.shape_cast %swap3A_813 : vector<1x16xf32> to vector<16xf32>
        %swap3A_815 = vector.shape_cast %bitcast_convert_type3A_805 : vector<16xf32> to vector<1x16xf32>
        tpu.vector_store %arg11[%swap3A_811, %swap3A_812], %swap3A_815 {add = true, strides = array<i32>} : memref<512x128xf32, #tpu.memory_space<vmem>>, vector<1x16xf32>,
        %get3A_816 = arith.index_cast %squeeze3A_793 : i32 to index
        %get3A_817 = arith.constant 16 : index
        %get3A_818 = tpu.vector_load %arg12[%get3A_816, %get3A_817] {strides = array<i32>} : memref<400x64xi32, #tpu.memory_space<vmem>>, vector<1x16xi32>,
        %get3A_819 = vector.shape_cast %get3A_818 : vector<1x16xi32> to vector<16xi32>
        %shift_left3A_820 = arith.constant 16 : i32
        %shift_left3A_821 = vector.broadcast %shift_left3A_820 : i32 to vector<16xi32>
        %shift_left3A_822 = arith.shli %get3A_819, %shift_left3A_821 : vector<16xi32>
        %bitcast_convert_type3A_823 = tpu.bitcast %shift_left3A_822 : vector<16xi32> -> vector<16xf32>
        %and3A_824 = arith.constant -65536 : i32
        %and3A_825 = vector.broadcast %and3A_824 : i32 to vector<16xi32>
        %and3A_826 = arith.andi %get3A_819, %and3A_825 : vector<16xi32>
        %bitcast_convert_type3A_827 = tpu.bitcast %and3A_826 : vector<16xi32> -> vector<16xf32>
        %swap3A_828 = arith.index_cast %add3A_791 : i32 to index
        %swap3A_829 = arith.constant 32 : index
        %swap3A_830 = tpu.vector_load %arg11[%swap3A_828, %swap3A_829] {strides = array<i32>} : memref<512x128xf32, #tpu.memory_space<vmem>>, vector<1x16xf32>,
        %swap3A_831 = vector.shape_cast %swap3A_830 : vector<1x16xf32> to vector<16xf32>
        %swap3A_832 = vector.shape_cast %bitcast_convert_type3A_823 : vector<16xf32> to vector<1x16xf32>
        tpu.vector_store %arg11[%swap3A_828, %swap3A_829], %swap3A_832 {add = true, strides = array<i32>} : memref<512x128xf32, #tpu.memory_space<vmem>>, vector<1x16xf32>,
        %swap3A_833 = arith.index_cast %add3A_791 : i32 to index
        %swap3A_834 = arith.constant 48 : index
        %swap3A_835 = tpu.vector_load %arg11[%swap3A_833, %swap3A_834] {strides = array<i32>} : memref<512x128xf32, #tpu.memory_space<vmem>>, vector<1x16xf32>,
        %swap3A_836 = vector.shape_cast %swap3A_835 : vector<1x16xf32> to vector<16xf32>
        %swap3A_837 = vector.shape_cast %bitcast_convert_type3A_827 : vector<16xf32> to vector<1x16xf32>
        tpu.vector_store %arg11[%swap3A_833, %swap3A_834], %swap3A_837 {add = true, strides = array<i32>} : memref<512x128xf32, #tpu.memory_space<vmem>>, vector<1x16xf32>,
        %get3A_838 = arith.index_cast %squeeze3A_793 : i32 to index
        %get3A_839 = arith.constant 32 : index
        %get3A_840 = tpu.vector_load %arg12[%get3A_838, %get3A_839] {strides = array<i32>} : memref<400x64xi32, #tpu.memory_space<vmem>>, vector<1x16xi32>,
        %get3A_841 = vector.shape_cast %get3A_840 : vector<1x16xi32> to vector<16xi32>
        %shift_left3A_842 = arith.constant 16 : i32
        %shift_left3A_843 = vector.broadcast %shift_left3A_842 : i32 to vector<16xi32>
        %shift_left3A_844 = arith.shli %get3A_841, %shift_left3A_843 : vector<16xi32>
        %bitcast_convert_type3A_845 = tpu.bitcast %shift_left3A_844 : vector<16xi32> -> vector<16xf32>
        %and3A_846 = arith.constant -65536 : i32
        %and3A_847 = vector.broadcast %and3A_846 : i32 to vector<16xi32>
        %and3A_848 = arith.andi %get3A_841, %and3A_847 : vector<16xi32>
        %bitcast_convert_type3A_849 = tpu.bitcast %and3A_848 : vector<16xi32> -> vector<16xf32>
        %swap3A_850 = arith.index_cast %add3A_791 : i32 to index
        %swap3A_851 = arith.constant 64 : index
        %swap3A_852 = tpu.vector_load %arg11[%swap3A_850, %swap3A_851] {strides = array<i32>} : memref<512x128xf32, #tpu.memory_space<vmem>>, vector<1x16xf32>,
        %swap3A_853 = vector.shape_cast %swap3A_852 : vector<1x16xf32> to vector<16xf32>
        %swap3A_854 = vector.shape_cast %bitcast_convert_type3A_845 : vector<16xf32> to vector<1x16xf32>
        tpu.vector_store %arg11[%swap3A_850, %swap3A_851], %swap3A_854 {add = true, strides = array<i32>} : memref<512x128xf32, #tpu.memory_space<vmem>>, vector<1x16xf32>,
        %swap3A_855 = arith.index_cast %add3A_791 : i32 to index
        %swap3A_856 = arith.constant 80 : index
        %swap3A_857 = tpu.vector_load %arg11[%swap3A_855, %swap3A_856] {strides = array<i32>} : memref<512x128xf32, #tpu.memory_space<vmem>>, vector<1x16xf32>,
        %swap3A_858 = vector.shape_cast %swap3A_857 : vector<1x16xf32> to vector<16xf32>
        %swap3A_859 = vector.shape_cast %bitcast_convert_type3A_849 : vector<16xf32> to vector<1x16xf32>
        tpu.vector_store %arg11[%swap3A_855, %swap3A_856], %swap3A_859 {add = true, strides = array<i32>} : memref<512x128xf32, #tpu.memory_space<vmem>>, vector<1x16xf32>,
        %get3A_860 = arith.index_cast %squeeze3A_793 : i32 to index
        %get3A_861 = arith.constant 48 : index
        %get3A_862 = tpu.vector_load %arg12[%get3A_860, %get3A_861] {strides = array<i32>} : memref<400x64xi32, #tpu.memory_space<vmem>>, vector<1x16xi32>,
        %get3A_863 = vector.shape_cast %get3A_862 : vector<1x16xi32> to vector<16xi32>
        %shift_left3A_864 = arith.constant 16 : i32
        %shift_left3A_865 = vector.broadcast %shift_left3A_864 : i32 to vector<16xi32>
        %shift_left3A_866 = arith.shli %get3A_863, %shift_left3A_865 : vector<16xi32>
        %bitcast_convert_type3A_867 = tpu.bitcast %shift_left3A_866 : vector<16xi32> -> vector<16xf32>
        %and3A_868 = arith.constant -65536 : i32
        %and3A_869 = vector.broadcast %and3A_868 : i32 to vector<16xi32>
        %and3A_870 = arith.andi %get3A_863, %and3A_869 : vector<16xi32>
        %bitcast_convert_type3A_871 = tpu.bitcast %and3A_870 : vector<16xi32> -> vector<16xf32>
        %swap3A_872 = arith.index_cast %add3A_791 : i32 to index
        %swap3A_873 = arith.constant 96 : index
        %swap3A_874 = tpu.vector_load %arg11[%swap3A_872, %swap3A_873] {strides = array<i32>} : memref<512x128xf32, #tpu.memory_space<vmem>>, vector<1x16xf32>,
        %swap3A_875 = vector.shape_cast %swap3A_874 : vector<1x16xf32> to vector<16xf32>
        %swap3A_876 = vector.shape_cast %bitcast_convert_type3A_867 : vector<16xf32> to vector<1x16xf32>
        tpu.vector_store %arg11[%swap3A_872, %swap3A_873], %swap3A_876 {add = true, strides = array<i32>} : memref<512x128xf32, #tpu.memory_space<vmem>>, vector<1x16xf32>,
        %swap3A_877 = arith.index_cast %add3A_791 : i32 to index
        %swap3A_878 = arith.constant 112 : index
        %swap3A_879 = tpu.vector_load %arg11[%swap3A_877, %swap3A_878] {strides = array<i32>} : memref<512x128xf32, #tpu.memory_space<vmem>>, vector<1x16xf32>,
        %swap3A_880 = vector.shape_cast %swap3A_879 : vector<1x16xf32> to vector<16xf32>
        %swap3A_881 = vector.shape_cast %bitcast_convert_type3A_871 : vector<16xf32> to vector<1x16xf32>
        tpu.vector_store %arg11[%swap3A_877, %swap3A_878], %swap3A_881 {add = true, strides = array<i32>} : memref<512x128xf32, #tpu.memory_space<vmem>>, vector<1x16xf32>,
        %mul3A_882 = arith.constant 16 : i32
        %mul3A_883 = arith.muli %scan3A_118, %mul3A_882 : i32
        %add3A_884 = arith.addi %mul3A_82, %mul3A_883 : i32
        %add3A_885 = arith.constant 8 : i32
        %add3A_886 = arith.addi %add3A_884, %add3A_885 : i32
        %slice3A_887 = vector.extract_strided_slice %get3A_126 {offsets = [8], sizes = [1], strides = [1]} : vector<16xi32> to vector<1xi32>
        %squeeze3A_888 = vector.extract %slice3A_887[0] : i32 from vector<1xi32>
        %get3A_889 = arith.index_cast %squeeze3A_888 : i32 to index
        %get3A_890 = arith.constant 0 : index
        %get3A_891 = tpu.vector_load %arg12[%get3A_889, %get3A_890] {strides = array<i32>} : memref<400x64xi32, #tpu.memory_space<vmem>>, vector<1x16xi32>,
        %get3A_892 = vector.shape_cast %get3A_891 : vector<1x16xi32> to vector<16xi32>
        %shift_left3A_893 = arith.constant 16 : i32
        %shift_left3A_894 = vector.broadcast %shift_left3A_893 : i32 to vector<16xi32>
        %shift_left3A_895 = arith.shli %get3A_892, %shift_left3A_894 : vector<16xi32>
        %bitcast_convert_type3A_896 = tpu.bitcast %shift_left3A_895 : vector<16xi32> -> vector<16xf32>
        %and3A_897 = arith.constant -65536 : i32
        %and3A_898 = vector.broadcast %and3A_897 : i32 to vector<16xi32>
        %and3A_899 = arith.andi %get3A_892, %and3A_898 : vector<16xi32>
        %bitcast_convert_type3A_900 = tpu.bitcast %and3A_899 : vector<16xi32> -> vector<16xf32>
        %swap3A_901 = arith.index_cast %add3A_886 : i32 to index
        %swap3A_902 = arith.constant 0 : index
        %swap3A_903 = tpu.vector_load %arg11[%swap3A_901, %swap3A_902] {strides = array<i32>} : memref<512x128xf32, #tpu.memory_space<vmem>>, vector<1x16xf32>,
        %swap3A_904 = vector.shape_cast %swap3A_903 : vector<1x16xf32> to vector<16xf32>
        %swap3A_905 = vector.shape_cast %bitcast_convert_type3A_896 : vector<16xf32> to vector<1x16xf32>
        tpu.vector_store %arg11[%swap3A_901, %swap3A_902], %swap3A_905 {add = true, strides = array<i32>} : memref<512x128xf32, #tpu.memory_space<vmem>>, vector<1x16xf32>,
        %swap3A_906 = arith.index_cast %add3A_886 : i32 to index
        %swap3A_907 = arith.constant 16 : index
        %swap3A_908 = tpu.vector_load %arg11[%swap3A_906, %swap3A_907] {strides = array<i32>} : memref<512x128xf32, #tpu.memory_space<vmem>>, vector<1x16xf32>,
        %swap3A_909 = vector.shape_cast %swap3A_908 : vector<1x16xf32> to vector<16xf32>
        %swap3A_910 = vector.shape_cast %bitcast_convert_type3A_900 : vector<16xf32> to vector<1x16xf32>
        tpu.vector_store %arg11[%swap3A_906, %swap3A_907], %swap3A_910 {add = true, strides = array<i32>} : memref<512x128xf32, #tpu.memory_space<vmem>>, vector<1x16xf32>,
        %get3A_911 = arith.index_cast %squeeze3A_888 : i32 to index
        %get3A_912 = arith.constant 16 : index
        %get3A_913 = tpu.vector_load %arg12[%get3A_911, %get3A_912] {strides = array<i32>} : memref<400x64xi32, #tpu.memory_space<vmem>>, vector<1x16xi32>,
        %get3A_914 = vector.shape_cast %get3A_913 : vector<1x16xi32> to vector<16xi32>
        %shift_left3A_915 = arith.constant 16 : i32
        %shift_left3A_916 = vector.broadcast %shift_left3A_915 : i32 to vector<16xi32>
        %shift_left3A_917 = arith.shli %get3A_914, %shift_left3A_916 : vector<16xi32>
        %bitcast_convert_type3A_918 = tpu.bitcast %shift_left3A_917 : vector<16xi32> -> vector<16xf32>
        %and3A_919 = arith.constant -65536 : i32
        %and3A_920 = vector.broadcast %and3A_919 : i32 to vector<16xi32>
        %and3A_921 = arith.andi %get3A_914, %and3A_920 : vector<16xi32>
        %bitcast_convert_type3A_922 = tpu.bitcast %and3A_921 : vector<16xi32> -> vector<16xf32>
        %swap3A_923 = arith.index_cast %add3A_886 : i32 to index
        %swap3A_924 = arith.constant 32 : index
        %swap3A_925 = tpu.vector_load %arg11[%swap3A_923, %swap3A_924] {strides = array<i32>} : memref<512x128xf32, #tpu.memory_space<vmem>>, vector<1x16xf32>,
        %swap3A_926 = vector.shape_cast %swap3A_925 : vector<1x16xf32> to vector<16xf32>
        %swap3A_927 = vector.shape_cast %bitcast_convert_type3A_918 : vector<16xf32> to vector<1x16xf32>
        tpu.vector_store %arg11[%swap3A_923, %swap3A_924], %swap3A_927 {add = true, strides = array<i32>} : memref<512x128xf32, #tpu.memory_space<vmem>>, vector<1x16xf32>,
        %swap3A_928 = arith.index_cast %add3A_886 : i32 to index
        %swap3A_929 = arith.constant 48 : index
        %swap3A_930 = tpu.vector_load %arg11[%swap3A_928, %swap3A_929] {strides = array<i32>} : memref<512x128xf32, #tpu.memory_space<vmem>>, vector<1x16xf32>,
        %swap3A_931 = vector.shape_cast %swap3A_930 : vector<1x16xf32> to vector<16xf32>
        %swap3A_932 = vector.shape_cast %bitcast_convert_type3A_922 : vector<16xf32> to vector<1x16xf32>
        tpu.vector_store %arg11[%swap3A_928, %swap3A_929], %swap3A_932 {add = true, strides = array<i32>} : memref<512x128xf32, #tpu.memory_space<vmem>>, vector<1x16xf32>,
        %get3A_933 = arith.index_cast %squeeze3A_888 : i32 to index
        %get3A_934 = arith.constant 32 : index
        %get3A_935 = tpu.vector_load %arg12[%get3A_933, %get3A_934] {strides = array<i32>} : memref<400x64xi32, #tpu.memory_space<vmem>>, vector<1x16xi32>,
        %get3A_936 = vector.shape_cast %get3A_935 : vector<1x16xi32> to vector<16xi32>
        %shift_left3A_937 = arith.constant 16 : i32
        %shift_left3A_938 = vector.broadcast %shift_left3A_937 : i32 to vector<16xi32>
        %shift_left3A_939 = arith.shli %get3A_936, %shift_left3A_938 : vector<16xi32>
        %bitcast_convert_type3A_940 = tpu.bitcast %shift_left3A_939 : vector<16xi32> -> vector<16xf32>
        %and3A_941 = arith.constant -65536 : i32
        %and3A_942 = vector.broadcast %and3A_941 : i32 to vector<16xi32>
        %and3A_943 = arith.andi %get3A_936, %and3A_942 : vector<16xi32>
        %bitcast_convert_type3A_944 = tpu.bitcast %and3A_943 : vector<16xi32> -> vector<16xf32>
        %swap3A_945 = arith.index_cast %add3A_886 : i32 to index
        %swap3A_946 = arith.constant 64 : index
        %swap3A_947 = tpu.vector_load %arg11[%swap3A_945, %swap3A_946] {strides = array<i32>} : memref<512x128xf32, #tpu.memory_space<vmem>>, vector<1x16xf32>,
        %swap3A_948 = vector.shape_cast %swap3A_947 : vector<1x16xf32> to vector<16xf32>
        %swap3A_949 = vector.shape_cast %bitcast_convert_type3A_940 : vector<16xf32> to vector<1x16xf32>
        tpu.vector_store %arg11[%swap3A_945, %swap3A_946], %swap3A_949 {add = true, strides = array<i32>} : memref<512x128xf32, #tpu.memory_space<vmem>>, vector<1x16xf32>,
        %swap3A_950 = arith.index_cast %add3A_886 : i32 to index
        %swap3A_951 = arith.constant 80 : index
        %swap3A_952 = tpu.vector_load %arg11[%swap3A_950, %swap3A_951] {strides = array<i32>} : memref<512x128xf32, #tpu.memory_space<vmem>>, vector<1x16xf32>,
        %swap3A_953 = vector.shape_cast %swap3A_952 : vector<1x16xf32> to vector<16xf32>
        %swap3A_954 = vector.shape_cast %bitcast_convert_type3A_944 : vector<16xf32> to vector<1x16xf32>
        tpu.vector_store %arg11[%swap3A_950, %swap3A_951], %swap3A_954 {add = true, strides = array<i32>} : memref<512x128xf32, #tpu.memory_space<vmem>>, vector<1x16xf32>,
        %get3A_955 = arith.index_cast %squeeze3A_888 : i32 to index
        %get3A_956 = arith.constant 48 : index
        %get3A_957 = tpu.vector_load %arg12[%get3A_955, %get3A_956] {strides = array<i32>} : memref<400x64xi32, #tpu.memory_space<vmem>>, vector<1x16xi32>,
        %get3A_958 = vector.shape_cast %get3A_957 : vector<1x16xi32> to vector<16xi32>
        %shift_left3A_959 = arith.constant 16 : i32
        %shift_left3A_960 = vector.broadcast %shift_left3A_959 : i32 to vector<16xi32>
        %shift_left3A_961 = arith.shli %get3A_958, %shift_left3A_960 : vector<16xi32>
        %bitcast_convert_type3A_962 = tpu.bitcast %shift_left3A_961 : vector<16xi32> -> vector<16xf32>
        %and3A_963 = arith.constant -65536 : i32
        %and3A_964 = vector.broadcast %and3A_963 : i32 to vector<16xi32>
        %and3A_965 = arith.andi %get3A_958, %and3A_964 : vector<16xi32>
        %bitcast_convert_type3A_966 = tpu.bitcast %and3A_965 : vector<16xi32> -> vector<16xf32>
        %swap3A_967 = arith.index_cast %add3A_886 : i32 to index
        %swap3A_968 = arith.constant 96 : index
        %swap3A_969 = tpu.vector_load %arg11[%swap3A_967, %swap3A_968] {strides = array<i32>} : memref<512x128xf32, #tpu.memory_space<vmem>>, vector<1x16xf32>,
        %swap3A_970 = vector.shape_cast %swap3A_969 : vector<1x16xf32> to vector<16xf32>
        %swap3A_971 = vector.shape_cast %bitcast_convert_type3A_962 : vector<16xf32> to vector<1x16xf32>
        tpu.vector_store %arg11[%swap3A_967, %swap3A_968], %swap3A_971 {add = true, strides = array<i32>} : memref<512x128xf32, #tpu.memory_space<vmem>>, vector<1x16xf32>,
        %swap3A_972 = arith.index_cast %add3A_886 : i32 to index
        %swap3A_973 = arith.constant 112 : index
        %swap3A_974 = tpu.vector_load %arg11[%swap3A_972, %swap3A_973] {strides = array<i32>} : memref<512x128xf32, #tpu.memory_space<vmem>>, vector<1x16xf32>,
        %swap3A_975 = vector.shape_cast %swap3A_974 : vector<1x16xf32> to vector<16xf32>
        %swap3A_976 = vector.shape_cast %bitcast_convert_type3A_966 : vector<16xf32> to vector<1x16xf32>
        tpu.vector_store %arg11[%swap3A_972, %swap3A_973], %swap3A_976 {add = true, strides = array<i32>} : memref<512x128xf32, #tpu.memory_space<vmem>>, vector<1x16xf32>,
        %mul3A_977 = arith.constant 16 : i32
        %mul3A_978 = arith.muli %scan3A_118, %mul3A_977 : i32
        %add3A_979 = arith.addi %mul3A_82, %mul3A_978 : i32
        %add3A_980 = arith.constant 9 : i32
        %add3A_981 = arith.addi %add3A_979, %add3A_980 : i32
        %slice3A_982 = vector.extract_strided_slice %get3A_126 {offsets = [9], sizes = [1], strides = [1]} : vector<16xi32> to vector<1xi32>
        %squeeze3A_983 = vector.extract %slice3A_982[0] : i32 from vector<1xi32>
        %get3A_984 = arith.index_cast %squeeze3A_983 : i32 to index
        %get3A_985 = arith.constant 0 : index
        %get3A_986 = tpu.vector_load %arg12[%get3A_984, %get3A_985] {strides = array<i32>} : memref<400x64xi32, #tpu.memory_space<vmem>>, vector<1x16xi32>,
        %get3A_987 = vector.shape_cast %get3A_986 : vector<1x16xi32> to vector<16xi32>
        %shift_left3A_988 = arith.constant 16 : i32
        %shift_left3A_989 = vector.broadcast %shift_left3A_988 : i32 to vector<16xi32>
        %shift_left3A_990 = arith.shli %get3A_987, %shift_left3A_989 : vector<16xi32>
        %bitcast_convert_type3A_991 = tpu.bitcast %shift_left3A_990 : vector<16xi32> -> vector<16xf32>
        %and3A_992 = arith.constant -65536 : i32
        %and3A_993 = vector.broadcast %and3A_992 : i32 to vector<16xi32>
        %and3A_994 = arith.andi %get3A_987, %and3A_993 : vector<16xi32>
        %bitcast_convert_type3A_995 = tpu.bitcast %and3A_994 : vector<16xi32> -> vector<16xf32>
        %swap3A_996 = arith.index_cast %add3A_981 : i32 to index
        %swap3A_997 = arith.constant 0 : index
        %swap3A_998 = tpu.vector_load %arg11[%swap3A_996, %swap3A_997] {strides = array<i32>} : memref<512x128xf32, #tpu.memory_space<vmem>>, vector<1x16xf32>,
        %swap3A_999 = vector.shape_cast %swap3A_998 : vector<1x16xf32> to vector<16xf32>
        %swap3A_1000 = vector.shape_cast %bitcast_convert_type3A_991 : vector<16xf32> to vector<1x16xf32>
        tpu.vector_store %arg11[%swap3A_996, %swap3A_997], %swap3A_1000 {add = true, strides = array<i32>} : memref<512x128xf32, #tpu.memory_space<vmem>>, vector<1x16xf32>,
        %swap3A_1001 = arith.index_cast %add3A_981 : i32 to index
        %swap3A_1002 = arith.constant 16 : index
        %swap3A_1003 = tpu.vector_load %arg11[%swap3A_1001, %swap3A_1002] {strides = array<i32>} : memref<512x128xf32, #tpu.memory_space<vmem>>, vector<1x16xf32>,
        %swap3A_1004 = vector.shape_cast %swap3A_1003 : vector<1x16xf32> to vector<16xf32>
        %swap3A_1005 = vector.shape_cast %bitcast_convert_type3A_995 : vector<16xf32> to vector<1x16xf32>
        tpu.vector_store %arg11[%swap3A_1001, %swap3A_1002], %swap3A_1005 {add = true, strides = array<i32>} : memref<512x128xf32, #tpu.memory_space<vmem>>, vector<1x16xf32>,
        %get3A_1006 = arith.index_cast %squeeze3A_983 : i32 to index
        %get3A_1007 = arith.constant 16 : index
        %get3A_1008 = tpu.vector_load %arg12[%get3A_1006, %get3A_1007] {strides = array<i32>} : memref<400x64xi32, #tpu.memory_space<vmem>>, vector<1x16xi32>,
        %get3A_1009 = vector.shape_cast %get3A_1008 : vector<1x16xi32> to vector<16xi32>
        %shift_left3A_1010 = arith.constant 16 : i32
        %shift_left3A_1011 = vector.broadcast %shift_left3A_1010 : i32 to vector<16xi32>
        %shift_left3A_1012 = arith.shli %get3A_1009, %shift_left3A_1011 : vector<16xi32>
        %bitcast_convert_type3A_1013 = tpu.bitcast %shift_left3A_1012 : vector<16xi32> -> vector<16xf32>
        %and3A_1014 = arith.constant -65536 : i32
        %and3A_1015 = vector.broadcast %and3A_1014 : i32 to vector<16xi32>
        %and3A_1016 = arith.andi %get3A_1009, %and3A_1015 : vector<16xi32>
        %bitcast_convert_type3A_1017 = tpu.bitcast %and3A_1016 : vector<16xi32> -> vector<16xf32>
        %swap3A_1018 = arith.index_cast %add3A_981 : i32 to index
        %swap3A_1019 = arith.constant 32 : index
        %swap3A_1020 = tpu.vector_load %arg11[%swap3A_1018, %swap3A_1019] {strides = array<i32>} : memref<512x128xf32, #tpu.memory_space<vmem>>, vector<1x16xf32>,
        %swap3A_1021 = vector.shape_cast %swap3A_1020 : vector<1x16xf32> to vector<16xf32>
        %swap3A_1022 = vector.shape_cast %bitcast_convert_type3A_1013 : vector<16xf32> to vector<1x16xf32>
        tpu.vector_store %arg11[%swap3A_1018, %swap3A_1019], %swap3A_1022 {add = true, strides = array<i32>} : memref<512x128xf32, #tpu.memory_space<vmem>>, vector<1x16xf32>,
        %swap3A_1023 = arith.index_cast %add3A_981 : i32 to index
        %swap3A_1024 = arith.constant 48 : index
        %swap3A_1025 = tpu.vector_load %arg11[%swap3A_1023, %swap3A_1024] {strides = array<i32>} : memref<512x128xf32, #tpu.memory_space<vmem>>, vector<1x16xf32>,
        %swap3A_1026 = vector.shape_cast %swap3A_1025 : vector<1x16xf32> to vector<16xf32>
        %swap3A_1027 = vector.shape_cast %bitcast_convert_type3A_1017 : vector<16xf32> to vector<1x16xf32>
        tpu.vector_store %arg11[%swap3A_1023, %swap3A_1024], %swap3A_1027 {add = true, strides = array<i32>} : memref<512x128xf32, #tpu.memory_space<vmem>>, vector<1x16xf32>,
        %get3A_1028 = arith.index_cast %squeeze3A_983 : i32 to index
        %get3A_1029 = arith.constant 32 : index
        %get3A_1030 = tpu.vector_load %arg12[%get3A_1028, %get3A_1029] {strides = array<i32>} : memref<400x64xi32, #tpu.memory_space<vmem>>, vector<1x16xi32>,
        %get3A_1031 = vector.shape_cast %get3A_1030 : vector<1x16xi32> to vector<16xi32>
        %shift_left3A_1032 = arith.constant 16 : i32
        %shift_left3A_1033 = vector.broadcast %shift_left3A_1032 : i32 to vector<16xi32>
        %shift_left3A_1034 = arith.shli %get3A_1031, %shift_left3A_1033 : vector<16xi32>
        %bitcast_convert_type3A_1035 = tpu.bitcast %shift_left3A_1034 : vector<16xi32> -> vector<16xf32>
        %and3A_1036 = arith.constant -65536 : i32
        %and3A_1037 = vector.broadcast %and3A_1036 : i32 to vector<16xi32>
        %and3A_1038 = arith.andi %get3A_1031, %and3A_1037 : vector<16xi32>
        %bitcast_convert_type3A_1039 = tpu.bitcast %and3A_1038 : vector<16xi32> -> vector<16xf32>
        %swap3A_1040 = arith.index_cast %add3A_981 : i32 to index
        %swap3A_1041 = arith.constant 64 : index
        %swap3A_1042 = tpu.vector_load %arg11[%swap3A_1040, %swap3A_1041] {strides = array<i32>} : memref<512x128xf32, #tpu.memory_space<vmem>>, vector<1x16xf32>,
        %swap3A_1043 = vector.shape_cast %swap3A_1042 : vector<1x16xf32> to vector<16xf32>
        %swap3A_1044 = vector.shape_cast %bitcast_convert_type3A_1035 : vector<16xf32> to vector<1x16xf32>
        tpu.vector_store %arg11[%swap3A_1040, %swap3A_1041], %swap3A_1044 {add = true, strides = array<i32>} : memref<512x128xf32, #tpu.memory_space<vmem>>, vector<1x16xf32>,
        %swap3A_1045 = arith.index_cast %add3A_981 : i32 to index
        %swap3A_1046 = arith.constant 80 : index
        %swap3A_1047 = tpu.vector_load %arg11[%swap3A_1045, %swap3A_1046] {strides = array<i32>} : memref<512x128xf32, #tpu.memory_space<vmem>>, vector<1x16xf32>,
        %swap3A_1048 = vector.shape_cast %swap3A_1047 : vector<1x16xf32> to vector<16xf32>
        %swap3A_1049 = vector.shape_cast %bitcast_convert_type3A_1039 : vector<16xf32> to vector<1x16xf32>
        tpu.vector_store %arg11[%swap3A_1045, %swap3A_1046], %swap3A_1049 {add = true, strides = array<i32>} : memref<512x128xf32, #tpu.memory_space<vmem>>, vector<1x16xf32>,
        %get3A_1050 = arith.index_cast %squeeze3A_983 : i32 to index
        %get3A_1051 = arith.constant 48 : index
        %get3A_1052 = tpu.vector_load %arg12[%get3A_1050, %get3A_1051] {strides = array<i32>} : memref<400x64xi32, #tpu.memory_space<vmem>>, vector<1x16xi32>,
        %get3A_1053 = vector.shape_cast %get3A_1052 : vector<1x16xi32> to vector<16xi32>
        %shift_left3A_1054 = arith.constant 16 : i32
        %shift_left3A_1055 = vector.broadcast %shift_left3A_1054 : i32 to vector<16xi32>
        %shift_left3A_1056 = arith.shli %get3A_1053, %shift_left3A_1055 : vector<16xi32>
        %bitcast_convert_type3A_1057 = tpu.bitcast %shift_left3A_1056 : vector<16xi32> -> vector<16xf32>
        %and3A_1058 = arith.constant -65536 : i32
        %and3A_1059 = vector.broadcast %and3A_1058 : i32 to vector<16xi32>
        %and3A_1060 = arith.andi %get3A_1053, %and3A_1059 : vector<16xi32>
        %bitcast_convert_type3A_1061 = tpu.bitcast %and3A_1060 : vector<16xi32> -> vector<16xf32>
        %swap3A_1062 = arith.index_cast %add3A_981 : i32 to index
        %swap3A_1063 = arith.constant 96 : index
        %swap3A_1064 = tpu.vector_load %arg11[%swap3A_1062, %swap3A_1063] {strides = array<i32>} : memref<512x128xf32, #tpu.memory_space<vmem>>, vector<1x16xf32>,
        %swap3A_1065 = vector.shape_cast %swap3A_1064 : vector<1x16xf32> to vector<16xf32>
        %swap3A_1066 = vector.shape_cast %bitcast_convert_type3A_1057 : vector<16xf32> to vector<1x16xf32>
        tpu.vector_store %arg11[%swap3A_1062, %swap3A_1063], %swap3A_1066 {add = true, strides = array<i32>} : memref<512x128xf32, #tpu.memory_space<vmem>>, vector<1x16xf32>,
        %swap3A_1067 = arith.index_cast %add3A_981 : i32 to index
        %swap3A_1068 = arith.constant 112 : index
        %swap3A_1069 = tpu.vector_load %arg11[%swap3A_1067, %swap3A_1068] {strides = array<i32>} : memref<512x128xf32, #tpu.memory_space<vmem>>, vector<1x16xf32>,
        %swap3A_1070 = vector.shape_cast %swap3A_1069 : vector<1x16xf32> to vector<16xf32>
        %swap3A_1071 = vector.shape_cast %bitcast_convert_type3A_1061 : vector<16xf32> to vector<1x16xf32>
        tpu.vector_store %arg11[%swap3A_1067, %swap3A_1068], %swap3A_1071 {add = true, strides = array<i32>} : memref<512x128xf32, #tpu.memory_space<vmem>>, vector<1x16xf32>,
        %mul3A_1072 = arith.constant 16 : i32
        %mul3A_1073 = arith.muli %scan3A_118, %mul3A_1072 : i32
        %add3A_1074 = arith.addi %mul3A_82, %mul3A_1073 : i32
        %add3A_1075 = arith.constant 10 : i32
        %add3A_1076 = arith.addi %add3A_1074, %add3A_1075 : i32
        %slice3A_1077 = vector.extract_strided_slice %get3A_126 {offsets = [10], sizes = [1], strides = [1]} : vector<16xi32> to vector<1xi32>
        %squeeze3A_1078 = vector.extract %slice3A_1077[0] : i32 from vector<1xi32>
        %get3A_1079 = arith.index_cast %squeeze3A_1078 : i32 to index
        %get3A_1080 = arith.constant 0 : index
        %get3A_1081 = tpu.vector_load %arg12[%get3A_1079, %get3A_1080] {strides = array<i32>} : memref<400x64xi32, #tpu.memory_space<vmem>>, vector<1x16xi32>,
        %get3A_1082 = vector.shape_cast %get3A_1081 : vector<1x16xi32> to vector<16xi32>
        %shift_left3A_1083 = arith.constant 16 : i32
        %shift_left3A_1084 = vector.broadcast %shift_left3A_1083 : i32 to vector<16xi32>
        %shift_left3A_1085 = arith.shli %get3A_1082, %shift_left3A_1084 : vector<16xi32>
        %bitcast_convert_type3A_1086 = tpu.bitcast %shift_left3A_1085 : vector<16xi32> -> vector<16xf32>
        %and3A_1087 = arith.constant -65536 : i32
        %and3A_1088 = vector.broadcast %and3A_1087 : i32 to vector<16xi32>
        %and3A_1089 = arith.andi %get3A_1082, %and3A_1088 : vector<16xi32>
        %bitcast_convert_type3A_1090 = tpu.bitcast %and3A_1089 : vector<16xi32> -> vector<16xf32>
        %swap3A_1091 = arith.index_cast %add3A_1076 : i32 to index
        %swap3A_1092 = arith.constant 0 : index
        %swap3A_1093 = tpu.vector_load %arg11[%swap3A_1091, %swap3A_1092] {strides = array<i32>} : memref<512x128xf32, #tpu.memory_space<vmem>>, vector<1x16xf32>,
        %swap3A_1094 = vector.shape_cast %swap3A_1093 : vector<1x16xf32> to vector<16xf32>
        %swap3A_1095 = vector.shape_cast %bitcast_convert_type3A_1086 : vector<16xf32> to vector<1x16xf32>
        tpu.vector_store %arg11[%swap3A_1091, %swap3A_1092], %swap3A_1095 {add = true, strides = array<i32>} : memref<512x128xf32, #tpu.memory_space<vmem>>, vector<1x16xf32>,
        %swap3A_1096 = arith.index_cast %add3A_1076 : i32 to index
        %swap3A_1097 = arith.constant 16 : index
        %swap3A_1098 = tpu.vector_load %arg11[%swap3A_1096, %swap3A_1097] {strides = array<i32>} : memref<512x128xf32, #tpu.memory_space<vmem>>, vector<1x16xf32>,
        %swap3A_1099 = vector.shape_cast %swap3A_1098 : vector<1x16xf32> to vector<16xf32>
        %swap3A_1100 = vector.shape_cast %bitcast_convert_type3A_1090 : vector<16xf32> to vector<1x16xf32>
        tpu.vector_store %arg11[%swap3A_1096, %swap3A_1097], %swap3A_1100 {add = true, strides = array<i32>} : memref<512x128xf32, #tpu.memory_space<vmem>>, vector<1x16xf32>,
        %get3A_1101 = arith.index_cast %squeeze3A_1078 : i32 to index
        %get3A_1102 = arith.constant 16 : index
        %get3A_1103 = tpu.vector_load %arg12[%get3A_1101, %get3A_1102] {strides = array<i32>} : memref<400x64xi32, #tpu.memory_space<vmem>>, vector<1x16xi32>,
        %get3A_1104 = vector.shape_cast %get3A_1103 : vector<1x16xi32> to vector<16xi32>
        %shift_left3A_1105 = arith.constant 16 : i32
        %shift_left3A_1106 = vector.broadcast %shift_left3A_1105 : i32 to vector<16xi32>
        %shift_left3A_1107 = arith.shli %get3A_1104, %shift_left3A_1106 : vector<16xi32>
        %bitcast_convert_type3A_1108 = tpu.bitcast %shift_left3A_1107 : vector<16xi32> -> vector<16xf32>
        %and3A_1109 = arith.constant -65536 : i32
        %and3A_1110 = vector.broadcast %and3A_1109 : i32 to vector<16xi32>
        %and3A_1111 = arith.andi %get3A_1104, %and3A_1110 : vector<16xi32>
        %bitcast_convert_type3A_1112 = tpu.bitcast %and3A_1111 : vector<16xi32> -> vector<16xf32>
        %swap3A_1113 = arith.index_cast %add3A_1076 : i32 to index
        %swap3A_1114 = arith.constant 32 : index
        %swap3A_1115 = tpu.vector_load %arg11[%swap3A_1113, %swap3A_1114] {strides = array<i32>} : memref<512x128xf32, #tpu.memory_space<vmem>>, vector<1x16xf32>,
        %swap3A_1116 = vector.shape_cast %swap3A_1115 : vector<1x16xf32> to vector<16xf32>
        %swap3A_1117 = vector.shape_cast %bitcast_convert_type3A_1108 : vector<16xf32> to vector<1x16xf32>
        tpu.vector_store %arg11[%swap3A_1113, %swap3A_1114], %swap3A_1117 {add = true, strides = array<i32>} : memref<512x128xf32, #tpu.memory_space<vmem>>, vector<1x16xf32>,
        %swap3A_1118 = arith.index_cast %add3A_1076 : i32 to index
        %swap3A_1119 = arith.constant 48 : index
        %swap3A_1120 = tpu.vector_load %arg11[%swap3A_1118, %swap3A_1119] {strides = array<i32>} : memref<512x128xf32, #tpu.memory_space<vmem>>, vector<1x16xf32>,
        %swap3A_1121 = vector.shape_cast %swap3A_1120 : vector<1x16xf32> to vector<16xf32>
        %swap3A_1122 = vector.shape_cast %bitcast_convert_type3A_1112 : vector<16xf32> to vector<1x16xf32>
        tpu.vector_store %arg11[%swap3A_1118, %swap3A_1119], %swap3A_1122 {add = true, strides = array<i32>} : memref<512x128xf32, #tpu.memory_space<vmem>>, vector<1x16xf32>,
        %get3A_1123 = arith.index_cast %squeeze3A_1078 : i32 to index
        %get3A_1124 = arith.constant 32 : index
        %get3A_1125 = tpu.vector_load %arg12[%get3A_1123, %get3A_1124] {strides = array<i32>} : memref<400x64xi32, #tpu.memory_space<vmem>>, vector<1x16xi32>,
        %get3A_1126 = vector.shape_cast %get3A_1125 : vector<1x16xi32> to vector<16xi32>
        %shift_left3A_1127 = arith.constant 16 : i32
        %shift_left3A_1128 = vector.broadcast %shift_left3A_1127 : i32 to vector<16xi32>
        %shift_left3A_1129 = arith.shli %get3A_1126, %shift_left3A_1128 : vector<16xi32>
        %bitcast_convert_type3A_1130 = tpu.bitcast %shift_left3A_1129 : vector<16xi32> -> vector<16xf32>
        %and3A_1131 = arith.constant -65536 : i32
        %and3A_1132 = vector.broadcast %and3A_1131 : i32 to vector<16xi32>
        %and3A_1133 = arith.andi %get3A_1126, %and3A_1132 : vector<16xi32>
        %bitcast_convert_type3A_1134 = tpu.bitcast %and3A_1133 : vector<16xi32> -> vector<16xf32>
        %swap3A_1135 = arith.index_cast %add3A_1076 : i32 to index
        %swap3A_1136 = arith.constant 64 : index
        %swap3A_1137 = tpu.vector_load %arg11[%swap3A_1135, %swap3A_1136] {strides = array<i32>} : memref<512x128xf32, #tpu.memory_space<vmem>>, vector<1x16xf32>,
        %swap3A_1138 = vector.shape_cast %swap3A_1137 : vector<1x16xf32> to vector<16xf32>
        %swap3A_1139 = vector.shape_cast %bitcast_convert_type3A_1130 : vector<16xf32> to vector<1x16xf32>
        tpu.vector_store %arg11[%swap3A_1135, %swap3A_1136], %swap3A_1139 {add = true, strides = array<i32>} : memref<512x128xf32, #tpu.memory_space<vmem>>, vector<1x16xf32>,
        %swap3A_1140 = arith.index_cast %add3A_1076 : i32 to index
        %swap3A_1141 = arith.constant 80 : index
        %swap3A_1142 = tpu.vector_load %arg11[%swap3A_1140, %swap3A_1141] {strides = array<i32>} : memref<512x128xf32, #tpu.memory_space<vmem>>, vector<1x16xf32>,
        %swap3A_1143 = vector.shape_cast %swap3A_1142 : vector<1x16xf32> to vector<16xf32>
        %swap3A_1144 = vector.shape_cast %bitcast_convert_type3A_1134 : vector<16xf32> to vector<1x16xf32>
        tpu.vector_store %arg11[%swap3A_1140, %swap3A_1141], %swap3A_1144 {add = true, strides = array<i32>} : memref<512x128xf32, #tpu.memory_space<vmem>>, vector<1x16xf32>,
        %get3A_1145 = arith.index_cast %squeeze3A_1078 : i32 to index
        %get3A_1146 = arith.constant 48 : index
        %get3A_1147 = tpu.vector_load %arg12[%get3A_1145, %get3A_1146] {strides = array<i32>} : memref<400x64xi32, #tpu.memory_space<vmem>>, vector<1x16xi32>,
        %get3A_1148 = vector.shape_cast %get3A_1147 : vector<1x16xi32> to vector<16xi32>
        %shift_left3A_1149 = arith.constant 16 : i32
        %shift_left3A_1150 = vector.broadcast %shift_left3A_1149 : i32 to vector<16xi32>
        %shift_left3A_1151 = arith.shli %get3A_1148, %shift_left3A_1150 : vector<16xi32>
        %bitcast_convert_type3A_1152 = tpu.bitcast %shift_left3A_1151 : vector<16xi32> -> vector<16xf32>
        %and3A_1153 = arith.constant -65536 : i32
        %and3A_1154 = vector.broadcast %and3A_1153 : i32 to vector<16xi32>
        %and3A_1155 = arith.andi %get3A_1148, %and3A_1154 : vector<16xi32>
        %bitcast_convert_type3A_1156 = tpu.bitcast %and3A_1155 : vector<16xi32> -> vector<16xf32>
        %swap3A_1157 = arith.index_cast %add3A_1076 : i32 to index
        %swap3A_1158 = arith.constant 96 : index
        %swap3A_1159 = tpu.vector_load %arg11[%swap3A_1157, %swap3A_1158] {strides = array<i32>} : memref<512x128xf32, #tpu.memory_space<vmem>>, vector<1x16xf32>,
        %swap3A_1160 = vector.shape_cast %swap3A_1159 : vector<1x16xf32> to vector<16xf32>
        %swap3A_1161 = vector.shape_cast %bitcast_convert_type3A_1152 : vector<16xf32> to vector<1x16xf32>
        tpu.vector_store %arg11[%swap3A_1157, %swap3A_1158], %swap3A_1161 {add = true, strides = array<i32>} : memref<512x128xf32, #tpu.memory_space<vmem>>, vector<1x16xf32>,
        %swap3A_1162 = arith.index_cast %add3A_1076 : i32 to index
        %swap3A_1163 = arith.constant 112 : index
        %swap3A_1164 = tpu.vector_load %arg11[%swap3A_1162, %swap3A_1163] {strides = array<i32>} : memref<512x128xf32, #tpu.memory_space<vmem>>, vector<1x16xf32>,
        %swap3A_1165 = vector.shape_cast %swap3A_1164 : vector<1x16xf32> to vector<16xf32>
        %swap3A_1166 = vector.shape_cast %bitcast_convert_type3A_1156 : vector<16xf32> to vector<1x16xf32>
        tpu.vector_store %arg11[%swap3A_1162, %swap3A_1163], %swap3A_1166 {add = true, strides = array<i32>} : memref<512x128xf32, #tpu.memory_space<vmem>>, vector<1x16xf32>,
        %mul3A_1167 = arith.constant 16 : i32
        %mul3A_1168 = arith.muli %scan3A_118, %mul3A_1167 : i32
        %add3A_1169 = arith.addi %mul3A_82, %mul3A_1168 : i32
        %add3A_1170 = arith.constant 11 : i32
        %add3A_1171 = arith.addi %add3A_1169, %add3A_1170 : i32
        %slice3A_1172 = vector.extract_strided_slice %get3A_126 {offsets = [11], sizes = [1], strides = [1]} : vector<16xi32> to vector<1xi32>
        %squeeze3A_1173 = vector.extract %slice3A_1172[0] : i32 from vector<1xi32>
        %get3A_1174 = arith.index_cast %squeeze3A_1173 : i32 to index
        %get3A_1175 = arith.constant 0 : index
        %get3A_1176 = tpu.vector_load %arg12[%get3A_1174, %get3A_1175] {strides = array<i32>} : memref<400x64xi32, #tpu.memory_space<vmem>>, vector<1x16xi32>,
        %get3A_1177 = vector.shape_cast %get3A_1176 : vector<1x16xi32> to vector<16xi32>
        %shift_left3A_1178 = arith.constant 16 : i32
        %shift_left3A_1179 = vector.broadcast %shift_left3A_1178 : i32 to vector<16xi32>
        %shift_left3A_1180 = arith.shli %get3A_1177, %shift_left3A_1179 : vector<16xi32>
        %bitcast_convert_type3A_1181 = tpu.bitcast %shift_left3A_1180 : vector<16xi32> -> vector<16xf32>
        %and3A_1182 = arith.constant -65536 : i32
        %and3A_1183 = vector.broadcast %and3A_1182 : i32 to vector<16xi32>
        %and3A_1184 = arith.andi %get3A_1177, %and3A_1183 : vector<16xi32>
        %bitcast_convert_type3A_1185 = tpu.bitcast %and3A_1184 : vector<16xi32> -> vector<16xf32>
        %swap3A_1186 = arith.index_cast %add3A_1171 : i32 to index
        %swap3A_1187 = arith.constant 0 : index
        %swap3A_1188 = tpu.vector_load %arg11[%swap3A_1186, %swap3A_1187] {strides = array<i32>} : memref<512x128xf32, #tpu.memory_space<vmem>>, vector<1x16xf32>,
        %swap3A_1189 = vector.shape_cast %swap3A_1188 : vector<1x16xf32> to vector<16xf32>
        %swap3A_1190 = vector.shape_cast %bitcast_convert_type3A_1181 : vector<16xf32> to vector<1x16xf32>
        tpu.vector_store %arg11[%swap3A_1186, %swap3A_1187], %swap3A_1190 {add = true, strides = array<i32>} : memref<512x128xf32, #tpu.memory_space<vmem>>, vector<1x16xf32>,
        %swap3A_1191 = arith.index_cast %add3A_1171 : i32 to index
        %swap3A_1192 = arith.constant 16 : index
        %swap3A_1193 = tpu.vector_load %arg11[%swap3A_1191, %swap3A_1192] {strides = array<i32>} : memref<512x128xf32, #tpu.memory_space<vmem>>, vector<1x16xf32>,
        %swap3A_1194 = vector.shape_cast %swap3A_1193 : vector<1x16xf32> to vector<16xf32>
        %swap3A_1195 = vector.shape_cast %bitcast_convert_type3A_1185 : vector<16xf32> to vector<1x16xf32>
        tpu.vector_store %arg11[%swap3A_1191, %swap3A_1192], %swap3A_1195 {add = true, strides = array<i32>} : memref<512x128xf32, #tpu.memory_space<vmem>>, vector<1x16xf32>,
        %get3A_1196 = arith.index_cast %squeeze3A_1173 : i32 to index
        %get3A_1197 = arith.constant 16 : index
        %get3A_1198 = tpu.vector_load %arg12[%get3A_1196, %get3A_1197] {strides = array<i32>} : memref<400x64xi32, #tpu.memory_space<vmem>>, vector<1x16xi32>,
        %get3A_1199 = vector.shape_cast %get3A_1198 : vector<1x16xi32> to vector<16xi32>
        %shift_left3A_1200 = arith.constant 16 : i32
        %shift_left3A_1201 = vector.broadcast %shift_left3A_1200 : i32 to vector<16xi32>
        %shift_left3A_1202 = arith.shli %get3A_1199, %shift_left3A_1201 : vector<16xi32>
        %bitcast_convert_type3A_1203 = tpu.bitcast %shift_left3A_1202 : vector<16xi32> -> vector<16xf32>
        %and3A_1204 = arith.constant -65536 : i32
        %and3A_1205 = vector.broadcast %and3A_1204 : i32 to vector<16xi32>
        %and3A_1206 = arith.andi %get3A_1199, %and3A_1205 : vector<16xi32>
        %bitcast_convert_type3A_1207 = tpu.bitcast %and3A_1206 : vector<16xi32> -> vector<16xf32>
        %swap3A_1208 = arith.index_cast %add3A_1171 : i32 to index
        %swap3A_1209 = arith.constant 32 : index
        %swap3A_1210 = tpu.vector_load %arg11[%swap3A_1208, %swap3A_1209] {strides = array<i32>} : memref<512x128xf32, #tpu.memory_space<vmem>>, vector<1x16xf32>,
        %swap3A_1211 = vector.shape_cast %swap3A_1210 : vector<1x16xf32> to vector<16xf32>
        %swap3A_1212 = vector.shape_cast %bitcast_convert_type3A_1203 : vector<16xf32> to vector<1x16xf32>
        tpu.vector_store %arg11[%swap3A_1208, %swap3A_1209], %swap3A_1212 {add = true, strides = array<i32>} : memref<512x128xf32, #tpu.memory_space<vmem>>, vector<1x16xf32>,
        %swap3A_1213 = arith.index_cast %add3A_1171 : i32 to index
        %swap3A_1214 = arith.constant 48 : index
        %swap3A_1215 = tpu.vector_load %arg11[%swap3A_1213, %swap3A_1214] {strides = array<i32>} : memref<512x128xf32, #tpu.memory_space<vmem>>, vector<1x16xf32>,
        %swap3A_1216 = vector.shape_cast %swap3A_1215 : vector<1x16xf32> to vector<16xf32>
        %swap3A_1217 = vector.shape_cast %bitcast_convert_type3A_1207 : vector<16xf32> to vector<1x16xf32>
        tpu.vector_store %arg11[%swap3A_1213, %swap3A_1214], %swap3A_1217 {add = true, strides = array<i32>} : memref<512x128xf32, #tpu.memory_space<vmem>>, vector<1x16xf32>,
        %get3A_1218 = arith.index_cast %squeeze3A_1173 : i32 to index
        %get3A_1219 = arith.constant 32 : index
        %get3A_1220 = tpu.vector_load %arg12[%get3A_1218, %get3A_1219] {strides = array<i32>} : memref<400x64xi32, #tpu.memory_space<vmem>>, vector<1x16xi32>,
        %get3A_1221 = vector.shape_cast %get3A_1220 : vector<1x16xi32> to vector<16xi32>
        %shift_left3A_1222 = arith.constant 16 : i32
        %shift_left3A_1223 = vector.broadcast %shift_left3A_1222 : i32 to vector<16xi32>
        %shift_left3A_1224 = arith.shli %get3A_1221, %shift_left3A_1223 : vector<16xi32>
        %bitcast_convert_type3A_1225 = tpu.bitcast %shift_left3A_1224 : vector<16xi32> -> vector<16xf32>
        %and3A_1226 = arith.constant -65536 : i32
        %and3A_1227 = vector.broadcast %and3A_1226 : i32 to vector<16xi32>
        %and3A_1228 = arith.andi %get3A_1221, %and3A_1227 : vector<16xi32>
        %bitcast_convert_type3A_1229 = tpu.bitcast %and3A_1228 : vector<16xi32> -> vector<16xf32>
        %swap3A_1230 = arith.index_cast %add3A_1171 : i32 to index
        %swap3A_1231 = arith.constant 64 : index
        %swap3A_1232 = tpu.vector_load %arg11[%swap3A_1230, %swap3A_1231] {strides = array<i32>} : memref<512x128xf32, #tpu.memory_space<vmem>>, vector<1x16xf32>,
        %swap3A_1233 = vector.shape_cast %swap3A_1232 : vector<1x16xf32> to vector<16xf32>
        %swap3A_1234 = vector.shape_cast %bitcast_convert_type3A_1225 : vector<16xf32> to vector<1x16xf32>
        tpu.vector_store %arg11[%swap3A_1230, %swap3A_1231], %swap3A_1234 {add = true, strides = array<i32>} : memref<512x128xf32, #tpu.memory_space<vmem>>, vector<1x16xf32>,
        %swap3A_1235 = arith.index_cast %add3A_1171 : i32 to index
        %swap3A_1236 = arith.constant 80 : index
        %swap3A_1237 = tpu.vector_load %arg11[%swap3A_1235, %swap3A_1236] {strides = array<i32>} : memref<512x128xf32, #tpu.memory_space<vmem>>, vector<1x16xf32>,
        %swap3A_1238 = vector.shape_cast %swap3A_1237 : vector<1x16xf32> to vector<16xf32>
        %swap3A_1239 = vector.shape_cast %bitcast_convert_type3A_1229 : vector<16xf32> to vector<1x16xf32>
        tpu.vector_store %arg11[%swap3A_1235, %swap3A_1236], %swap3A_1239 {add = true, strides = array<i32>} : memref<512x128xf32, #tpu.memory_space<vmem>>, vector<1x16xf32>,
        %get3A_1240 = arith.index_cast %squeeze3A_1173 : i32 to index
        %get3A_1241 = arith.constant 48 : index
        %get3A_1242 = tpu.vector_load %arg12[%get3A_1240, %get3A_1241] {strides = array<i32>} : memref<400x64xi32, #tpu.memory_space<vmem>>, vector<1x16xi32>,
        %get3A_1243 = vector.shape_cast %get3A_1242 : vector<1x16xi32> to vector<16xi32>
        %shift_left3A_1244 = arith.constant 16 : i32
        %shift_left3A_1245 = vector.broadcast %shift_left3A_1244 : i32 to vector<16xi32>
        %shift_left3A_1246 = arith.shli %get3A_1243, %shift_left3A_1245 : vector<16xi32>
        %bitcast_convert_type3A_1247 = tpu.bitcast %shift_left3A_1246 : vector<16xi32> -> vector<16xf32>
        %and3A_1248 = arith.constant -65536 : i32
        %and3A_1249 = vector.broadcast %and3A_1248 : i32 to vector<16xi32>
        %and3A_1250 = arith.andi %get3A_1243, %and3A_1249 : vector<16xi32>
        %bitcast_convert_type3A_1251 = tpu.bitcast %and3A_1250 : vector<16xi32> -> vector<16xf32>
        %swap3A_1252 = arith.index_cast %add3A_1171 : i32 to index
        %swap3A_1253 = arith.constant 96 : index
        %swap3A_1254 = tpu.vector_load %arg11[%swap3A_1252, %swap3A_1253] {strides = array<i32>} : memref<512x128xf32, #tpu.memory_space<vmem>>, vector<1x16xf32>,
        %swap3A_1255 = vector.shape_cast %swap3A_1254 : vector<1x16xf32> to vector<16xf32>
        %swap3A_1256 = vector.shape_cast %bitcast_convert_type3A_1247 : vector<16xf32> to vector<1x16xf32>
        tpu.vector_store %arg11[%swap3A_1252, %swap3A_1253], %swap3A_1256 {add = true, strides = array<i32>} : memref<512x128xf32, #tpu.memory_space<vmem>>, vector<1x16xf32>,
        %swap3A_1257 = arith.index_cast %add3A_1171 : i32 to index
        %swap3A_1258 = arith.constant 112 : index
        %swap3A_1259 = tpu.vector_load %arg11[%swap3A_1257, %swap3A_1258] {strides = array<i32>} : memref<512x128xf32, #tpu.memory_space<vmem>>, vector<1x16xf32>,
        %swap3A_1260 = vector.shape_cast %swap3A_1259 : vector<1x16xf32> to vector<16xf32>
        %swap3A_1261 = vector.shape_cast %bitcast_convert_type3A_1251 : vector<16xf32> to vector<1x16xf32>
        tpu.vector_store %arg11[%swap3A_1257, %swap3A_1258], %swap3A_1261 {add = true, strides = array<i32>} : memref<512x128xf32, #tpu.memory_space<vmem>>, vector<1x16xf32>,
        %mul3A_1262 = arith.constant 16 : i32
        %mul3A_1263 = arith.muli %scan3A_118, %mul3A_1262 : i32
        %add3A_1264 = arith.addi %mul3A_82, %mul3A_1263 : i32
        %add3A_1265 = arith.constant 12 : i32
        %add3A_1266 = arith.addi %add3A_1264, %add3A_1265 : i32
        %slice3A_1267 = vector.extract_strided_slice %get3A_126 {offsets = [12], sizes = [1], strides = [1]} : vector<16xi32> to vector<1xi32>
        %squeeze3A_1268 = vector.extract %slice3A_1267[0] : i32 from vector<1xi32>
        %get3A_1269 = arith.index_cast %squeeze3A_1268 : i32 to index
        %get3A_1270 = arith.constant 0 : index
        %get3A_1271 = tpu.vector_load %arg12[%get3A_1269, %get3A_1270] {strides = array<i32>} : memref<400x64xi32, #tpu.memory_space<vmem>>, vector<1x16xi32>,
        %get3A_1272 = vector.shape_cast %get3A_1271 : vector<1x16xi32> to vector<16xi32>
        %shift_left3A_1273 = arith.constant 16 : i32
        %shift_left3A_1274 = vector.broadcast %shift_left3A_1273 : i32 to vector<16xi32>
        %shift_left3A_1275 = arith.shli %get3A_1272, %shift_left3A_1274 : vector<16xi32>
        %bitcast_convert_type3A_1276 = tpu.bitcast %shift_left3A_1275 : vector<16xi32> -> vector<16xf32>
        %and3A_1277 = arith.constant -65536 : i32
        %and3A_1278 = vector.broadcast %and3A_1277 : i32 to vector<16xi32>
        %and3A_1279 = arith.andi %get3A_1272, %and3A_1278 : vector<16xi32>
        %bitcast_convert_type3A_1280 = tpu.bitcast %and3A_1279 : vector<16xi32> -> vector<16xf32>
        %swap3A_1281 = arith.index_cast %add3A_1266 : i32 to index
        %swap3A_1282 = arith.constant 0 : index
        %swap3A_1283 = tpu.vector_load %arg11[%swap3A_1281, %swap3A_1282] {strides = array<i32>} : memref<512x128xf32, #tpu.memory_space<vmem>>, vector<1x16xf32>,
        %swap3A_1284 = vector.shape_cast %swap3A_1283 : vector<1x16xf32> to vector<16xf32>
        %swap3A_1285 = vector.shape_cast %bitcast_convert_type3A_1276 : vector<16xf32> to vector<1x16xf32>
        tpu.vector_store %arg11[%swap3A_1281, %swap3A_1282], %swap3A_1285 {add = true, strides = array<i32>} : memref<512x128xf32, #tpu.memory_space<vmem>>, vector<1x16xf32>,
        %swap3A_1286 = arith.index_cast %add3A_1266 : i32 to index
        %swap3A_1287 = arith.constant 16 : index
        %swap3A_1288 = tpu.vector_load %arg11[%swap3A_1286, %swap3A_1287] {strides = array<i32>} : memref<512x128xf32, #tpu.memory_space<vmem>>, vector<1x16xf32>,
        %swap3A_1289 = vector.shape_cast %swap3A_1288 : vector<1x16xf32> to vector<16xf32>
        %swap3A_1290 = vector.shape_cast %bitcast_convert_type3A_1280 : vector<16xf32> to vector<1x16xf32>
        tpu.vector_store %arg11[%swap3A_1286, %swap3A_1287], %swap3A_1290 {add = true, strides = array<i32>} : memref<512x128xf32, #tpu.memory_space<vmem>>, vector<1x16xf32>,
        %get3A_1291 = arith.index_cast %squeeze3A_1268 : i32 to index
        %get3A_1292 = arith.constant 16 : index
        %get3A_1293 = tpu.vector_load %arg12[%get3A_1291, %get3A_1292] {strides = array<i32>} : memref<400x64xi32, #tpu.memory_space<vmem>>, vector<1x16xi32>,
        %get3A_1294 = vector.shape_cast %get3A_1293 : vector<1x16xi32> to vector<16xi32>
        %shift_left3A_1295 = arith.constant 16 : i32
        %shift_left3A_1296 = vector.broadcast %shift_left3A_1295 : i32 to vector<16xi32>
        %shift_left3A_1297 = arith.shli %get3A_1294, %shift_left3A_1296 : vector<16xi32>
        %bitcast_convert_type3A_1298 = tpu.bitcast %shift_left3A_1297 : vector<16xi32> -> vector<16xf32>
        %and3A_1299 = arith.constant -65536 : i32
        %and3A_1300 = vector.broadcast %and3A_1299 : i32 to vector<16xi32>
        %and3A_1301 = arith.andi %get3A_1294, %and3A_1300 : vector<16xi32>
        %bitcast_convert_type3A_1302 = tpu.bitcast %and3A_1301 : vector<16xi32> -> vector<16xf32>
        %swap3A_1303 = arith.index_cast %add3A_1266 : i32 to index
        %swap3A_1304 = arith.constant 32 : index
        %swap3A_1305 = tpu.vector_load %arg11[%swap3A_1303, %swap3A_1304] {strides = array<i32>} : memref<512x128xf32, #tpu.memory_space<vmem>>, vector<1x16xf32>,
        %swap3A_1306 = vector.shape_cast %swap3A_1305 : vector<1x16xf32> to vector<16xf32>
        %swap3A_1307 = vector.shape_cast %bitcast_convert_type3A_1298 : vector<16xf32> to vector<1x16xf32>
        tpu.vector_store %arg11[%swap3A_1303, %swap3A_1304], %swap3A_1307 {add = true, strides = array<i32>} : memref<512x128xf32, #tpu.memory_space<vmem>>, vector<1x16xf32>,
        %swap3A_1308 = arith.index_cast %add3A_1266 : i32 to index
        %swap3A_1309 = arith.constant 48 : index
        %swap3A_1310 = tpu.vector_load %arg11[%swap3A_1308, %swap3A_1309] {strides = array<i32>} : memref<512x128xf32, #tpu.memory_space<vmem>>, vector<1x16xf32>,
        %swap3A_1311 = vector.shape_cast %swap3A_1310 : vector<1x16xf32> to vector<16xf32>
        %swap3A_1312 = vector.shape_cast %bitcast_convert_type3A_1302 : vector<16xf32> to vector<1x16xf32>
        tpu.vector_store %arg11[%swap3A_1308, %swap3A_1309], %swap3A_1312 {add = true, strides = array<i32>} : memref<512x128xf32, #tpu.memory_space<vmem>>, vector<1x16xf32>,
        %get3A_1313 = arith.index_cast %squeeze3A_1268 : i32 to index
        %get3A_1314 = arith.constant 32 : index
        %get3A_1315 = tpu.vector_load %arg12[%get3A_1313, %get3A_1314] {strides = array<i32>} : memref<400x64xi32, #tpu.memory_space<vmem>>, vector<1x16xi32>,
        %get3A_1316 = vector.shape_cast %get3A_1315 : vector<1x16xi32> to vector<16xi32>
        %shift_left3A_1317 = arith.constant 16 : i32
        %shift_left3A_1318 = vector.broadcast %shift_left3A_1317 : i32 to vector<16xi32>
        %shift_left3A_1319 = arith.shli %get3A_1316, %shift_left3A_1318 : vector<16xi32>
        %bitcast_convert_type3A_1320 = tpu.bitcast %shift_left3A_1319 : vector<16xi32> -> vector<16xf32>
        %and3A_1321 = arith.constant -65536 : i32
        %and3A_1322 = vector.broadcast %and3A_1321 : i32 to vector<16xi32>
        %and3A_1323 = arith.andi %get3A_1316, %and3A_1322 : vector<16xi32>
        %bitcast_convert_type3A_1324 = tpu.bitcast %and3A_1323 : vector<16xi32> -> vector<16xf32>
        %swap3A_1325 = arith.index_cast %add3A_1266 : i32 to index
        %swap3A_1326 = arith.constant 64 : index
        %swap3A_1327 = tpu.vector_load %arg11[%swap3A_1325, %swap3A_1326] {strides = array<i32>} : memref<512x128xf32, #tpu.memory_space<vmem>>, vector<1x16xf32>,
        %swap3A_1328 = vector.shape_cast %swap3A_1327 : vector<1x16xf32> to vector<16xf32>
        %swap3A_1329 = vector.shape_cast %bitcast_convert_type3A_1320 : vector<16xf32> to vector<1x16xf32>
        tpu.vector_store %arg11[%swap3A_1325, %swap3A_1326], %swap3A_1329 {add = true, strides = array<i32>} : memref<512x128xf32, #tpu.memory_space<vmem>>, vector<1x16xf32>,
        %swap3A_1330 = arith.index_cast %add3A_1266 : i32 to index
        %swap3A_1331 = arith.constant 80 : index
        %swap3A_1332 = tpu.vector_load %arg11[%swap3A_1330, %swap3A_1331] {strides = array<i32>} : memref<512x128xf32, #tpu.memory_space<vmem>>, vector<1x16xf32>,
        %swap3A_1333 = vector.shape_cast %swap3A_1332 : vector<1x16xf32> to vector<16xf32>
        %swap3A_1334 = vector.shape_cast %bitcast_convert_type3A_1324 : vector<16xf32> to vector<1x16xf32>
        tpu.vector_store %arg11[%swap3A_1330, %swap3A_1331], %swap3A_1334 {add = true, strides = array<i32>} : memref<512x128xf32, #tpu.memory_space<vmem>>, vector<1x16xf32>,
        %get3A_1335 = arith.index_cast %squeeze3A_1268 : i32 to index
        %get3A_1336 = arith.constant 48 : index
        %get3A_1337 = tpu.vector_load %arg12[%get3A_1335, %get3A_1336] {strides = array<i32>} : memref<400x64xi32, #tpu.memory_space<vmem>>, vector<1x16xi32>,
        %get3A_1338 = vector.shape_cast %get3A_1337 : vector<1x16xi32> to vector<16xi32>
        %shift_left3A_1339 = arith.constant 16 : i32
        %shift_left3A_1340 = vector.broadcast %shift_left3A_1339 : i32 to vector<16xi32>
        %shift_left3A_1341 = arith.shli %get3A_1338, %shift_left3A_1340 : vector<16xi32>
        %bitcast_convert_type3A_1342 = tpu.bitcast %shift_left3A_1341 : vector<16xi32> -> vector<16xf32>
        %and3A_1343 = arith.constant -65536 : i32
        %and3A_1344 = vector.broadcast %and3A_1343 : i32 to vector<16xi32>
        %and3A_1345 = arith.andi %get3A_1338, %and3A_1344 : vector<16xi32>
        %bitcast_convert_type3A_1346 = tpu.bitcast %and3A_1345 : vector<16xi32> -> vector<16xf32>
        %swap3A_1347 = arith.index_cast %add3A_1266 : i32 to index
        %swap3A_1348 = arith.constant 96 : index
        %swap3A_1349 = tpu.vector_load %arg11[%swap3A_1347, %swap3A_1348] {strides = array<i32>} : memref<512x128xf32, #tpu.memory_space<vmem>>, vector<1x16xf32>,
        %swap3A_1350 = vector.shape_cast %swap3A_1349 : vector<1x16xf32> to vector<16xf32>
        %swap3A_1351 = vector.shape_cast %bitcast_convert_type3A_1342 : vector<16xf32> to vector<1x16xf32>
        tpu.vector_store %arg11[%swap3A_1347, %swap3A_1348], %swap3A_1351 {add = true, strides = array<i32>} : memref<512x128xf32, #tpu.memory_space<vmem>>, vector<1x16xf32>,
        %swap3A_1352 = arith.index_cast %add3A_1266 : i32 to index
        %swap3A_1353 = arith.constant 112 : index
        %swap3A_1354 = tpu.vector_load %arg11[%swap3A_1352, %swap3A_1353] {strides = array<i32>} : memref<512x128xf32, #tpu.memory_space<vmem>>, vector<1x16xf32>,
        %swap3A_1355 = vector.shape_cast %swap3A_1354 : vector<1x16xf32> to vector<16xf32>
        %swap3A_1356 = vector.shape_cast %bitcast_convert_type3A_1346 : vector<16xf32> to vector<1x16xf32>
        tpu.vector_store %arg11[%swap3A_1352, %swap3A_1353], %swap3A_1356 {add = true, strides = array<i32>} : memref<512x128xf32, #tpu.memory_space<vmem>>, vector<1x16xf32>,
        %mul3A_1357 = arith.constant 16 : i32
        %mul3A_1358 = arith.muli %scan3A_118, %mul3A_1357 : i32
        %add3A_1359 = arith.addi %mul3A_82, %mul3A_1358 : i32
        %add3A_1360 = arith.constant 13 : i32
        %add3A_1361 = arith.addi %add3A_1359, %add3A_1360 : i32
        %slice3A_1362 = vector.extract_strided_slice %get3A_126 {offsets = [13], sizes = [1], strides = [1]} : vector<16xi32> to vector<1xi32>
        %squeeze3A_1363 = vector.extract %slice3A_1362[0] : i32 from vector<1xi32>
        %get3A_1364 = arith.index_cast %squeeze3A_1363 : i32 to index
        %get3A_1365 = arith.constant 0 : index
        %get3A_1366 = tpu.vector_load %arg12[%get3A_1364, %get3A_1365] {strides = array<i32>} : memref<400x64xi32, #tpu.memory_space<vmem>>, vector<1x16xi32>,
        %get3A_1367 = vector.shape_cast %get3A_1366 : vector<1x16xi32> to vector<16xi32>
        %shift_left3A_1368 = arith.constant 16 : i32
        %shift_left3A_1369 = vector.broadcast %shift_left3A_1368 : i32 to vector<16xi32>
        %shift_left3A_1370 = arith.shli %get3A_1367, %shift_left3A_1369 : vector<16xi32>
        %bitcast_convert_type3A_1371 = tpu.bitcast %shift_left3A_1370 : vector<16xi32> -> vector<16xf32>
        %and3A_1372 = arith.constant -65536 : i32
        %and3A_1373 = vector.broadcast %and3A_1372 : i32 to vector<16xi32>
        %and3A_1374 = arith.andi %get3A_1367, %and3A_1373 : vector<16xi32>
        %bitcast_convert_type3A_1375 = tpu.bitcast %and3A_1374 : vector<16xi32> -> vector<16xf32>
        %swap3A_1376 = arith.index_cast %add3A_1361 : i32 to index
        %swap3A_1377 = arith.constant 0 : index
        %swap3A_1378 = tpu.vector_load %arg11[%swap3A_1376, %swap3A_1377] {strides = array<i32>} : memref<512x128xf32, #tpu.memory_space<vmem>>, vector<1x16xf32>,
        %swap3A_1379 = vector.shape_cast %swap3A_1378 : vector<1x16xf32> to vector<16xf32>
        %swap3A_1380 = vector.shape_cast %bitcast_convert_type3A_1371 : vector<16xf32> to vector<1x16xf32>
        tpu.vector_store %arg11[%swap3A_1376, %swap3A_1377], %swap3A_1380 {add = true, strides = array<i32>} : memref<512x128xf32, #tpu.memory_space<vmem>>, vector<1x16xf32>,
        %swap3A_1381 = arith.index_cast %add3A_1361 : i32 to index
        %swap3A_1382 = arith.constant 16 : index
        %swap3A_1383 = tpu.vector_load %arg11[%swap3A_1381, %swap3A_1382] {strides = array<i32>} : memref<512x128xf32, #tpu.memory_space<vmem>>, vector<1x16xf32>,
        %swap3A_1384 = vector.shape_cast %swap3A_1383 : vector<1x16xf32> to vector<16xf32>
        %swap3A_1385 = vector.shape_cast %bitcast_convert_type3A_1375 : vector<16xf32> to vector<1x16xf32>
        tpu.vector_store %arg11[%swap3A_1381, %swap3A_1382], %swap3A_1385 {add = true, strides = array<i32>} : memref<512x128xf32, #tpu.memory_space<vmem>>, vector<1x16xf32>,
        %get3A_1386 = arith.index_cast %squeeze3A_1363 : i32 to index
        %get3A_1387 = arith.constant 16 : index
        %get3A_1388 = tpu.vector_load %arg12[%get3A_1386, %get3A_1387] {strides = array<i32>} : memref<400x64xi32, #tpu.memory_space<vmem>>, vector<1x16xi32>,
        %get3A_1389 = vector.shape_cast %get3A_1388 : vector<1x16xi32> to vector<16xi32>
        %shift_left3A_1390 = arith.constant 16 : i32
        %shift_left3A_1391 = vector.broadcast %shift_left3A_1390 : i32 to vector<16xi32>
        %shift_left3A_1392 = arith.shli %get3A_1389, %shift_left3A_1391 : vector<16xi32>
        %bitcast_convert_type3A_1393 = tpu.bitcast %shift_left3A_1392 : vector<16xi32> -> vector<16xf32>
        %and3A_1394 = arith.constant -65536 : i32
        %and3A_1395 = vector.broadcast %and3A_1394 : i32 to vector<16xi32>
        %and3A_1396 = arith.andi %get3A_1389, %and3A_1395 : vector<16xi32>
        %bitcast_convert_type3A_1397 = tpu.bitcast %and3A_1396 : vector<16xi32> -> vector<16xf32>
        %swap3A_1398 = arith.index_cast %add3A_1361 : i32 to index
        %swap3A_1399 = arith.constant 32 : index
        %swap3A_1400 = tpu.vector_load %arg11[%swap3A_1398, %swap3A_1399] {strides = array<i32>} : memref<512x128xf32, #tpu.memory_space<vmem>>, vector<1x16xf32>,
        %swap3A_1401 = vector.shape_cast %swap3A_1400 : vector<1x16xf32> to vector<16xf32>
        %swap3A_1402 = vector.shape_cast %bitcast_convert_type3A_1393 : vector<16xf32> to vector<1x16xf32>
        tpu.vector_store %arg11[%swap3A_1398, %swap3A_1399], %swap3A_1402 {add = true, strides = array<i32>} : memref<512x128xf32, #tpu.memory_space<vmem>>, vector<1x16xf32>,
        %swap3A_1403 = arith.index_cast %add3A_1361 : i32 to index
        %swap3A_1404 = arith.constant 48 : index
        %swap3A_1405 = tpu.vector_load %arg11[%swap3A_1403, %swap3A_1404] {strides = array<i32>} : memref<512x128xf32, #tpu.memory_space<vmem>>, vector<1x16xf32>,
        %swap3A_1406 = vector.shape_cast %swap3A_1405 : vector<1x16xf32> to vector<16xf32>
        %swap3A_1407 = vector.shape_cast %bitcast_convert_type3A_1397 : vector<16xf32> to vector<1x16xf32>
        tpu.vector_store %arg11[%swap3A_1403, %swap3A_1404], %swap3A_1407 {add = true, strides = array<i32>} : memref<512x128xf32, #tpu.memory_space<vmem>>, vector<1x16xf32>,
        %get3A_1408 = arith.index_cast %squeeze3A_1363 : i32 to index
        %get3A_1409 = arith.constant 32 : index
        %get3A_1410 = tpu.vector_load %arg12[%get3A_1408, %get3A_1409] {strides = array<i32>} : memref<400x64xi32, #tpu.memory_space<vmem>>, vector<1x16xi32>,
        %get3A_1411 = vector.shape_cast %get3A_1410 : vector<1x16xi32> to vector<16xi32>
        %shift_left3A_1412 = arith.constant 16 : i32
        %shift_left3A_1413 = vector.broadcast %shift_left3A_1412 : i32 to vector<16xi32>
        %shift_left3A_1414 = arith.shli %get3A_1411, %shift_left3A_1413 : vector<16xi32>
        %bitcast_convert_type3A_1415 = tpu.bitcast %shift_left3A_1414 : vector<16xi32> -> vector<16xf32>
        %and3A_1416 = arith.constant -65536 : i32
        %and3A_1417 = vector.broadcast %and3A_1416 : i32 to vector<16xi32>
        %and3A_1418 = arith.andi %get3A_1411, %and3A_1417 : vector<16xi32>
        %bitcast_convert_type3A_1419 = tpu.bitcast %and3A_1418 : vector<16xi32> -> vector<16xf32>
        %swap3A_1420 = arith.index_cast %add3A_1361 : i32 to index
        %swap3A_1421 = arith.constant 64 : index
        %swap3A_1422 = tpu.vector_load %arg11[%swap3A_1420, %swap3A_1421] {strides = array<i32>} : memref<512x128xf32, #tpu.memory_space<vmem>>, vector<1x16xf32>,
        %swap3A_1423 = vector.shape_cast %swap3A_1422 : vector<1x16xf32> to vector<16xf32>
        %swap3A_1424 = vector.shape_cast %bitcast_convert_type3A_1415 : vector<16xf32> to vector<1x16xf32>
        tpu.vector_store %arg11[%swap3A_1420, %swap3A_1421], %swap3A_1424 {add = true, strides = array<i32>} : memref<512x128xf32, #tpu.memory_space<vmem>>, vector<1x16xf32>,
        %swap3A_1425 = arith.index_cast %add3A_1361 : i32 to index
        %swap3A_1426 = arith.constant 80 : index
        %swap3A_1427 = tpu.vector_load %arg11[%swap3A_1425, %swap3A_1426] {strides = array<i32>} : memref<512x128xf32, #tpu.memory_space<vmem>>, vector<1x16xf32>,
        %swap3A_1428 = vector.shape_cast %swap3A_1427 : vector<1x16xf32> to vector<16xf32>
        %swap3A_1429 = vector.shape_cast %bitcast_convert_type3A_1419 : vector<16xf32> to vector<1x16xf32>
        tpu.vector_store %arg11[%swap3A_1425, %swap3A_1426], %swap3A_1429 {add = true, strides = array<i32>} : memref<512x128xf32, #tpu.memory_space<vmem>>, vector<1x16xf32>,
        %get3A_1430 = arith.index_cast %squeeze3A_1363 : i32 to index
        %get3A_1431 = arith.constant 48 : index
        %get3A_1432 = tpu.vector_load %arg12[%get3A_1430, %get3A_1431] {strides = array<i32>} : memref<400x64xi32, #tpu.memory_space<vmem>>, vector<1x16xi32>,
        %get3A_1433 = vector.shape_cast %get3A_1432 : vector<1x16xi32> to vector<16xi32>
        %shift_left3A_1434 = arith.constant 16 : i32
        %shift_left3A_1435 = vector.broadcast %shift_left3A_1434 : i32 to vector<16xi32>
        %shift_left3A_1436 = arith.shli %get3A_1433, %shift_left3A_1435 : vector<16xi32>
        %bitcast_convert_type3A_1437 = tpu.bitcast %shift_left3A_1436 : vector<16xi32> -> vector<16xf32>
        %and3A_1438 = arith.constant -65536 : i32
        %and3A_1439 = vector.broadcast %and3A_1438 : i32 to vector<16xi32>
        %and3A_1440 = arith.andi %get3A_1433, %and3A_1439 : vector<16xi32>
        %bitcast_convert_type3A_1441 = tpu.bitcast %and3A_1440 : vector<16xi32> -> vector<16xf32>
        %swap3A_1442 = arith.index_cast %add3A_1361 : i32 to index
        %swap3A_1443 = arith.constant 96 : index
        %swap3A_1444 = tpu.vector_load %arg11[%swap3A_1442, %swap3A_1443] {strides = array<i32>} : memref<512x128xf32, #tpu.memory_space<vmem>>, vector<1x16xf32>,
        %swap3A_1445 = vector.shape_cast %swap3A_1444 : vector<1x16xf32> to vector<16xf32>
        %swap3A_1446 = vector.shape_cast %bitcast_convert_type3A_1437 : vector<16xf32> to vector<1x16xf32>
        tpu.vector_store %arg11[%swap3A_1442, %swap3A_1443], %swap3A_1446 {add = true, strides = array<i32>} : memref<512x128xf32, #tpu.memory_space<vmem>>, vector<1x16xf32>,
        %swap3A_1447 = arith.index_cast %add3A_1361 : i32 to index
        %swap3A_1448 = arith.constant 112 : index
        %swap3A_1449 = tpu.vector_load %arg11[%swap3A_1447, %swap3A_1448] {strides = array<i32>} : memref<512x128xf32, #tpu.memory_space<vmem>>, vector<1x16xf32>,
        %swap3A_1450 = vector.shape_cast %swap3A_1449 : vector<1x16xf32> to vector<16xf32>
        %swap3A_1451 = vector.shape_cast %bitcast_convert_type3A_1441 : vector<16xf32> to vector<1x16xf32>
        tpu.vector_store %arg11[%swap3A_1447, %swap3A_1448], %swap3A_1451 {add = true, strides = array<i32>} : memref<512x128xf32, #tpu.memory_space<vmem>>, vector<1x16xf32>,
        %mul3A_1452 = arith.constant 16 : i32
        %mul3A_1453 = arith.muli %scan3A_118, %mul3A_1452 : i32
        %add3A_1454 = arith.addi %mul3A_82, %mul3A_1453 : i32
        %add3A_1455 = arith.constant 14 : i32
        %add3A_1456 = arith.addi %add3A_1454, %add3A_1455 : i32
        %slice3A_1457 = vector.extract_strided_slice %get3A_126 {offsets = [14], sizes = [1], strides = [1]} : vector<16xi32> to vector<1xi32>
        %squeeze3A_1458 = vector.extract %slice3A_1457[0] : i32 from vector<1xi32>
        %get3A_1459 = arith.index_cast %squeeze3A_1458 : i32 to index
        %get3A_1460 = arith.constant 0 : index
        %get3A_1461 = tpu.vector_load %arg12[%get3A_1459, %get3A_1460] {strides = array<i32>} : memref<400x64xi32, #tpu.memory_space<vmem>>, vector<1x16xi32>,
        %get3A_1462 = vector.shape_cast %get3A_1461 : vector<1x16xi32> to vector<16xi32>
        %shift_left3A_1463 = arith.constant 16 : i32
        %shift_left3A_1464 = vector.broadcast %shift_left3A_1463 : i32 to vector<16xi32>
        %shift_left3A_1465 = arith.shli %get3A_1462, %shift_left3A_1464 : vector<16xi32>
        %bitcast_convert_type3A_1466 = tpu.bitcast %shift_left3A_1465 : vector<16xi32> -> vector<16xf32>
        %and3A_1467 = arith.constant -65536 : i32
        %and3A_1468 = vector.broadcast %and3A_1467 : i32 to vector<16xi32>
        %and3A_1469 = arith.andi %get3A_1462, %and3A_1468 : vector<16xi32>
        %bitcast_convert_type3A_1470 = tpu.bitcast %and3A_1469 : vector<16xi32> -> vector<16xf32>
        %swap3A_1471 = arith.index_cast %add3A_1456 : i32 to index
        %swap3A_1472 = arith.constant 0 : index
        %swap3A_1473 = tpu.vector_load %arg11[%swap3A_1471, %swap3A_1472] {strides = array<i32>} : memref<512x128xf32, #tpu.memory_space<vmem>>, vector<1x16xf32>,
        %swap3A_1474 = vector.shape_cast %swap3A_1473 : vector<1x16xf32> to vector<16xf32>
        %swap3A_1475 = vector.shape_cast %bitcast_convert_type3A_1466 : vector<16xf32> to vector<1x16xf32>
        tpu.vector_store %arg11[%swap3A_1471, %swap3A_1472], %swap3A_1475 {add = true, strides = array<i32>} : memref<512x128xf32, #tpu.memory_space<vmem>>, vector<1x16xf32>,
        %swap3A_1476 = arith.index_cast %add3A_1456 : i32 to index
        %swap3A_1477 = arith.constant 16 : index
        %swap3A_1478 = tpu.vector_load %arg11[%swap3A_1476, %swap3A_1477] {strides = array<i32>} : memref<512x128xf32, #tpu.memory_space<vmem>>, vector<1x16xf32>,
        %swap3A_1479 = vector.shape_cast %swap3A_1478 : vector<1x16xf32> to vector<16xf32>
        %swap3A_1480 = vector.shape_cast %bitcast_convert_type3A_1470 : vector<16xf32> to vector<1x16xf32>
        tpu.vector_store %arg11[%swap3A_1476, %swap3A_1477], %swap3A_1480 {add = true, strides = array<i32>} : memref<512x128xf32, #tpu.memory_space<vmem>>, vector<1x16xf32>,
        %get3A_1481 = arith.index_cast %squeeze3A_1458 : i32 to index
        %get3A_1482 = arith.constant 16 : index
        %get3A_1483 = tpu.vector_load %arg12[%get3A_1481, %get3A_1482] {strides = array<i32>} : memref<400x64xi32, #tpu.memory_space<vmem>>, vector<1x16xi32>,
        %get3A_1484 = vector.shape_cast %get3A_1483 : vector<1x16xi32> to vector<16xi32>
        %shift_left3A_1485 = arith.constant 16 : i32
        %shift_left3A_1486 = vector.broadcast %shift_left3A_1485 : i32 to vector<16xi32>
        %shift_left3A_1487 = arith.shli %get3A_1484, %shift_left3A_1486 : vector<16xi32>
        %bitcast_convert_type3A_1488 = tpu.bitcast %shift_left3A_1487 : vector<16xi32> -> vector<16xf32>
        %and3A_1489 = arith.constant -65536 : i32
        %and3A_1490 = vector.broadcast %and3A_1489 : i32 to vector<16xi32>
        %and3A_1491 = arith.andi %get3A_1484, %and3A_1490 : vector<16xi32>
        %bitcast_convert_type3A_1492 = tpu.bitcast %and3A_1491 : vector<16xi32> -> vector<16xf32>
        %swap3A_1493 = arith.index_cast %add3A_1456 : i32 to index
        %swap3A_1494 = arith.constant 32 : index
        %swap3A_1495 = tpu.vector_load %arg11[%swap3A_1493, %swap3A_1494] {strides = array<i32>} : memref<512x128xf32, #tpu.memory_space<vmem>>, vector<1x16xf32>,
        %swap3A_1496 = vector.shape_cast %swap3A_1495 : vector<1x16xf32> to vector<16xf32>
        %swap3A_1497 = vector.shape_cast %bitcast_convert_type3A_1488 : vector<16xf32> to vector<1x16xf32>
        tpu.vector_store %arg11[%swap3A_1493, %swap3A_1494], %swap3A_1497 {add = true, strides = array<i32>} : memref<512x128xf32, #tpu.memory_space<vmem>>, vector<1x16xf32>,
        %swap3A_1498 = arith.index_cast %add3A_1456 : i32 to index
        %swap3A_1499 = arith.constant 48 : index
        %swap3A_1500 = tpu.vector_load %arg11[%swap3A_1498, %swap3A_1499] {strides = array<i32>} : memref<512x128xf32, #tpu.memory_space<vmem>>, vector<1x16xf32>,
        %swap3A_1501 = vector.shape_cast %swap3A_1500 : vector<1x16xf32> to vector<16xf32>
        %swap3A_1502 = vector.shape_cast %bitcast_convert_type3A_1492 : vector<16xf32> to vector<1x16xf32>
        tpu.vector_store %arg11[%swap3A_1498, %swap3A_1499], %swap3A_1502 {add = true, strides = array<i32>} : memref<512x128xf32, #tpu.memory_space<vmem>>, vector<1x16xf32>,
        %get3A_1503 = arith.index_cast %squeeze3A_1458 : i32 to index
        %get3A_1504 = arith.constant 32 : index
        %get3A_1505 = tpu.vector_load %arg12[%get3A_1503, %get3A_1504] {strides = array<i32>} : memref<400x64xi32, #tpu.memory_space<vmem>>, vector<1x16xi32>,
        %get3A_1506 = vector.shape_cast %get3A_1505 : vector<1x16xi32> to vector<16xi32>
        %shift_left3A_1507 = arith.constant 16 : i32
        %shift_left3A_1508 = vector.broadcast %shift_left3A_1507 : i32 to vector<16xi32>
        %shift_left3A_1509 = arith.shli %get3A_1506, %shift_left3A_1508 : vector<16xi32>
        %bitcast_convert_type3A_1510 = tpu.bitcast %shift_left3A_1509 : vector<16xi32> -> vector<16xf32>
        %and3A_1511 = arith.constant -65536 : i32
        %and3A_1512 = vector.broadcast %and3A_1511 : i32 to vector<16xi32>
        %and3A_1513 = arith.andi %get3A_1506, %and3A_1512 : vector<16xi32>
        %bitcast_convert_type3A_1514 = tpu.bitcast %and3A_1513 : vector<16xi32> -> vector<16xf32>
        %swap3A_1515 = arith.index_cast %add3A_1456 : i32 to index
        %swap3A_1516 = arith.constant 64 : index
        %swap3A_1517 = tpu.vector_load %arg11[%swap3A_1515, %swap3A_1516] {strides = array<i32>} : memref<512x128xf32, #tpu.memory_space<vmem>>, vector<1x16xf32>,
        %swap3A_1518 = vector.shape_cast %swap3A_1517 : vector<1x16xf32> to vector<16xf32>
        %swap3A_1519 = vector.shape_cast %bitcast_convert_type3A_1510 : vector<16xf32> to vector<1x16xf32>
        tpu.vector_store %arg11[%swap3A_1515, %swap3A_1516], %swap3A_1519 {add = true, strides = array<i32>} : memref<512x128xf32, #tpu.memory_space<vmem>>, vector<1x16xf32>,
        %swap3A_1520 = arith.index_cast %add3A_1456 : i32 to index
        %swap3A_1521 = arith.constant 80 : index
        %swap3A_1522 = tpu.vector_load %arg11[%swap3A_1520, %swap3A_1521] {strides = array<i32>} : memref<512x128xf32, #tpu.memory_space<vmem>>, vector<1x16xf32>,
        %swap3A_1523 = vector.shape_cast %swap3A_1522 : vector<1x16xf32> to vector<16xf32>
        %swap3A_1524 = vector.shape_cast %bitcast_convert_type3A_1514 : vector<16xf32> to vector<1x16xf32>
        tpu.vector_store %arg11[%swap3A_1520, %swap3A_1521], %swap3A_1524 {add = true, strides = array<i32>} : memref<512x128xf32, #tpu.memory_space<vmem>>, vector<1x16xf32>,
        %get3A_1525 = arith.index_cast %squeeze3A_1458 : i32 to index
        %get3A_1526 = arith.constant 48 : index
        %get3A_1527 = tpu.vector_load %arg12[%get3A_1525, %get3A_1526] {strides = array<i32>} : memref<400x64xi32, #tpu.memory_space<vmem>>, vector<1x16xi32>,
        %get3A_1528 = vector.shape_cast %get3A_1527 : vector<1x16xi32> to vector<16xi32>
        %shift_left3A_1529 = arith.constant 16 : i32
        %shift_left3A_1530 = vector.broadcast %shift_left3A_1529 : i32 to vector<16xi32>
        %shift_left3A_1531 = arith.shli %get3A_1528, %shift_left3A_1530 : vector<16xi32>
        %bitcast_convert_type3A_1532 = tpu.bitcast %shift_left3A_1531 : vector<16xi32> -> vector<16xf32>
        %and3A_1533 = arith.constant -65536 : i32
        %and3A_1534 = vector.broadcast %and3A_1533 : i32 to vector<16xi32>
        %and3A_1535 = arith.andi %get3A_1528, %and3A_1534 : vector<16xi32>
        %bitcast_convert_type3A_1536 = tpu.bitcast %and3A_1535 : vector<16xi32> -> vector<16xf32>
        %swap3A_1537 = arith.index_cast %add3A_1456 : i32 to index
        %swap3A_1538 = arith.constant 96 : index
        %swap3A_1539 = tpu.vector_load %arg11[%swap3A_1537, %swap3A_1538] {strides = array<i32>} : memref<512x128xf32, #tpu.memory_space<vmem>>, vector<1x16xf32>,
        %swap3A_1540 = vector.shape_cast %swap3A_1539 : vector<1x16xf32> to vector<16xf32>
        %swap3A_1541 = vector.shape_cast %bitcast_convert_type3A_1532 : vector<16xf32> to vector<1x16xf32>
        tpu.vector_store %arg11[%swap3A_1537, %swap3A_1538], %swap3A_1541 {add = true, strides = array<i32>} : memref<512x128xf32, #tpu.memory_space<vmem>>, vector<1x16xf32>,
        %swap3A_1542 = arith.index_cast %add3A_1456 : i32 to index
        %swap3A_1543 = arith.constant 112 : index
        %swap3A_1544 = tpu.vector_load %arg11[%swap3A_1542, %swap3A_1543] {strides = array<i32>} : memref<512x128xf32, #tpu.memory_space<vmem>>, vector<1x16xf32>,
        %swap3A_1545 = vector.shape_cast %swap3A_1544 : vector<1x16xf32> to vector<16xf32>
        %swap3A_1546 = vector.shape_cast %bitcast_convert_type3A_1536 : vector<16xf32> to vector<1x16xf32>
        tpu.vector_store %arg11[%swap3A_1542, %swap3A_1543], %swap3A_1546 {add = true, strides = array<i32>} : memref<512x128xf32, #tpu.memory_space<vmem>>, vector<1x16xf32>,
        %mul3A_1547 = arith.constant 16 : i32
        %mul3A_1548 = arith.muli %scan3A_118, %mul3A_1547 : i32
        %add3A_1549 = arith.addi %mul3A_82, %mul3A_1548 : i32
        %add3A_1550 = arith.constant 15 : i32
        %add3A_1551 = arith.addi %add3A_1549, %add3A_1550 : i32
        %slice3A_1552 = vector.extract_strided_slice %get3A_126 {offsets = [15], sizes = [1], strides = [1]} : vector<16xi32> to vector<1xi32>
        %squeeze3A_1553 = vector.extract %slice3A_1552[0] : i32 from vector<1xi32>
        %get3A_1554 = arith.index_cast %squeeze3A_1553 : i32 to index
        %get3A_1555 = arith.constant 0 : index
        %get3A_1556 = tpu.vector_load %arg12[%get3A_1554, %get3A_1555] {strides = array<i32>} : memref<400x64xi32, #tpu.memory_space<vmem>>, vector<1x16xi32>,
        %get3A_1557 = vector.shape_cast %get3A_1556 : vector<1x16xi32> to vector<16xi32>
        %shift_left3A_1558 = arith.constant 16 : i32
        %shift_left3A_1559 = vector.broadcast %shift_left3A_1558 : i32 to vector<16xi32>
        %shift_left3A_1560 = arith.shli %get3A_1557, %shift_left3A_1559 : vector<16xi32>
        %bitcast_convert_type3A_1561 = tpu.bitcast %shift_left3A_1560 : vector<16xi32> -> vector<16xf32>
        %and3A_1562 = arith.constant -65536 : i32
        %and3A_1563 = vector.broadcast %and3A_1562 : i32 to vector<16xi32>
        %and3A_1564 = arith.andi %get3A_1557, %and3A_1563 : vector<16xi32>
        %bitcast_convert_type3A_1565 = tpu.bitcast %and3A_1564 : vector<16xi32> -> vector<16xf32>
        %swap3A_1566 = arith.index_cast %add3A_1551 : i32 to index
        %swap3A_1567 = arith.constant 0 : index
        %swap3A_1568 = tpu.vector_load %arg11[%swap3A_1566, %swap3A_1567] {strides = array<i32>} : memref<512x128xf32, #tpu.memory_space<vmem>>, vector<1x16xf32>,
        %swap3A_1569 = vector.shape_cast %swap3A_1568 : vector<1x16xf32> to vector<16xf32>
        %swap3A_1570 = vector.shape_cast %bitcast_convert_type3A_1561 : vector<16xf32> to vector<1x16xf32>
        tpu.vector_store %arg11[%swap3A_1566, %swap3A_1567], %swap3A_1570 {add = true, strides = array<i32>} : memref<512x128xf32, #tpu.memory_space<vmem>>, vector<1x16xf32>,
        %swap3A_1571 = arith.index_cast %add3A_1551 : i32 to index
        %swap3A_1572 = arith.constant 16 : index
        %swap3A_1573 = tpu.vector_load %arg11[%swap3A_1571, %swap3A_1572] {strides = array<i32>} : memref<512x128xf32, #tpu.memory_space<vmem>>, vector<1x16xf32>,
        %swap3A_1574 = vector.shape_cast %swap3A_1573 : vector<1x16xf32> to vector<16xf32>
        %swap3A_1575 = vector.shape_cast %bitcast_convert_type3A_1565 : vector<16xf32> to vector<1x16xf32>
        tpu.vector_store %arg11[%swap3A_1571, %swap3A_1572], %swap3A_1575 {add = true, strides = array<i32>} : memref<512x128xf32, #tpu.memory_space<vmem>>, vector<1x16xf32>,
        %get3A_1576 = arith.index_cast %squeeze3A_1553 : i32 to index
        %get3A_1577 = arith.constant 16 : index
        %get3A_1578 = tpu.vector_load %arg12[%get3A_1576, %get3A_1577] {strides = array<i32>} : memref<400x64xi32, #tpu.memory_space<vmem>>, vector<1x16xi32>,
        %get3A_1579 = vector.shape_cast %get3A_1578 : vector<1x16xi32> to vector<16xi32>
        %shift_left3A_1580 = arith.constant 16 : i32
        %shift_left3A_1581 = vector.broadcast %shift_left3A_1580 : i32 to vector<16xi32>
        %shift_left3A_1582 = arith.shli %get3A_1579, %shift_left3A_1581 : vector<16xi32>
        %bitcast_convert_type3A_1583 = tpu.bitcast %shift_left3A_1582 : vector<16xi32> -> vector<16xf32>
        %and3A_1584 = arith.constant -65536 : i32
        %and3A_1585 = vector.broadcast %and3A_1584 : i32 to vector<16xi32>
        %and3A_1586 = arith.andi %get3A_1579, %and3A_1585 : vector<16xi32>
        %bitcast_convert_type3A_1587 = tpu.bitcast %and3A_1586 : vector<16xi32> -> vector<16xf32>
        %swap3A_1588 = arith.index_cast %add3A_1551 : i32 to index
        %swap3A_1589 = arith.constant 32 : index
        %swap3A_1590 = tpu.vector_load %arg11[%swap3A_1588, %swap3A_1589] {strides = array<i32>} : memref<512x128xf32, #tpu.memory_space<vmem>>, vector<1x16xf32>,
        %swap3A_1591 = vector.shape_cast %swap3A_1590 : vector<1x16xf32> to vector<16xf32>
        %swap3A_1592 = vector.shape_cast %bitcast_convert_type3A_1583 : vector<16xf32> to vector<1x16xf32>
        tpu.vector_store %arg11[%swap3A_1588, %swap3A_1589], %swap3A_1592 {add = true, strides = array<i32>} : memref<512x128xf32, #tpu.memory_space<vmem>>, vector<1x16xf32>,
        %swap3A_1593 = arith.index_cast %add3A_1551 : i32 to index
        %swap3A_1594 = arith.constant 48 : index
        %swap3A_1595 = tpu.vector_load %arg11[%swap3A_1593, %swap3A_1594] {strides = array<i32>} : memref<512x128xf32, #tpu.memory_space<vmem>>, vector<1x16xf32>,
        %swap3A_1596 = vector.shape_cast %swap3A_1595 : vector<1x16xf32> to vector<16xf32>
        %swap3A_1597 = vector.shape_cast %bitcast_convert_type3A_1587 : vector<16xf32> to vector<1x16xf32>
        tpu.vector_store %arg11[%swap3A_1593, %swap3A_1594], %swap3A_1597 {add = true, strides = array<i32>} : memref<512x128xf32, #tpu.memory_space<vmem>>, vector<1x16xf32>,
        %get3A_1598 = arith.index_cast %squeeze3A_1553 : i32 to index
        %get3A_1599 = arith.constant 32 : index
        %get3A_1600 = tpu.vector_load %arg12[%get3A_1598, %get3A_1599] {strides = array<i32>} : memref<400x64xi32, #tpu.memory_space<vmem>>, vector<1x16xi32>,
        %get3A_1601 = vector.shape_cast %get3A_1600 : vector<1x16xi32> to vector<16xi32>
        %shift_left3A_1602 = arith.constant 16 : i32
        %shift_left3A_1603 = vector.broadcast %shift_left3A_1602 : i32 to vector<16xi32>
        %shift_left3A_1604 = arith.shli %get3A_1601, %shift_left3A_1603 : vector<16xi32>
        %bitcast_convert_type3A_1605 = tpu.bitcast %shift_left3A_1604 : vector<16xi32> -> vector<16xf32>
        %and3A_1606 = arith.constant -65536 : i32
        %and3A_1607 = vector.broadcast %and3A_1606 : i32 to vector<16xi32>
        %and3A_1608 = arith.andi %get3A_1601, %and3A_1607 : vector<16xi32>
        %bitcast_convert_type3A_1609 = tpu.bitcast %and3A_1608 : vector<16xi32> -> vector<16xf32>
        %swap3A_1610 = arith.index_cast %add3A_1551 : i32 to index
        %swap3A_1611 = arith.constant 64 : index
        %swap3A_1612 = tpu.vector_load %arg11[%swap3A_1610, %swap3A_1611] {strides = array<i32>} : memref<512x128xf32, #tpu.memory_space<vmem>>, vector<1x16xf32>,
        %swap3A_1613 = vector.shape_cast %swap3A_1612 : vector<1x16xf32> to vector<16xf32>
        %swap3A_1614 = vector.shape_cast %bitcast_convert_type3A_1605 : vector<16xf32> to vector<1x16xf32>
        tpu.vector_store %arg11[%swap3A_1610, %swap3A_1611], %swap3A_1614 {add = true, strides = array<i32>} : memref<512x128xf32, #tpu.memory_space<vmem>>, vector<1x16xf32>,
        %swap3A_1615 = arith.index_cast %add3A_1551 : i32 to index
        %swap3A_1616 = arith.constant 80 : index
        %swap3A_1617 = tpu.vector_load %arg11[%swap3A_1615, %swap3A_1616] {strides = array<i32>} : memref<512x128xf32, #tpu.memory_space<vmem>>, vector<1x16xf32>,
        %swap3A_1618 = vector.shape_cast %swap3A_1617 : vector<1x16xf32> to vector<16xf32>
        %swap3A_1619 = vector.shape_cast %bitcast_convert_type3A_1609 : vector<16xf32> to vector<1x16xf32>
        tpu.vector_store %arg11[%swap3A_1615, %swap3A_1616], %swap3A_1619 {add = true, strides = array<i32>} : memref<512x128xf32, #tpu.memory_space<vmem>>, vector<1x16xf32>,
        %get3A_1620 = arith.index_cast %squeeze3A_1553 : i32 to index
        %get3A_1621 = arith.constant 48 : index
        %get3A_1622 = tpu.vector_load %arg12[%get3A_1620, %get3A_1621] {strides = array<i32>} : memref<400x64xi32, #tpu.memory_space<vmem>>, vector<1x16xi32>,
        %get3A_1623 = vector.shape_cast %get3A_1622 : vector<1x16xi32> to vector<16xi32>
        %shift_left3A_1624 = arith.constant 16 : i32
        %shift_left3A_1625 = vector.broadcast %shift_left3A_1624 : i32 to vector<16xi32>
        %shift_left3A_1626 = arith.shli %get3A_1623, %shift_left3A_1625 : vector<16xi32>
        %bitcast_convert_type3A_1627 = tpu.bitcast %shift_left3A_1626 : vector<16xi32> -> vector<16xf32>
        %and3A_1628 = arith.constant -65536 : i32
        %and3A_1629 = vector.broadcast %and3A_1628 : i32 to vector<16xi32>
        %and3A_1630 = arith.andi %get3A_1623, %and3A_1629 : vector<16xi32>
        %bitcast_convert_type3A_1631 = tpu.bitcast %and3A_1630 : vector<16xi32> -> vector<16xf32>
        %swap3A_1632 = arith.index_cast %add3A_1551 : i32 to index
        %swap3A_1633 = arith.constant 96 : index
        %swap3A_1634 = tpu.vector_load %arg11[%swap3A_1632, %swap3A_1633] {strides = array<i32>} : memref<512x128xf32, #tpu.memory_space<vmem>>, vector<1x16xf32>,
        %swap3A_1635 = vector.shape_cast %swap3A_1634 : vector<1x16xf32> to vector<16xf32>
        %swap3A_1636 = vector.shape_cast %bitcast_convert_type3A_1627 : vector<16xf32> to vector<1x16xf32>
        tpu.vector_store %arg11[%swap3A_1632, %swap3A_1633], %swap3A_1636 {add = true, strides = array<i32>} : memref<512x128xf32, #tpu.memory_space<vmem>>, vector<1x16xf32>,
        %swap3A_1637 = arith.index_cast %add3A_1551 : i32 to index
        %swap3A_1638 = arith.constant 112 : index
        %swap3A_1639 = tpu.vector_load %arg11[%swap3A_1637, %swap3A_1638] {strides = array<i32>} : memref<512x128xf32, #tpu.memory_space<vmem>>, vector<1x16xf32>,
        %swap3A_1640 = vector.shape_cast %swap3A_1639 : vector<1x16xf32> to vector<16xf32>
        %swap3A_1641 = vector.shape_cast %bitcast_convert_type3A_1631 : vector<16xf32> to vector<1x16xf32>
        tpu.vector_store %arg11[%swap3A_1637, %swap3A_1638], %swap3A_1641 {add = true, strides = array<i32>} : memref<512x128xf32, #tpu.memory_space<vmem>>, vector<1x16xf32>,
        %scan3A_1642 = arith.constant 0 : i32
        scf.yield %scan3A_1642 : i32
      }
      %scan3A_105 = arith.constant 8 : i32
      %mul3A_106 = arith.constant 128 : i32
      %mul3A_107 = arith.muli %scan3A_77, %mul3A_106 : i32
      %add3A_108 = arith.addi %mul3A_2, %mul3A_107 : i32
      %dma_start3A_109 = arith.constant 0 : i32
      %dma_start3A_110 = tpu.memref_slice %arg11[%mul3A_82, %dma_start3A_109] : memref<512x128xf32, #tpu.memory_space<vmem>> -> memref<128x128xf32, #tpu.memory_space<vmem>>
      %dma_start3A_111 = arith.constant 0 : i32
      %dma_start3A_112 = tpu.memref_slice %arg7[%add3A_108, %dma_start3A_111] : memref<204800x128xf32, #tpu.memory_space<hbm>> -> memref<128x128xf32, #tpu.memory_space<hbm>>
      %dma_start3A_113 = arith.constant 0 : i32
      %dma_start3A_114 = tpu.memref_slice %arg7[%add3A_108, %dma_start3A_113] : memref<204800x128xf32, #tpu.memory_space<hbm>> -> memref<128x128xf32, #tpu.memory_space<hbm>>
      %dma_start3A_115 = arith.constant 0 : i32
      %dma_start3A_116 = tpu.memref_slice %arg11[%mul3A_82, %dma_start3A_115] : memref<512x128xf32, #tpu.memory_space<vmem>> -> memref<128x128xf32, #tpu.memory_space<vmem>>
      tpu.enqueue_dma source(%dma_start3A_116 : memref<128x128xf32, #tpu.memory_space<vmem>>) target(%dma_start3A_114 : memref<128x128xf32, #tpu.memory_space<hbm>>) target_semaphore(%arg14 : memref<!tpu.dma_semaphore, #tpu.memory_space<semaphore_mem>>)
      %scan3A_117 = arith.constant 0 : i32
      scf.yield %scan3A_117 : i32
    }
    %scan3A_37 = arith.constant 50 : i32
    %dma_wait3A = arith.constant 0 : i32
    %dma_wait3A_38 = arith.constant 0 : i32
    %dma_wait3A_39 = tpu.memref_slice %arg11[%dma_wait3A, %dma_wait3A_38] : memref<512x128xf32, #tpu.memory_space<vmem>> -> memref<128x128xf32, #tpu.memory_space<vmem>>
    %dma_wait3A_40 = arith.constant 0 : i32
    %dma_wait3A_41 = tpu.memref_slice %arg7[%mul3A_2, %dma_wait3A_40] : memref<204800x128xf32, #tpu.memory_space<hbm>> -> memref<128x128xf32, #tpu.memory_space<hbm>>
    %dma_wait3A_42 = arith.constant 0 : i32
    %dma_wait3A_43 = tpu.memref_slice %arg7[%mul3A_2, %dma_wait3A_42] : memref<204800x128xf32, #tpu.memory_space<hbm>> -> memref<128x128xf32, #tpu.memory_space<hbm>>
    %dma_wait3A_44 = arith.constant 0 : i32
    %dma_wait3A_45 = arith.constant 0 : i32
    %dma_wait3A_46 = tpu.memref_slice %arg11[%dma_wait3A_44, %dma_wait3A_45] : memref<512x128xf32, #tpu.memory_space<vmem>> -> memref<128x128xf32, #tpu.memory_space<vmem>>
    tpu.wait_dma2 semaphore(%arg14 : memref<!tpu.dma_semaphore, #tpu.memory_space<semaphore_mem>>) src(%dma_wait3A_46 : memref<128x128xf32, #tpu.memory_space<vmem>>) dst(%dma_wait3A_43 : memref<128x128xf32, #tpu.memory_space<hbm>>)
    %dma_wait3A_47 = arith.constant 0 : i32
    %dma_wait3A_48 = arith.constant 0 : i32
    %dma_wait3A_49 = tpu.memref_slice %arg11[%dma_wait3A_47, %dma_wait3A_48] : memref<512x128xf32, #tpu.memory_space<vmem>> -> memref<128x128xf32, #tpu.memory_space<vmem>>
    %dma_wait3A_50 = arith.constant 0 : i32
    %dma_wait3A_51 = tpu.memref_slice %arg7[%mul3A_2, %dma_wait3A_50] : memref<204800x128xf32, #tpu.memory_space<hbm>> -> memref<128x128xf32, #tpu.memory_space<hbm>>
    %dma_wait3A_52 = arith.constant 0 : i32
    %dma_wait3A_53 = tpu.memref_slice %arg7[%mul3A_2, %dma_wait3A_52] : memref<204800x128xf32, #tpu.memory_space<hbm>> -> memref<128x128xf32, #tpu.memory_space<hbm>>
    %dma_wait3A_54 = arith.constant 0 : i32
    %dma_wait3A_55 = arith.constant 0 : i32
    %dma_wait3A_56 = tpu.memref_slice %arg11[%dma_wait3A_54, %dma_wait3A_55] : memref<512x128xf32, #tpu.memory_space<vmem>> -> memref<128x128xf32, #tpu.memory_space<vmem>>
    tpu.wait_dma2 semaphore(%arg14 : memref<!tpu.dma_semaphore, #tpu.memory_space<semaphore_mem>>) src(%dma_wait3A_56 : memref<128x128xf32, #tpu.memory_space<vmem>>) dst(%dma_wait3A_53 : memref<128x128xf32, #tpu.memory_space<hbm>>)
    %dma_wait3A_57 = arith.constant 0 : i32
    %dma_wait3A_58 = arith.constant 0 : i32
    %dma_wait3A_59 = tpu.memref_slice %arg11[%dma_wait3A_57, %dma_wait3A_58] : memref<512x128xf32, #tpu.memory_space<vmem>> -> memref<128x128xf32, #tpu.memory_space<vmem>>
    %dma_wait3A_60 = arith.constant 0 : i32
    %dma_wait3A_61 = tpu.memref_slice %arg7[%mul3A_2, %dma_wait3A_60] : memref<204800x128xf32, #tpu.memory_space<hbm>> -> memref<128x128xf32, #tpu.memory_space<hbm>>
    %dma_wait3A_62 = arith.constant 0 : i32
    %dma_wait3A_63 = tpu.memref_slice %arg7[%mul3A_2, %dma_wait3A_62] : memref<204800x128xf32, #tpu.memory_space<hbm>> -> memref<128x128xf32, #tpu.memory_space<hbm>>
    %dma_wait3A_64 = arith.constant 0 : i32
    %dma_wait3A_65 = arith.constant 0 : i32
    %dma_wait3A_66 = tpu.memref_slice %arg11[%dma_wait3A_64, %dma_wait3A_65] : memref<512x128xf32, #tpu.memory_space<vmem>> -> memref<128x128xf32, #tpu.memory_space<vmem>>
    tpu.wait_dma2 semaphore(%arg14 : memref<!tpu.dma_semaphore, #tpu.memory_space<semaphore_mem>>) src(%dma_wait3A_66 : memref<128x128xf32, #tpu.memory_space<vmem>>) dst(%dma_wait3A_63 : memref<128x128xf32, #tpu.memory_space<hbm>>)
    %dma_wait3A_67 = arith.constant 0 : i32
    %dma_wait3A_68 = arith.constant 0 : i32
    %dma_wait3A_69 = tpu.memref_slice %arg11[%dma_wait3A_67, %dma_wait3A_68] : memref<512x128xf32, #tpu.memory_space<vmem>> -> memref<128x128xf32, #tpu.memory_space<vmem>>
    %dma_wait3A_70 = arith.constant 0 : i32
    %dma_wait3A_71 = tpu.memref_slice %arg7[%mul3A_2, %dma_wait3A_70] : memref<204800x128xf32, #tpu.memory_space<hbm>> -> memref<128x128xf32, #tpu.memory_space<hbm>>
    %dma_wait3A_72 = arith.constant 0 : i32
    %dma_wait3A_73 = tpu.memref_slice %arg7[%mul3A_2, %dma_wait3A_72] : memref<204800x128xf32, #tpu.memory_space<hbm>> -> memref<128x128xf32, #tpu.memory_space<hbm>>
    %dma_wait3A_74 = arith.constant 0 : i32
    %dma_wait3A_75 = arith.constant 0 : i32
    %dma_wait3A_76 = tpu.memref_slice %arg11[%dma_wait3A_74, %dma_wait3A_75] : memref<512x128xf32, #tpu.memory_space<vmem>> -> memref<128x128xf32, #tpu.memory_space<vmem>>
    tpu.wait_dma2 semaphore(%arg14 : memref<!tpu.dma_semaphore, #tpu.memory_space<semaphore_mem>>) src(%dma_wait3A_76 : memref<128x128xf32, #tpu.memory_space<vmem>>) dst(%dma_wait3A_73 : memref<128x128xf32, #tpu.memory_space<hbm>>)
    return
  }
}

</mosaic_0001>

<sc_bundles>
// kernel: kernel.3.cloned.1.call-start
scs
__scs_entry_jumppad:
0x0: {  	(pc) =	sbr.rel $0x88, $3  }
0x1: {  	(tag) =	ssettag $0x0;
	lr =	simm.s32 $0x1  }
0x2: {  	[smem:$0x3F9B] =	sst lr;
	_ =	strace $0xD0000000  }
0x3: {  	_ = 	snop  }
0x4: {  	_ = 	snop  }
0x5: {  	_ = 	snop  }
0x6: {  	_ = 	snop  }
0x7: {  	_ = 	snop  }
__scs_overlays_trampoline_lowered:
0x8: {  	[smem:$0x3FAA] =	sst s0  }
0x9: {  	[smem:$0x3FAB] =	sst s1  }
0xa: {  	[smem:$0x3FAC] =	sst s2  }
0xb: {  	[smem:$0x3FAD] =	sst s3  }
0xc: {  	[smem:$0x3FAE] =	sst s4  }
0xd: {  	[smem:$0x3FAF] =	sst s5  }
0xe: {  	[smem:$0x3FB0] =	sst s6  }
0xf: {  	[smem:$0x3FB1] =	sst s7  }
0x10: {  	[smem:$0x3FB2] =	sst s8  }
0x11: {  	[smem:$0x3FB3] =	sst s9;
	s0 =	simm.s32 @!p0 $0x0  }
0x12: {  	s1 =	sld [smem:$0x3F99];
	s0 =	simm.s32 @p0 $0x1  }
0x13: {  	[smem:$0x3FB4] =	sst s0;
	s0 =	simm.s32 @!p1 $0x0  }
0x14: {  	s2 =	sld [smem:$0x3F98];
	s0 =	simm.s32 @p1 $0x1  }
0x15: {  	[smem:$0x3FB5] =	sst s0;
	s0 =	simm.s32 @!p2 $0x0  }
0x16: {  	s3 =	sld [smem:$0x3FDB];
	s0 =	simm.s32 @p2 $0x1  }
0x17: {  	s4 =	simm.s32 $0x1BF5;
	[smem:$0x3FB7] =	sst s0  }
0x18: {  	s0 =	sld [smem:$0x3F9A];
	_ =	swait.ge [sflag:s4], $0x0  }
0x19: {  	s7 =	sld [smem:$0x3F9B]  }
0x1a: {  	s8 =	sadd.s32 $0xFFFFE003, lr  }
0x1b: {  	s9 =	sadd.s32 $0xFFFFFEF7, lr;
	s5 =	simm.s32 $0xFFFFFFFF;
	p2 =	slt.u32 s8, $0xFFFFF086  }
0x1c: {  	p1 =	slt.u32 s9, $0xF7A;
	s5 =	simm.s32 @!p2 $0x0  }
0x1d: {  	s5 =	simm.s32 @p1 $0x1;
	p0 =	seq.s32 s7, s2  }
0x1e: {  	s7 =	smul.u32 @!p0 $0xF7A, s2;
	p2 =	seq.s32 @!p0 s5, $0x0  }
0x1f: {  	s9 =	smul.u32 $0xF7A, s1;
	s8 =	simm.s32 @!p0 $0x1BF5;
	p2 =	por !p2, p0  }
0x20: {  	[sflag:s8] =	ssyncset.s32 @!p0 $0xFFFFF086;
	s6 =	sadd.s32 @!p0 s3, s7;
	s7 =	simm.s32 @!p0 $0x108  }
0x21: {  	s3 =	sadd.s32 s3, s9;
	s6 =	sadd.s32 @!p0 $0x88, s6;
	s7 =	simm.s32 @p2 $0x1082  }
0x22: {  	[simem:s7], [sflag:s8] =	dma.local @!p0 [hbm:s6], $0xF7A  }
0x23: {  	s9 =	sor.u32 $0xD0000000, s2;
	s6 =	simm.s32 $0x108;
	_ =	swait.ge @!p0 [sflag:s8], $0x0  }
0x24: {  	s3 =	sadd.s32 $0x88, s3;
	s6 =	simm.s32 @!p1 $0x1082;
	[sflag:s4] =	ssyncset.s32 $0xFFFFF086  }
0x25: {  	[simem:s6], [sflag:s4] =	dma.local [hbm:s3], $0xF7A  }
0x26: {  	[smem:$0x3F9B] =	sst s1;
	(tag) =	ssettag s2;
	_ =	strace s9  }
0x27: {  	s1 =	sld [smem:$0x3FAB]  }
0x28: {  	s2 =	sld [smem:$0x3FAC]  }
0x29: {  	s4 =	sld [smem:$0x3FAE]  }
0x2a: {  	p0 =	seq.s32 s5, $0x0;
	s5 =	sld [smem:$0x3FAF]  }
0x2b: {  	s6 =	sld [smem:$0x3FB0]  }
0x2c: {  	s7 =	sld [smem:$0x3FB1]  }
0x2d: {  	s3 =	simm.s32 $0x108;
	s8 =	sld [smem:$0x3FB2]  }
0x2e: {  	s3 =	simm.s32 @!p0 $0x1082;
	s9 =	sld [smem:$0x3FB3]  }
0x2f: {  	lr =	sadd.s32 s0, s3;
	s0 =	sld [smem:$0x3FAA]  }
0x30: {  	s3 =	sld [smem:$0x3FAD]  }
0x31: {  	[smem:$0x3FB6] =	sst s10  }
0x32: {  	s10 =	sld [smem:$0x3FB4];
	_ =	sdelay $0x3  }
0x33: {  	p0 =	seq.s32 s10, $0x1;
	s10 =	sld [smem:$0x3FB6];
	_ =	sdelay $0x3  }
0x34: {  	[smem:$0x3FB6] =	sst s10  }
0x35: {  	s10 =	sld [smem:$0x3FB5];
	_ =	sdelay $0x3  }
0x36: {  	p1 =	seq.s32 s10, $0x1;
	s10 =	sld [smem:$0x3FB6];
	_ =	sdelay $0x3  }
0x37: {  	[smem:$0x3FB6] =	sst s10  }
0x38: {  	s10 =	sld [smem:$0x3FB7]  }
0x39: {  	_ = 	snop;
	(pc) =	sbr.ind lr, $3  }
0x3a: {  	_ = 	snop  }
0x3b: {  	_ = 	snop  }
0x3c: {  	p2 =	seq.s32 s10, $0x1;
	s10 =	sld [smem:$0x3FB6]  }
0x3d: {  	_ =	shalt  }
0x3e: {  	_ =	shalt  }
0x3f: {  	_ =	shalt  }
0x40: {  	_ =	shalt  }
0x41: {  	_ =	shalt  }
0x42: {  	_ =	shalt  }
0x43: {  	_ =	shalt  }
0x44: {  	_ =	shalt  }
0x45: {  	_ =	shalt  }
0x46: {  	_ =	shalt  }
0x47: {  	_ =	shalt  }
0x48: {  	_ =	shalt  }
0x49: {  	_ =	shalt  }
0x4a: {  	_ =	shalt  }
0x4b: {  	_ =	shalt  }
0x4c: {  	_ =	shalt  }
0x4d: {  	_ =	shalt  }
0x4e: {  	_ =	shalt  }
0x4f: {  	_ =	shalt  }
0x50: {  	_ =	shalt  }
0x51: {  	_ =	shalt  }
0x52: {  	_ =	shalt  }
0x53: {  	_ =	shalt  }
0x54: {  	_ =	shalt  }
0x55: {  	_ =	shalt  }
0x56: {  	_ =	shalt  }
0x57: {  	_ =	shalt  }
0x58: {  	_ =	shalt  }
0x59: {  	_ =	shalt  }
0x5a: {  	_ =	shalt  }
0x5b: {  	_ =	shalt  }
0x5c: {  	_ =	shalt  }
0x5d: {  	_ =	shalt  }
0x5e: {  	_ =	shalt  }
0x5f: {  	_ =	shalt  }
0x60: {  	_ =	shalt  }
0x61: {  	_ =	shalt  }
0x62: {  	_ =	shalt  }
0x63: {  	_ =	shalt  }
0x64: {  	_ =	shalt  }
0x65: {  	_ =	shalt  }
0x66: {  	_ =	shalt  }
0x67: {  	_ =	shalt  }
0x68: {  	_ =	shalt  }
0x69: {  	_ =	shalt  }
0x6a: {  	_ =	shalt  }
0x6b: {  	_ =	shalt  }
0x6c: {  	_ =	shalt  }
0x6d: {  	_ =	shalt  }
0x6e: {  	_ =	shalt  }
0x6f: {  	_ =	shalt  }
0x70: {  	_ =	shalt  }
0x71: {  	_ =	shalt  }
0x72: {  	_ =	shalt  }
0x73: {  	_ =	shalt  }
0x74: {  	_ =	shalt  }
0x75: {  	_ =	shalt  }
0x76: {  	_ =	shalt  }
0x77: {  	_ =	shalt  }
0x78: {  	_ =	shalt  }
0x79: {  	_ =	shalt  }
0x7a: {  	_ =	shalt  }
0x7b: {  	_ =	shalt  }
0x7c: {  	_ =	shalt  }
0x7d: {  	_ =	shalt  }
0x7e: {  	_ =	shalt  }
0x7f: {  	_ =	shalt  }
0x80: {  	_ =	shalt  }
0x81: {  	_ =	shalt  }
0x82: {  	_ =	shalt  }
0x83: {  	_ =	shalt  }
0x84: {  	_ =	shalt  }
0x85: {  	_ =	shalt  }
0x86: {  	_ =	shalt  }
0x87: {  	_ =	shalt  }
.Lfunc_end0:
.L_simem_size_0:
called_computation_lowered:
.L_overlay_start_0:
0x88: {  	s2 =	sld [smem:$0x3FD9]  }
0x89: {  	s3 =	sld [smem:$0x3FFE];
	_ =	sdelay $0x1  }
0x8a: {  	s1 =	srdreg.scid  }
0x8b: {  	s0 =	sand.u32 $0x1, s1  }
0x8c: {  	s17 =	sshll.u32 s0, $0xA;
	s2 =	sadd.s32 s3, s2  }
0x8d: {  	s2 =	sadd.s32 s2, s17  }
0x8e: {  	[smem:$0x3FC2] =	sst s2  }
0x8f: {  	_ = 	snop  }
0x90: {  	s2 =	sld [smem:$0x3FC6]  }
0x91: {  	s18 =	sld [smem:$0x3FD0];
	(tm) =	ssettm $0x1  }
0x92: {  	s4 =	sld [smem:$0x3FFB];
	_ =	sdelay $0x3  }
0x93: {  	_ =	strace s4  }
0x94: {  	s4 =	sld [smem:$0x3FFC];
	_ =	sdelay $0x3  }
0x95: {  	_ =	strace s4  }
0x96: {  	s4 =	sld [smem:$0x3FFD];
	_ =	sdelay $0x3  }
0x97: {  	_ =	strace s4  }
0x98: {  	_ =	strace $0x8FFFFFFF  }
0x99: {  	s19 =	sld [smem:$0x3FDB];
	_ =	sdelay $0x1  }
0x9a: {  	s5 =	simm.s32 $_scs_section_size  }
0x9b: {  	s6 =	simm.s32 $_size__tile_overlayer_lowered;
	s7 =	simm.s32 $_tile_overlayer_lowered  }
0x9c: {  	s22 =	simm.s32 $0x1BFF;
	s21 =	sshll.u32 s7, $0x1;
	s4 =	sadd.s32 s5, s19  }
0x9d: {  	s8 =	simm.s32 $0x0;
	s20 =	sshll.u32 s6, $0x1;
	s6 =	sadd.s32 s21, s4  }
0x9e: {  	[timem:s8], [sflag:s22] =	dma.local [hbm:s6], s20  }
0x9f: {  	_ =	swait.ge [sflag:s22], s20  }
0xa0: {  	s5 =	ssub.s32 $0x0, s20;
	[sflag:s22] =	ssyncset.done $0x0  }
0xa1: {  	[sflag:s22] =	ssyncadd.s32 s5;
	_ =	sdelay $0x1  }
0xa2: {  	s23 =	simm.s32 $0x1B8B  }
0xa3: {  	_ =	swait.ge [sflag:s23], $0x1  }
0xa4: {  	[sflag:s23] =	ssyncset.done $0x0  }
0xa5: {  	s25 =	simm.s32 $0x1B8E;
	s24 =	sld [smem:$0x3FFE];
	[sflag:s23] =	ssyncadd.s32 $0xFFFFFFFF  }
0xa6: {  	s26 =	simm.s32 $execute0_lowered;
	[smem:$0x3FD2] =	sst s25  }
0xa7: {  	s6 =	sshll.u32 s26, $0x1;
	_ =	strace $0x80000046;
	[dreg:$0x1] =	wrdreg $0xFFFFFFFF  }
0xa8: {  	s28 =	simm.s32 $_size_execute0_lowered;
	s4 =	sadd.s32 s4, s6;
	[dreg:$0x0] =	wrdreg $0x0  }
0xa9: {  	s6 =	sshll.u32 s28, $0x1;
	[dreg:$0x2] =	wrdreg s4  }
0xaa: {  	[dreg:$0x3] =	wrdreg s6  }
0xab: {  	[dreg:$0x4] =	wrdreg $0xC0  }
0xac: {  	_ =	task [dreg:s8], $0x5FFFF  }
0xad: {  	[dreg:$0x1] =	wrdreg $0xFFFFFFFF  }
0xae: {  	[dreg:$0x0] =	wrdreg $0x60  }
0xaf: {  	[dreg:$0x2] =	wrdreg s24  }
0xb0: {  	[dreg:$0x3] =	wrdreg s2  }
0xb1: {  	[dreg:$0x4] =	wrdreg s18  }
0xb2: {  	[dreg:$0x5] =	wrdreg $0x9  }
0xb3: {  	_ =	task.clear_ibuf [dreg:s8], $0x6FFFF;
	_ =	strace $0x90000046  }
0xb4: {  	s29 =	simm.s32 $0x9;
	_ =	strace $0x80000048  }
0xb5: {  	_ =	swait.ge [sflag:s29], $0x1  }
0xb6: {  	[sflag:s29] =	ssyncadd.s32 $0xFFFFFFFF  }
0xb7: {  	_ =	strace $0x90000048  }
0xb8: {  	_ =	sfence  }
0xb9: {  	s30 =	sld [smem:$0x0];
	_ =	sdelay $0x2  }
0xba: {  	s31 =	sshll.u32 s1, $0xD;
	s1 =	sshrl.u32 s1, $0x2  }
0xbb: {  	s3 =	sand.u32 $0x4000, s31;
	s1 =	sadd.s32 s1, s30  }
0xbc: {  	s0 =	sor.u32 s3, s0;
	s1 =	sshll.u32 s1, $0x11  }
0xbd: {  	s0 =	sor.u32 s1, s0  }
0xbe: {  	s0 =	sadd.s32 $0x8F2B, s0  }
0xbf: {  	[sflag:s0] =	ssyncadd.remote.s32 $0x1  }
0xc0: {  	_ =	sfence.sel $0xFFFF  }
0xc1: {  	[dreg:$0x0] =	wrdreg $0xFFFFFFFF;
	(pc) =	sbr.abs _section_cstart, $3  }
0xc2: {  	[dreg:$0x1] =	wrdreg $0xFFFFFFFF  }
0xc3: {  	_ =	task.clear_ibuf [dreg:s8], $0x2FFFF;
	_ =	strace $0x9FFFFFFF  }
0xc4: {  	(tm) =	ssettm $0x7FFFFFFF  }
0xc5: {  	_ =	shalt  }
tec
execute0_lowered:
.L_overlay_start_1:
0x0: {  	(tag) =	ssettag $0x1  }
0x1: {  	s1 =	rddreg [dreg:$0x0]  }
0x2: {  	s3 =	rddreg [dreg:$0x1];
	s2 =	srdreg.scid  }
0x3: {  	s0 =	stileid.u32;
	s4 =	rddreg [dreg:$0x2]  }
0x4: {  	s12 =	simm.s32 $0x1900;
	s13 =	simm.s32 $0x3200;
	s14 =	simm.s32 $0x14B00  }
0x5: {  	s15 =	simm.s32 $0x80;
	s16 =	simm.s32 $0x4B00;
	s17 =	simm.s32 $0x8B00  }
0x6: {  	s18 =	simm.s32 $0x1;
	s6 =	sand.u32 $0x1, s2;
	s5 =	sshll.u32 s0, $0x1  }
0x7: {  	s19 =	simm.s32 $0x2;
	s2 =	rddreg [dreg:$0x3];
	s9 =	sor.u32 s6, s5  }
0x8: {  	s5 =	simm.s32 $0x0;
	s6 =	ssub.s32 $0x2, s6;
	s7 =	smul.u32 $0x320, s9  }
0x9: {  	s20 =	simm.s32 $0x0;
	[smem:$0x7FF] =	sst s5;
	s8 =	sshrl.u32 s6, $0x1  }
0xa: {  	s9 =	smul.u32 $0xC8000, s9;
	_ =	strace $0x80000047;
	s10 =	sadd.s32 s7, s1  }
0xb: {  	s11 =	ssub.s32 s6, s8;
	s6 =	sadd.s32 $0xE00, s10;
	s7 =	sadd.s32 $0xD600, s10  }
0xc: {  	s8 =	sadd.s32 $0x7200, s10;
	s10 =	smax.u32 s11, $0x1;
	s11 =	simm.s32 $0x3  }
.LBB2_1:
0xd: {  	[tilespmem:s5], [sflag:$0x3] =	stream.linear.gather [hbm4b:s6+s5], $0x1900, $0x38;
	[tilespmem:$0x1AF00] =	vst v63  }
0xe: {  	_ =	swait.ge [sflag:s11], $0x1900  }
0xf: {  	[sflag:s11] =	ssyncset.done $0x0  }
0x10: {  	[sflag:s11] =	ssyncadd.s32 $0xFFFFE700  }
0x11: {  	[tilespmem:s12], [sflag:$0x3] =	stream.linear.gather [hbm4b:s7+s5], $0x1900, $0x38;
	[tilespmem:$0x1AF00] =	vst v63  }
0x12: {  	_ =	swait.ge [sflag:s11], $0x1900  }
0x13: {  	[sflag:s11] =	ssyncset.done $0x0  }
0x14: {  	[sflag:s11] =	ssyncadd.s32 $0xFFFFE700  }
0x15: {  	[tilespmem:s13], [sflag:$0x3] =	stream.linear.gather [hbm4b:s8+s5], $0x1900, $0x38;
	[tilespmem:$0x1AF00] =	vst v63  }
0x16: {  	_ =	swait.ge [sflag:s11], $0x1900  }
0x17: {  	[sflag:s11] =	ssyncset.done $0x0  }
0x18: {  	[sflag:s11] =	ssyncadd.s32 $0xFFFFE700  }
0x19: {  	[tilespmem:s14], [sflag:$0x3] =	stream.linear.gather [hbm4b:s1+s5], $0x6400, $0x38;
	[tilespmem:$0x1AF00] =	vst v63  }
0x1a: {  	_ =	swait.ge [sflag:s11], $0x6400  }
0x1b: {  	[sflag:s11] =	ssyncset.done $0x0  }
0x1c: {  	s22 =	simm.s32 $0x1940;
	[sflag:s11] =	ssyncadd.s32 $0xFFFF9C00  }
0x1d: {  	s21 =	simm.s32 $0x3240;
	v0 =	vld [tilespmem:s22+$0xFFFFFFC0]  }
0x1e: {  	v1 =	vld [tilespmem:s21+$0xFFFFFFC0];
	_ =	sdelay $0x3  }
0x1f: {  	v0 =	vshll.u32 v0, $0x1  }
0x20: {  	v0 =	vadd.s32 v1, v0  }
0x21: {  	[tilespmem:s21+$0xFFFFFFC0] =	vst v0  }
0x22: {  	v0 =	vld [tilespmem:s22+$0xFFFFFFD0]  }
0x23: {  	v57 =	vld [tilespmem:s21+$0xFFFFFFD0];
	_ =	sdelay $0x3  }
0x24: {  	v0 =	vshll.u32 v0, $0x1  }
0x25: {  	v0 =	vadd.s32 v57, v0  }
0x26: {  	[tilespmem:s21+$0xFFFFFFD0] =	vst v0  }
0x27: {  	v0 =	vld [tilespmem:s22+$0xFFFFFFE0]  }
0x28: {  	v58 =	vld [tilespmem:s21+$0xFFFFFFE0];
	_ =	sdelay $0x3  }
0x29: {  	v0 =	vshll.u32 v0, $0x1  }
0x2a: {  	v0 =	vadd.s32 v58, v0  }
0x2b: {  	[tilespmem:s21+$0xFFFFFFE0] =	vst v0  }
0x2c: {  	v0 =	vld [tilespmem:s22+$0xFFFFFFF0]  }
0x2d: {  	v59 =	vld [tilespmem:s21+$0xFFFFFFF0];
	_ =	sdelay $0x3  }
0x2e: {  	v0 =	vshll.u32 v0, $0x1  }
0x2f: {  	v0 =	vadd.s32 v59, v0  }
0x30: {  	[tilespmem:s21+$0xFFFFFFF0] =	vst v0  }
0x31: {  	v0 =	vld [tilespmem:s22+$0x0]  }
0x32: {  	v60 =	vld [tilespmem:s21+$0x0];
	_ =	sdelay $0x3  }
0x33: {  	v0 =	vshll.u32 v0, $0x1  }
0x34: {  	v0 =	vadd.s32 v60, v0  }
0x35: {  	[tilespmem:s21+$0x0] =	vst v0  }
0x36: {  	v0 =	vld [tilespmem:s22+$0x10]  }
0x37: {  	v61 =	vld [tilespmem:s21+$0x10];
	_ =	sdelay $0x3  }
0x38: {  	v0 =	vshll.u32 v0, $0x1  }
0x39: {  	v0 =	vadd.s32 v61, v0  }
0x3a: {  	[tilespmem:s21+$0x10] =	vst v0  }
0x3b: {  	v0 =	vld [tilespmem:s22+$0x20]  }
0x3c: {  	v62 =	vld [tilespmem:s21+$0x20];
	_ =	sdelay $0x3  }
0x3d: {  	v0 =	vshll.u32 v0, $0x1  }
0x3e: {  	v0 =	vadd.s32 v62, v0  }
0x3f: {  	[tilespmem:s21+$0x20] =	vst v0  }
0x40: {  	v0 =	vld [tilespmem:s22+$0x30]  }
0x41: {  	v63 =	vld [tilespmem:s21+$0x30];
	_ =	sdelay $0x3  }
0x42: {  	v0 =	vshll.u32 v0, $0x1  }
0x43: {  	v0 =	vadd.s32 v63, v0  }
0x44: {  	s23 =	simm.s32 $0x19C0;
	s22 =	simm.s32 $0x0;
	[tilespmem:s21+$0x30] =	vst v0  }
.LBB2_2:
0x45: {  	v0 =	vld [tilespmem:s23+$0xFFFFFFC0];
	s22 =	sadd.s32 $0x8, s22;
	s21 =	sadd.s32 $0x80, s21  }
0x46: {  	v1 =	vld [tilespmem:s21+$0xFFFFFFC0];
	p0 =	slt.u32 s22, $0x188;
	_ =	sdelay $0x3  }
0x47: {  	v0 =	vshll.u32 v0, $0x1  }
0x48: {  	v0 =	vadd.s32 v1, v0  }
0x49: {  	[tilespmem:s21+$0xFFFFFFC0] =	vst v0  }
0x4a: {  	v0 =	vld [tilespmem:s23+$0xFFFFFFD0]  }
0x4b: {  	v1 =	vld [tilespmem:s21+$0xFFFFFFD0];
	_ =	sdelay $0x3  }
0x4c: {  	v0 =	vshll.u32 v0, $0x1  }
0x4d: {  	v0 =	vadd.s32 v1, v0  }
0x4e: {  	[tilespmem:s21+$0xFFFFFFD0] =	vst v0  }
0x4f: {  	v0 =	vld [tilespmem:s23+$0xFFFFFFE0]  }
0x50: {  	v1 =	vld [tilespmem:s21+$0xFFFFFFE0];
	_ =	sdelay $0x3  }
0x51: {  	v0 =	vshll.u32 v0, $0x1  }
0x52: {  	v0 =	vadd.s32 v1, v0  }
0x53: {  	[tilespmem:s21+$0xFFFFFFE0] =	vst v0  }
0x54: {  	v0 =	vld [tilespmem:s23+$0xFFFFFFF0]  }
0x55: {  	v1 =	vld [tilespmem:s21+$0xFFFFFFF0];
	_ =	sdelay $0x3  }
0x56: {  	v0 =	vshll.u32 v0, $0x1  }
0x57: {  	v0 =	vadd.s32 v1, v0  }
0x58: {  	[tilespmem:s21+$0xFFFFFFF0] =	vst v0  }
0x59: {  	v0 =	vld [tilespmem:s23+$0x0]  }
0x5a: {  	v1 =	vld [tilespmem:s21+$0x0];
	_ =	sdelay $0x3  }
0x5b: {  	v0 =	vshll.u32 v0, $0x1  }
0x5c: {  	v0 =	vadd.s32 v1, v0  }
0x5d: {  	[tilespmem:s21+$0x0] =	vst v0  }
0x5e: {  	v0 =	vld [tilespmem:s23+$0x10]  }
0x5f: {  	v1 =	vld [tilespmem:s21+$0x10];
	_ =	sdelay $0x3  }
0x60: {  	v0 =	vshll.u32 v0, $0x1  }
0x61: {  	v0 =	vadd.s32 v1, v0  }
0x62: {  	[tilespmem:s21+$0x10] =	vst v0  }
0x63: {  	v0 =	vld [tilespmem:s23+$0x20]  }
0x64: {  	v1 =	vld [tilespmem:s21+$0x20];
	_ =	sdelay $0x3  }
0x65: {  	v0 =	vshll.u32 v0, $0x1  }
0x66: {  	v0 =	vadd.s32 v1, v0  }
0x67: {  	[tilespmem:s21+$0x20] =	vst v0  }
0x68: {  	v0 =	vld [tilespmem:s23+$0x30]  }
0x69: {  	v1 =	vld [tilespmem:s21+$0x30];
	_ =	sdelay $0x1  }
.Ltmp0:
0x6a: {  	(pc) =	sbr.rel @p0 .LBB2_2-.Ltmp0, $4  }
0x6b: {  	_ = 	snop  }
0x6c: {  	v0 =	vshll.u32 v0, $0x1  }
0x6d: {  	v0 =	vadd.s32 v1, v0  }
0x6e: {  	s23 =	sadd.s32 $0x80, s23;
	[tilespmem:s21+$0x30] =	vst v0  }
0x6f: {  	s21 =	simm.s32 $0x0  }
0x70: {  	[tilespmem:s16], [sflag:$0x1] =	stream.indirect.gather [hbm4b:s3+s15], $0x80, s21, s15, $0xb8;
	[tilespmem:$0x1AF00] =	vst v63  }
0x71: {  	s22 =	simm.s32 $0x3200;
	s23 =	simm.s32 $0x0  }
0x72: {  	[tilespmem:s17], [sflag:$0x1] =	stream.indirect.gather [hbm4b:s3+s15], $0x80, s15, s15, $0xb8;
	[tilespmem:$0x1AF00] =	vst v63  }
.LBB2_4:
0x73: {  	p0 =	sgt.u32 s23, $0x2F  }
0x74: {  	p1 =	slt.u32 @!p0 s23, $0x2  }
0x75: {  	p1 =	por p1, p0  }
0x76: {  	s24 =	simm.s32 @!p1 $0x2  }
0x77: {  	s25 =	sadd.s32 $0x2, s23;
	_ =	swait.ge @!p1 [sflag:s24], $0x4000  }
0x78: {  	s26 =	sand.u32 $0x3, s21;
	s28 =	sshll.u32 @!p0 s25, $0xE;
	[sflag:s24] =	ssyncset.done @!p1 $0x0  }
0x79: {  	s25 =	sshll.u32 @!p0 s25, $0x7;
	[sflag:s24] =	ssyncadd.s32 @!p1 $0xFFFFC000;
	s24 =	sand.u32 @!p0 $0xC000, s28  }
0x7a: {  	s25 =	sand.u32 @!p0 $0x3FFFFF80, s25;
	s28 =	simm.s32 @!p0 $0x80;
	s24 =	sadd.s32 @!p0 $0x4B00, s24  }
0x7b: {  	[tilespmem:s24], [sflag:$0x1] =	stream.indirect.gather @!p0 [hbm4b:s3+s28], $0x80, s25, s28, $0xb8;
	[tilespmem:$0x1AF00] =	vst v63  }
0x7c: {  	s31 =	sshll.u32 s23, $0x7;
	s30 =	sshll.u32 s26, $0xE;
	_ =	swait.ge [sflag:s18], $0x4000  }
0x7d: {  	s26 =	smov.u32 s22;
	s25 =	sadd.s32 $0x4B00, s30;
	[sflag:s18] =	ssyncset.done $0x0  }
0x7e: {  	s24 =	sand.u32 $0x180, s31;
	s28 =	simm.s32 $0x0;
	[sflag:s18] =	ssyncadd.s32 $0xFFFFC000  }
.LBB2_5:
0x7f: {  	v0 =	vld [tilespmem:s26+$0x0];
	_ =	sdelay $0x4  }
0x80: {  	v0 =	vshll.u32 v0, $0x8  }
0x81: {  	v0 =	vshra.s32 v0, $0x2  }
0x82: {  	(v2sf) =	vpush v0, $0x0;
	_ =	sdelay $0xe  }
0x83: {  	s30 =	spop (v2sf)  }
0x84: {  	v1 =	vld [tilespmem:s30+$0x14B00];
	_ =	sdelay $0x3  }
0x85: {  	s29 =	sshra.s32 s28, $0x2  }
0x86: {  	s29 =	sadd.s32 s29, s25;
	v2 =	vshll.u32 v1, $0x10  }
0x87: {  	v1 =	vand.u32 $0xFFFF0000, v1;
	[tilespmem:s29+$0x0] =	vst.add.f32.msk $0xffff, v2  }
0x88: {  	[tilespmem:s29+$0x10] =	vst.add.f32.msk $0xffff, v1  }
0x89: {  	v1 =	vld [tilespmem:s30+$0x14B10];
	_ =	sdelay $0x4  }
0x8a: {  	v61 =	vshll.u32 v1, $0x10  }
0x8b: {  	v1 =	vand.u32 $0xFFFF0000, v1;
	[tilespmem:s29+$0x20] =	vst.add.f32.msk $0xffff, v61  }
0x8c: {  	[tilespmem:s29+$0x30] =	vst.add.f32.msk $0xffff, v1  }
0x8d: {  	(v2sf) =	vpush v0, $0x1;
	v1 =	vld [tilespmem:s30+$0x14B20];
	_ =	sdelay $0x4  }
0x8e: {  	v62 =	vshll.u32 v1, $0x10  }
0x8f: {  	v1 =	vand.u32 $0xFFFF0000, v1;
	[tilespmem:s29+$0x40] =	vst.add.f32.msk $0xffff, v62  }
0x90: {  	[tilespmem:s29+$0x50] =	vst.add.f32.msk $0xffff, v1  }
0x91: {  	v1 =	vld [tilespmem:s30+$0x14B30];
	_ =	sdelay $0x4  }
0x92: {  	v63 =	vshll.u32 v1, $0x10  }
0x93: {  	v1 =	vand.u32 $0xFFFF0000, v1;
	[tilespmem:s29+$0x60] =	vst.add.f32.msk $0xffff, v63  }
0x94: {  	s31 =	spop (v2sf);
	[tilespmem:s29+$0x70] =	vst.add.f32.msk $0xffff, v1  }
0x95: {  	v1 =	vld [tilespmem:s31+$0x14B00];
	_ =	sdelay $0x4  }
0x96: {  	v4 =	vshll.u32 v1, $0x10  }
0x97: {  	v1 =	vand.u32 $0xFFFF0000, v1;
	[tilespmem:s29+$0x80] =	vst.add.f32.msk $0xffff, v4  }
0x98: {  	[tilespmem:s29+$0x90] =	vst.add.f32.msk $0xffff, v1  }
0x99: {  	v1 =	vld [tilespmem:s31+$0x14B10];
	_ =	sdelay $0x4  }
0x9a: {  	v5 =	vshll.u32 v1, $0x10  }
0x9b: {  	v1 =	vand.u32 $0xFFFF0000, v1;
	[tilespmem:s29+$0xA0] =	vst.add.f32.msk $0xffff, v5  }
0x9c: {  	[tilespmem:s29+$0xB0] =	vst.add.f32.msk $0xffff, v1  }
0x9d: {  	(v2sf) =	vpush v0, $0x2;
	v1 =	vld [tilespmem:s31+$0x14B20];
	_ =	sdelay $0x4  }
0x9e: {  	v6 =	vshll.u32 v1, $0x10  }
0x9f: {  	v1 =	vand.u32 $0xFFFF0000, v1;
	[tilespmem:s29+$0xC0] =	vst.add.f32.msk $0xffff, v6  }
0xa0: {  	[tilespmem:s29+$0xD0] =	vst.add.f32.msk $0xffff, v1  }
0xa1: {  	v1 =	vld [tilespmem:s31+$0x14B30];
	_ =	sdelay $0x4  }
0xa2: {  	v7 =	vshll.u32 v1, $0x10  }
0xa3: {  	v1 =	vand.u32 $0xFFFF0000, v1;
	[tilespmem:s29+$0xE0] =	vst.add.f32.msk $0xffff, v7  }
0xa4: {  	s31 =	spop (v2sf);
	[tilespmem:s29+$0xF0] =	vst.add.f32.msk $0xffff, v1  }
0xa5: {  	v1 =	vld [tilespmem:s31+$0x14B00];
	_ =	sdelay $0x4  }
0xa6: {  	v8 =	vshll.u32 v1, $0x10  }
0xa7: {  	v1 =	vand.u32 $0xFFFF0000, v1;
	[tilespmem:s29+$0x100] =	vst.add.f32.msk $0xffff, v8  }
0xa8: {  	[tilespmem:s29+$0x110] =	vst.add.f32.msk $0xffff, v1  }
0xa9: {  	v1 =	vld [tilespmem:s31+$0x14B10];
	_ =	sdelay $0x4  }
0xaa: {  	v9 =	vshll.u32 v1, $0x10  }
0xab: {  	v1 =	vand.u32 $0xFFFF0000, v1;
	[tilespmem:s29+$0x120] =	vst.add.f32.msk $0xffff, v9  }
0xac: {  	[tilespmem:s29+$0x130] =	vst.add.f32.msk $0xffff, v1  }
0xad: {  	(v2sf) =	vpush v0, $0x3;
	v1 =	vld [tilespmem:s31+$0x14B20];
	_ =	sdelay $0x4  }
0xae: {  	v10 =	vshll.u32 v1, $0x10  }
0xaf: {  	v1 =	vand.u32 $0xFFFF0000, v1;
	[tilespmem:s29+$0x140] =	vst.add.f32.msk $0xffff, v10  }
0xb0: {  	[tilespmem:s29+$0x150] =	vst.add.f32.msk $0xffff, v1  }
0xb1: {  	v1 =	vld [tilespmem:s31+$0x14B30];
	_ =	sdelay $0x4  }
0xb2: {  	v11 =	vshll.u32 v1, $0x10  }
0xb3: {  	v1 =	vand.u32 $0xFFFF0000, v1;
	[tilespmem:s29+$0x160] =	vst.add.f32.msk $0xffff, v11  }
0xb4: {  	s31 =	spop (v2sf);
	[tilespmem:s29+$0x170] =	vst.add.f32.msk $0xffff, v1  }
0xb5: {  	v1 =	vld [tilespmem:s31+$0x14B00];
	_ =	sdelay $0x4  }
0xb6: {  	v12 =	vshll.u32 v1, $0x10  }
0xb7: {  	v1 =	vand.u32 $0xFFFF0000, v1;
	[tilespmem:s29+$0x180] =	vst.add.f32.msk $0xffff, v12  }
0xb8: {  	[tilespmem:s29+$0x190] =	vst.add.f32.msk $0xffff, v1  }
0xb9: {  	v1 =	vld [tilespmem:s31+$0x14B10];
	_ =	sdelay $0x4  }
0xba: {  	v13 =	vshll.u32 v1, $0x10  }
0xbb: {  	v1 =	vand.u32 $0xFFFF0000, v1;
	[tilespmem:s29+$0x1A0] =	vst.add.f32.msk $0xffff, v13  }
0xbc: {  	[tilespmem:s29+$0x1B0] =	vst.add.f32.msk $0xffff, v1  }
0xbd: {  	(v2sf) =	vpush v0, $0x4;
	v1 =	vld [tilespmem:s31+$0x14B20];
	_ =	sdelay $0x4  }
0xbe: {  	v14 =	vshll.u32 v1, $0x10  }
0xbf: {  	v1 =	vand.u32 $0xFFFF0000, v1;
	[tilespmem:s29+$0x1C0] =	vst.add.f32.msk $0xffff, v14  }
0xc0: {  	[tilespmem:s29+$0x1D0] =	vst.add.f32.msk $0xffff, v1  }
0xc1: {  	v1 =	vld [tilespmem:s31+$0x14B30];
	_ =	sdelay $0x4  }
0xc2: {  	v15 =	vshll.u32 v1, $0x10  }
0xc3: {  	v1 =	vand.u32 $0xFFFF0000, v1;
	[tilespmem:s29+$0x1E0] =	vst.add.f32.msk $0xffff, v15  }
0xc4: {  	s31 =	spop (v2sf);
	[tilespmem:s29+$0x1F0] =	vst.add.f32.msk $0xffff, v1  }
0xc5: {  	v1 =	vld [tilespmem:s31+$0x14B00];
	_ =	sdelay $0x4  }
0xc6: {  	v16 =	vshll.u32 v1, $0x10  }
0xc7: {  	v1 =	vand.u32 $0xFFFF0000, v1;
	[tilespmem:s29+$0x200] =	vst.add.f32.msk $0xffff, v16  }
0xc8: {  	[tilespmem:s29+$0x210] =	vst.add.f32.msk $0xffff, v1  }
0xc9: {  	v1 =	vld [tilespmem:s31+$0x14B10];
	_ =	sdelay $0x4  }
0xca: {  	v17 =	vshll.u32 v1, $0x10  }
0xcb: {  	v1 =	vand.u32 $0xFFFF0000, v1;
	[tilespmem:s29+$0x220] =	vst.add.f32.msk $0xffff, v17  }
0xcc: {  	[tilespmem:s29+$0x230] =	vst.add.f32.msk $0xffff, v1  }
0xcd: {  	(v2sf) =	vpush v0, $0x5;
	v1 =	vld [tilespmem:s31+$0x14B20];
	_ =	sdelay $0x4  }
0xce: {  	v18 =	vshll.u32 v1, $0x10  }
0xcf: {  	v1 =	vand.u32 $0xFFFF0000, v1;
	[tilespmem:s29+$0x240] =	vst.add.f32.msk $0xffff, v18  }
0xd0: {  	[tilespmem:s29+$0x250] =	vst.add.f32.msk $0xffff, v1  }
0xd1: {  	v1 =	vld [tilespmem:s31+$0x14B30];
	_ =	sdelay $0x4  }
0xd2: {  	v19 =	vshll.u32 v1, $0x10  }
0xd3: {  	v1 =	vand.u32 $0xFFFF0000, v1;
	[tilespmem:s29+$0x260] =	vst.add.f32.msk $0xffff, v19  }
0xd4: {  	s31 =	spop (v2sf);
	[tilespmem:s29+$0x270] =	vst.add.f32.msk $0xffff, v1  }
0xd5: {  	v1 =	vld [tilespmem:s31+$0x14B00];
	_ =	sdelay $0x4  }
0xd6: {  	v20 =	vshll.u32 v1, $0x10  }
0xd7: {  	v1 =	vand.u32 $0xFFFF0000, v1;
	[tilespmem:s29+$0x280] =	vst.add.f32.msk $0xffff, v20  }
0xd8: {  	[tilespmem:s29+$0x290] =	vst.add.f32.msk $0xffff, v1  }
0xd9: {  	v1 =	vld [tilespmem:s31+$0x14B10];
	_ =	sdelay $0x4  }
0xda: {  	v21 =	vshll.u32 v1, $0x10  }
0xdb: {  	v1 =	vand.u32 $0xFFFF0000, v1;
	[tilespmem:s29+$0x2A0] =	vst.add.f32.msk $0xffff, v21  }
0xdc: {  	[tilespmem:s29+$0x2B0] =	vst.add.f32.msk $0xffff, v1  }
0xdd: {  	(v2sf) =	vpush v0, $0x6;
	v1 =	vld [tilespmem:s31+$0x14B20];
	_ =	sdelay $0x4  }
0xde: {  	v22 =	vshll.u32 v1, $0x10  }
0xdf: {  	v1 =	vand.u32 $0xFFFF0000, v1;
	[tilespmem:s29+$0x2C0] =	vst.add.f32.msk $0xffff, v22  }
0xe0: {  	[tilespmem:s29+$0x2D0] =	vst.add.f32.msk $0xffff, v1  }
0xe1: {  	v1 =	vld [tilespmem:s31+$0x14B30];
	_ =	sdelay $0x4  }
0xe2: {  	v23 =	vshll.u32 v1, $0x10  }
0xe3: {  	v1 =	vand.u32 $0xFFFF0000, v1;
	[tilespmem:s29+$0x2E0] =	vst.add.f32.msk $0xffff, v23  }
0xe4: {  	s31 =	spop (v2sf);
	[tilespmem:s29+$0x2F0] =	vst.add.f32.msk $0xffff, v1  }
0xe5: {  	v1 =	vld [tilespmem:s31+$0x14B00];
	_ =	sdelay $0x4  }
0xe6: {  	v24 =	vshll.u32 v1, $0x10  }
0xe7: {  	v1 =	vand.u32 $0xFFFF0000, v1;
	[tilespmem:s29+$0x300] =	vst.add.f32.msk $0xffff, v24  }
0xe8: {  	[tilespmem:s29+$0x310] =	vst.add.f32.msk $0xffff, v1  }
0xe9: {  	v1 =	vld [tilespmem:s31+$0x14B10];
	_ =	sdelay $0x4  }
0xea: {  	v25 =	vshll.u32 v1, $0x10  }
0xeb: {  	v1 =	vand.u32 $0xFFFF0000, v1;
	[tilespmem:s29+$0x320] =	vst.add.f32.msk $0xffff, v25  }
0xec: {  	[tilespmem:s29+$0x330] =	vst.add.f32.msk $0xffff, v1  }
0xed: {  	(v2sf) =	vpush v0, $0x7;
	v1 =	vld [tilespmem:s31+$0x14B20];
	_ =	sdelay $0x4  }
0xee: {  	v26 =	vshll.u32 v1, $0x10  }
0xef: {  	v1 =	vand.u32 $0xFFFF0000, v1;
	[tilespmem:s29+$0x340] =	vst.add.f32.msk $0xffff, v26  }
0xf0: {  	[tilespmem:s29+$0x350] =	vst.add.f32.msk $0xffff, v1  }
0xf1: {  	v1 =	vld [tilespmem:s31+$0x14B30];
	_ =	sdelay $0x4  }
0xf2: {  	v27 =	vshll.u32 v1, $0x10  }
0xf3: {  	v1 =	vand.u32 $0xFFFF0000, v1;
	[tilespmem:s29+$0x360] =	vst.add.f32.msk $0xffff, v27  }
0xf4: {  	s31 =	spop (v2sf);
	[tilespmem:s29+$0x370] =	vst.add.f32.msk $0xffff, v1  }
0xf5: {  	v1 =	vld [tilespmem:s31+$0x14B00];
	_ =	sdelay $0x4  }
0xf6: {  	v28 =	vshll.u32 v1, $0x10  }
0xf7: {  	v1 =	vand.u32 $0xFFFF0000, v1;
	[tilespmem:s29+$0x380] =	vst.add.f32.msk $0xffff, v28  }
0xf8: {  	[tilespmem:s29+$0x390] =	vst.add.f32.msk $0xffff, v1  }
0xf9: {  	v1 =	vld [tilespmem:s31+$0x14B10];
	_ =	sdelay $0x4  }
0xfa: {  	v29 =	vshll.u32 v1, $0x10  }
0xfb: {  	v1 =	vand.u32 $0xFFFF0000, v1;
	[tilespmem:s29+$0x3A0] =	vst.add.f32.msk $0xffff, v29  }
0xfc: {  	[tilespmem:s29+$0x3B0] =	vst.add.f32.msk $0xffff, v1  }
0xfd: {  	(v2sf) =	vpush v0, $0x8;
	v1 =	vld [tilespmem:s31+$0x14B20];
	_ =	sdelay $0x4  }
0xfe: {  	v30 =	vshll.u32 v1, $0x10  }
0xff: {  	v1 =	vand.u32 $0xFFFF0000, v1;
	[tilespmem:s29+$0x3C0] =	vst.add.f32.msk $0xffff, v30  }
0x100: {  	[tilespmem:s29+$0x3D0] =	vst.add.f32.msk $0xffff, v1  }
0x101: {  	v1 =	vld [tilespmem:s31+$0x14B30];
	_ =	sdelay $0x4  }
0x102: {  	v31 =	vshll.u32 v1, $0x10  }
0x103: {  	v1 =	vand.u32 $0xFFFF0000, v1;
	[tilespmem:s29+$0x3E0] =	vst.add.f32.msk $0xffff, v31  }
0x104: {  	s31 =	spop (v2sf);
	[tilespmem:s29+$0x3F0] =	vst.add.f32.msk $0xffff, v1  }
0x105: {  	v1 =	vld [tilespmem:s31+$0x14B00];
	_ =	sdelay $0x4  }
0x106: {  	v32 =	vshll.u32 v1, $0x10  }
0x107: {  	v1 =	vand.u32 $0xFFFF0000, v1;
	[tilespmem:s29+$0x400] =	vst.add.f32.msk $0xffff, v32  }
0x108: {  	[tilespmem:s29+$0x410] =	vst.add.f32.msk $0xffff, v1  }
0x109: {  	v1 =	vld [tilespmem:s31+$0x14B10];
	_ =	sdelay $0x4  }
0x10a: {  	v33 =	vshll.u32 v1, $0x10  }
0x10b: {  	v1 =	vand.u32 $0xFFFF0000, v1;
	[tilespmem:s29+$0x420] =	vst.add.f32.msk $0xffff, v33  }
0x10c: {  	[tilespmem:s29+$0x430] =	vst.add.f32.msk $0xffff, v1  }
0x10d: {  	(v2sf) =	vpush v0, $0x9;
	v1 =	vld [tilespmem:s31+$0x14B20];
	_ =	sdelay $0x4  }
0x10e: {  	v34 =	vshll.u32 v1, $0x10  }
0x10f: {  	v1 =	vand.u32 $0xFFFF0000, v1;
	[tilespmem:s29+$0x440] =	vst.add.f32.msk $0xffff, v34  }
0x110: {  	[tilespmem:s29+$0x450] =	vst.add.f32.msk $0xffff, v1  }
0x111: {  	v1 =	vld [tilespmem:s31+$0x14B30];
	_ =	sdelay $0x4  }
0x112: {  	v35 =	vshll.u32 v1, $0x10  }
0x113: {  	v1 =	vand.u32 $0xFFFF0000, v1;
	[tilespmem:s29+$0x460] =	vst.add.f32.msk $0xffff, v35  }
0x114: {  	s31 =	spop (v2sf);
	[tilespmem:s29+$0x470] =	vst.add.f32.msk $0xffff, v1  }
0x115: {  	v1 =	vld [tilespmem:s31+$0x14B00];
	_ =	sdelay $0x4  }
0x116: {  	v36 =	vshll.u32 v1, $0x10  }
0x117: {  	v1 =	vand.u32 $0xFFFF0000, v1;
	[tilespmem:s29+$0x480] =	vst.add.f32.msk $0xffff, v36  }
0x118: {  	[tilespmem:s29+$0x490] =	vst.add.f32.msk $0xffff, v1  }
0x119: {  	v1 =	vld [tilespmem:s31+$0x14B10];
	_ =	sdelay $0x4  }
0x11a: {  	v37 =	vshll.u32 v1, $0x10  }
0x11b: {  	v1 =	vand.u32 $0xFFFF0000, v1;
	[tilespmem:s29+$0x4A0] =	vst.add.f32.msk $0xffff, v37  }
0x11c: {  	[tilespmem:s29+$0x4B0] =	vst.add.f32.msk $0xffff, v1  }
0x11d: {  	(v2sf) =	vpush v0, $0xA;
	v1 =	vld [tilespmem:s31+$0x14B20];
	_ =	sdelay $0x4  }
0x11e: {  	v38 =	vshll.u32 v1, $0x10  }
0x11f: {  	v1 =	vand.u32 $0xFFFF0000, v1;
	[tilespmem:s29+$0x4C0] =	vst.add.f32.msk $0xffff, v38  }
0x120: {  	[tilespmem:s29+$0x4D0] =	vst.add.f32.msk $0xffff, v1  }
0x121: {  	v1 =	vld [tilespmem:s31+$0x14B30];
	_ =	sdelay $0x4  }
0x122: {  	v39 =	vshll.u32 v1, $0x10  }
0x123: {  	v1 =	vand.u32 $0xFFFF0000, v1;
	[tilespmem:s29+$0x4E0] =	vst.add.f32.msk $0xffff, v39  }
0x124: {  	s31 =	spop (v2sf);
	[tilespmem:s29+$0x4F0] =	vst.add.f32.msk $0xffff, v1  }
0x125: {  	v1 =	vld [tilespmem:s31+$0x14B00];
	_ =	sdelay $0x4  }
0x126: {  	v40 =	vshll.u32 v1, $0x10  }
0x127: {  	v1 =	vand.u32 $0xFFFF0000, v1;
	[tilespmem:s29+$0x500] =	vst.add.f32.msk $0xffff, v40  }
0x128: {  	[tilespmem:s29+$0x510] =	vst.add.f32.msk $0xffff, v1  }
0x129: {  	v1 =	vld [tilespmem:s31+$0x14B10];
	_ =	sdelay $0x4  }
0x12a: {  	v41 =	vshll.u32 v1, $0x10  }
0x12b: {  	v1 =	vand.u32 $0xFFFF0000, v1;
	[tilespmem:s29+$0x520] =	vst.add.f32.msk $0xffff, v41  }
0x12c: {  	[tilespmem:s29+$0x530] =	vst.add.f32.msk $0xffff, v1  }
0x12d: {  	(v2sf) =	vpush v0, $0xB;
	v1 =	vld [tilespmem:s31+$0x14B20];
	_ =	sdelay $0x4  }
0x12e: {  	v42 =	vshll.u32 v1, $0x10  }
0x12f: {  	v1 =	vand.u32 $0xFFFF0000, v1;
	[tilespmem:s29+$0x540] =	vst.add.f32.msk $0xffff, v42  }
0x130: {  	[tilespmem:s29+$0x550] =	vst.add.f32.msk $0xffff, v1  }
0x131: {  	v1 =	vld [tilespmem:s31+$0x14B30];
	_ =	sdelay $0x4  }
0x132: {  	v43 =	vshll.u32 v1, $0x10  }
0x133: {  	v1 =	vand.u32 $0xFFFF0000, v1;
	[tilespmem:s29+$0x560] =	vst.add.f32.msk $0xffff, v43  }
0x134: {  	s31 =	spop (v2sf);
	[tilespmem:s29+$0x570] =	vst.add.f32.msk $0xffff, v1  }
0x135: {  	v1 =	vld [tilespmem:s31+$0x14B00];
	_ =	sdelay $0x4  }
0x136: {  	v44 =	vshll.u32 v1, $0x10  }
0x137: {  	v1 =	vand.u32 $0xFFFF0000, v1;
	[tilespmem:s29+$0x580] =	vst.add.f32.msk $0xffff, v44  }
0x138: {  	[tilespmem:s29+$0x590] =	vst.add.f32.msk $0xffff, v1  }
0x139: {  	v1 =	vld [tilespmem:s31+$0x14B10];
	_ =	sdelay $0x4  }
0x13a: {  	v45 =	vshll.u32 v1, $0x10  }
0x13b: {  	v1 =	vand.u32 $0xFFFF0000, v1;
	[tilespmem:s29+$0x5A0] =	vst.add.f32.msk $0xffff, v45  }
0x13c: {  	[tilespmem:s29+$0x5B0] =	vst.add.f32.msk $0xffff, v1  }
0x13d: {  	(v2sf) =	vpush v0, $0xC;
	v1 =	vld [tilespmem:s31+$0x14B20];
	_ =	sdelay $0x4  }
0x13e: {  	v46 =	vshll.u32 v1, $0x10  }
0x13f: {  	v1 =	vand.u32 $0xFFFF0000, v1;
	[tilespmem:s29+$0x5C0] =	vst.add.f32.msk $0xffff, v46  }
0x140: {  	[tilespmem:s29+$0x5D0] =	vst.add.f32.msk $0xffff, v1  }
0x141: {  	v1 =	vld [tilespmem:s31+$0x14B30];
	_ =	sdelay $0x4  }
0x142: {  	v47 =	vshll.u32 v1, $0x10  }
0x143: {  	v1 =	vand.u32 $0xFFFF0000, v1;
	[tilespmem:s29+$0x5E0] =	vst.add.f32.msk $0xffff, v47  }
0x144: {  	s31 =	spop (v2sf);
	[tilespmem:s29+$0x5F0] =	vst.add.f32.msk $0xffff, v1  }
0x145: {  	v1 =	vld [tilespmem:s31+$0x14B00];
	_ =	sdelay $0x4  }
0x146: {  	v48 =	vshll.u32 v1, $0x10  }
0x147: {  	v1 =	vand.u32 $0xFFFF0000, v1;
	[tilespmem:s29+$0x600] =	vst.add.f32.msk $0xffff, v48  }
0x148: {  	[tilespmem:s29+$0x610] =	vst.add.f32.msk $0xffff, v1  }
0x149: {  	v1 =	vld [tilespmem:s31+$0x14B10];
	_ =	sdelay $0x4  }
0x14a: {  	v49 =	vshll.u32 v1, $0x10  }
0x14b: {  	v1 =	vand.u32 $0xFFFF0000, v1;
	[tilespmem:s29+$0x620] =	vst.add.f32.msk $0xffff, v49  }
0x14c: {  	[tilespmem:s29+$0x630] =	vst.add.f32.msk $0xffff, v1  }
0x14d: {  	(v2sf) =	vpush v0, $0xD;
	v1 =	vld [tilespmem:s31+$0x14B20];
	_ =	sdelay $0x4  }
0x14e: {  	v50 =	vshll.u32 v1, $0x10  }
0x14f: {  	v1 =	vand.u32 $0xFFFF0000, v1;
	[tilespmem:s29+$0x640] =	vst.add.f32.msk $0xffff, v50  }
0x150: {  	[tilespmem:s29+$0x650] =	vst.add.f32.msk $0xffff, v1  }
0x151: {  	v1 =	vld [tilespmem:s31+$0x14B30];
	_ =	sdelay $0x4  }
0x152: {  	v51 =	vshll.u32 v1, $0x10  }
0x153: {  	v1 =	vand.u32 $0xFFFF0000, v1;
	[tilespmem:s29+$0x660] =	vst.add.f32.msk $0xffff, v51  }
0x154: {  	s31 =	spop (v2sf);
	[tilespmem:s29+$0x670] =	vst.add.f32.msk $0xffff, v1  }
0x155: {  	v1 =	vld [tilespmem:s31+$0x14B00];
	_ =	sdelay $0x4  }
0x156: {  	v52 =	vshll.u32 v1, $0x10  }
0x157: {  	v1 =	vand.u32 $0xFFFF0000, v1;
	[tilespmem:s29+$0x680] =	vst.add.f32.msk $0xffff, v52  }
0x158: {  	[tilespmem:s29+$0x690] =	vst.add.f32.msk $0xffff, v1  }
0x159: {  	v1 =	vld [tilespmem:s31+$0x14B10];
	_ =	sdelay $0x4  }
0x15a: {  	v53 =	vshll.u32 v1, $0x10  }
0x15b: {  	v1 =	vand.u32 $0xFFFF0000, v1;
	[tilespmem:s29+$0x6A0] =	vst.add.f32.msk $0xffff, v53  }
0x15c: {  	[tilespmem:s29+$0x6B0] =	vst.add.f32.msk $0xffff, v1  }
0x15d: {  	(v2sf) =	vpush v0, $0xE;
	v1 =	vld [tilespmem:s31+$0x14B20];
	_ =	sdelay $0x4  }
0x15e: {  	v54 =	vshll.u32 v1, $0x10  }
0x15f: {  	v1 =	vand.u32 $0xFFFF0000, v1;
	[tilespmem:s29+$0x6C0] =	vst.add.f32.msk $0xffff, v54  }
0x160: {  	[tilespmem:s29+$0x6D0] =	vst.add.f32.msk $0xffff, v1  }
0x161: {  	v1 =	vld [tilespmem:s31+$0x14B30];
	_ =	sdelay $0x4  }
0x162: {  	v55 =	vshll.u32 v1, $0x10  }
0x163: {  	v1 =	vand.u32 $0xFFFF0000, v1;
	[tilespmem:s29+$0x6E0] =	vst.add.f32.msk $0xffff, v55  }
0x164: {  	s31 =	spop (v2sf);
	[tilespmem:s29+$0x6F0] =	vst.add.f32.msk $0xffff, v1  }
0x165: {  	v1 =	vld [tilespmem:s31+$0x14B00];
	_ =	sdelay $0x4  }
0x166: {  	v56 =	vshll.u32 v1, $0x10  }
0x167: {  	v1 =	vand.u32 $0xFFFF0000, v1;
	[tilespmem:s29+$0x700] =	vst.add.f32.msk $0xffff, v56  }
0x168: {  	[tilespmem:s29+$0x710] =	vst.add.f32.msk $0xffff, v1  }
0x169: {  	v1 =	vld [tilespmem:s31+$0x14B10];
	_ =	sdelay $0x4  }
0x16a: {  	v57 =	vshll.u32 v1, $0x10  }
0x16b: {  	v1 =	vand.u32 $0xFFFF0000, v1;
	[tilespmem:s29+$0x720] =	vst.add.f32.msk $0xffff, v57  }
0x16c: {  	[tilespmem:s29+$0x730] =	vst.add.f32.msk $0xffff, v1  }
0x16d: {  	(v2sf) =	vpush v0, $0xF;
	v1 =	vld [tilespmem:s31+$0x14B20];
	_ =	sdelay $0x4  }
0x16e: {  	v58 =	vshll.u32 v1, $0x10  }
0x16f: {  	v1 =	vand.u32 $0xFFFF0000, v1;
	[tilespmem:s29+$0x740] =	vst.add.f32.msk $0xffff, v58  }
0x170: {  	[tilespmem:s29+$0x750] =	vst.add.f32.msk $0xffff, v1  }
0x171: {  	v0 =	vld [tilespmem:s31+$0x14B30];
	_ =	sdelay $0x4  }
0x172: {  	v59 =	vshll.u32 v0, $0x10  }
0x173: {  	v0 =	vand.u32 $0xFFFF0000, v0;
	[tilespmem:s29+$0x760] =	vst.add.f32.msk $0xffff, v59  }
0x174: {  	s31 =	spop (v2sf);
	[tilespmem:s29+$0x770] =	vst.add.f32.msk $0xffff, v0  }
0x175: {  	v0 =	vld [tilespmem:s31+$0x14B00];
	_ =	sdelay $0x4  }
0x176: {  	v60 =	vshll.u32 v0, $0x10  }
0x177: {  	v0 =	vand.u32 $0xFFFF0000, v0;
	[tilespmem:s29+$0x780] =	vst.add.f32.msk $0xffff, v60  }
0x178: {  	[tilespmem:s29+$0x790] =	vst.add.f32.msk $0xffff, v0  }
0x179: {  	v0 =	vld [tilespmem:s31+$0x14B10];
	_ =	sdelay $0x4  }
0x17a: {  	v61 =	vshll.u32 v0, $0x10  }
0x17b: {  	v0 =	vand.u32 $0xFFFF0000, v0;
	[tilespmem:s29+$0x7A0] =	vst.add.f32.msk $0xffff, v61  }
0x17c: {  	[tilespmem:s29+$0x7B0] =	vst.add.f32.msk $0xffff, v0  }
0x17d: {  	v0 =	vld [tilespmem:s31+$0x14B20];
	_ =	sdelay $0x4  }
0x17e: {  	v62 =	vshll.u32 v0, $0x10  }
0x17f: {  	v0 =	vand.u32 $0xFFFF0000, v0;
	[tilespmem:s29+$0x7C0] =	vst.add.f32.msk $0xffff, v62  }
0x180: {  	[tilespmem:s29+$0x7D0] =	vst.add.f32.msk $0xffff, v0  }
0x181: {  	v0 =	vld [tilespmem:s31+$0x14B30];
	_ =	sdelay $0x1  }
0x182: {  	p0 =	sne.s32 s28, $0xE000  }
.Ltmp1:
0x183: {  	_ = 	snop;
	(pc) =	sbr.rel @p0 .LBB2_5-.Ltmp1, $4  }
0x184: {  	_ = 	snop  }
0x185: {  	v63 =	vshll.u32 v0, $0x10  }
0x186: {  	v0 =	vand.u32 $0xFFFF0000, v0;
	[tilespmem:s29+$0x7E0] =	vst.add.f32.msk $0xffff, v63  }
0x187: {  	s26 =	sadd.s32 $0x10, s26;
	s28 =	sadd.s32 $0x2000, s28;
	[tilespmem:s29+$0x7F0] =	vst.add.f32.msk $0xffff, v0  }
0x188: {  	s25 =	sshll.u32 s23, $0xE;
	s23 =	sadd.s32 $0x1, s23  }
0x189: {  	p0 =	sne.s32 s23, $0x32  }
.Ltmp2:
0x18a: {  	_ = 	snop;
	(pc) =	sbr.rel @p0 .LBB2_4-.Ltmp2, $4  }
0x18b: {  	s25 =	sadd.s32 s9, s25  }
0x18c: {  	s24 =	sshll.u32 s24, $0x7;
	s21 =	sadd.s32 $0x1, s21;
	s25 =	sshrl.u32 s25, $0x3  }
0x18d: {  	s22 =	sadd.s32 $0x80, s22;
	s24 =	sadd.s32 $0x4B00, s24;
	s25 =	sadd.s32 s4, s25  }
0x18e: {  	[hbm4b:s25+s5] =	stream.linear.scatter [tilespmem:s24], [sflag:$0x2], $0x4000, $0x38;
	[tilespmem:$0x1AF00] =	vst v63  }
0x18f: {  	_ =	swait.ge [sflag:s19], $0x4000  }
0x190: {  	[sflag:s19] =	ssyncset.done $0x0  }
0x191: {  	[sflag:s19] =	ssyncadd.s32 $0xFFFFC000  }
0x192: {  	_ =	swait.ge [sflag:s19], $0x4000  }
0x193: {  	[sflag:s19] =	ssyncset.done $0x0  }
0x194: {  	s20 =	sadd.s32 $0x1, s20;
	[sflag:s19] =	ssyncadd.s32 $0xFFFFC000  }
0x195: {  	p0 =	sne.s32 s20, s10;
	_ =	swait.ge [sflag:s19], $0x4000  }
.Ltmp3:
0x196: {  	[sflag:s19] =	ssyncset.done $0x0;
	(pc) =	sbr.rel @p0 .LBB2_1-.Ltmp3, $4  }
0x197: {  	[sflag:s19] =	ssyncadd.s32 $0xFFFFC000  }
0x198: {  	_ =	swait.ge [sflag:s19], $0x4000  }
0x199: {  	[sflag:s19] =	ssyncset.done $0x0  }
0x19a: {  	[sflag:s19] =	ssyncadd.s32 $0xFFFFC000  }
0x19b: {  	_ =	sfence.sel $0x180000  }
0x19c: {  	[bflag:$0x0] =	sbarrier.arrive $0xFFFF  }
0x19d: {  	p0 =	sne.s32 s0, $0x0;
	_ =	strace $0x90000047  }
0x19e: {  	s0 =	sadd.s32 @!p0 $0x100000, s2;
	[bflag:$0x2] =	sbarrier.arrive $0xFFFF  }
0x19f: {  	[sflag:s0] =	ssyncadd.tile.s32 @!p0 $0x1;
	_ =	shalt  }
.Lfunc_end2:
_tile_overlayer_lowered:
.L_overlay_start_2:
0x1a0: {  	(tag) =	ssettag $0x2  }
0x1a1: {  	s0 =	rddreg [dreg:$0x0];
	s2 =	stileid.u32  }
0x1a2: {  	s1 =	rddreg [dreg:$0x1];
	p0 =	sne.s32 s2, $0x0  }
0x1a3: {  	s3 =	rddreg [dreg:$0x2];
	[bflag:$0x3] =	sbarrier.arrive $0xFFFF;
	s2 =	simm.s32 @!p0 $0x1C03  }
0x1a4: {  	[timem:s3], [sflag:s2] =	dma.local @!p0 [hbm:s0], s1  }
0x1a5: {  	s0 =	simm.s32 @!p0 $0x3  }
0x1a6: {  	_ =	swait.ge @!p0 [sflag:s0], s1  }
0x1a7: {  	s1 =	ssub.s32 @!p0 $0x0, s1;
	[sflag:s0] =	ssyncset.done @!p0 $0x0  }
0x1a8: {  	[sflag:s0] =	ssyncadd.s32 @!p0 s1  }
0x1a9: {  	[bflag:$0x3] =	sbarrier.arrive $0xFFFF  }
0x1aa: {  	_ =	shalt  }

</sc_bundles>
